<compile_context>
chip_gen: v7x
topology: tpu7x:2x2x1
jax: 0.10.2.dev20260603
libtpu: 0.0.44.dev20260713+nightly
codegen_flags: <defaults>
</compile_context>

<pallas_src>
import functools

import jax
import jax.numpy as jnp
from jax import lax
from jax.experimental import pallas as pl
from jax.experimental.pallas import tpu as pltpu
from jax.experimental.pallas import tpu_sc as plsc

NC = 2
NS = 16
NW = NC * NS

CHUNK = 80
CHUNKS_PER_TILE = 128
IDXBLK = 32
NBUF = 3
TOT_CHUNKS = NW * CHUNKS_PER_TILE
E_PAD = TOT_CHUNKS * CHUNK

N_NODES = 10000
D = 128
AGG_ROWS = 10240
ZERO_ROWS_PER_TILE = AGG_ROWS // NS

TC_BLOCK = 2000


def _pipeline(nchunks, nbuf, start, drain):
  for b in range(nbuf):
    start(b, b)
  steady = (nchunks - nbuf) // nbuf

  @pl.loop(0, steady)
  def _(g):
    for b in range(nbuf):
      j = g * nbuf + b
      drain(j, b)
      start(j + nbuf, b)

  for jj in range(steady * nbuf, nchunks):
    b = jj % nbuf
    drain(jj, b)
    if jj + nbuf < nchunks:
      start(jj + nbuf, b)


def _sc_aggregate(X, ia, ib, zb):
  mesh = plsc.VectorSubcoreMesh(core_axis_name="c", subcore_axis_name="s")

  @functools.partial(
      pl.kernel,
      out_type=jax.ShapeDtypeStruct((NC, AGG_ROWS, D), jnp.float32),
      mesh=mesh,
      scratch_types=[
          pltpu.VMEM((IDXBLK, CHUNK), jnp.int32),
          pltpu.VMEM((IDXBLK, CHUNK), jnp.int32),
          pltpu.VMEM((NBUF, CHUNK, D), jnp.float32),
          pltpu.VMEM_SHARED((AGG_ROWS, D), jnp.float32),
      ] + [pltpu.SemaphoreType.DMA] * NBUF,
  )
  def agg_kernel(x_hbm, ia_hbm, ib_hbm, zb_hbm, out_hbm,
                 ia_v, ib_v, rows_v, agg_sh, *sems):
    cid = lax.axis_index("c")
    sid = lax.axis_index("s")
    wid = cid * NS + sid
    slab = pl.ds(sid * ZERO_ROWS_PER_TILE, ZERO_ROWS_PER_TILE)

    pltpu.sync_copy(zb_hbm, rows_v.at[0])
    for q in range(ZERO_ROWS_PER_TILE // CHUNK):
      pltpu.sync_copy(
          rows_v.at[0],
          agg_sh.at[pl.ds(sid * ZERO_ROWS_PER_TILE + q * CHUNK, CHUNK)])
    plsc.subcore_barrier()

    def start(j, slot):
      pltpu.async_copy(x_hbm.at[ia_v.at[j]], rows_v.at[slot], sems[slot])

    def drain(j, slot):
      pltpu.make_async_copy(
          x_hbm.at[ia_v.at[j]], rows_v.at[slot], sems[slot]).wait()
      pltpu.sync_copy(rows_v.at[slot], agg_sh.at[ib_v.at[j]], add=True)

    for blk in range(CHUNKS_PER_TILE // IDXBLK):
      base = wid * CHUNKS_PER_TILE + blk * IDXBLK
      pltpu.sync_copy(ia_hbm.at[pl.ds(base, IDXBLK)], ia_v)
      pltpu.sync_copy(ib_hbm.at[pl.ds(base, IDXBLK)], ib_v)
      _pipeline(IDXBLK, NBUF, start, drain)

    plsc.subcore_barrier()
    pltpu.sync_copy(agg_sh.at[slab], out_hbm.at[cid, slab])

  return agg_kernel(X, ia, ib, zb)


def _tc_mlp_body(x_ref, agg_ref, wh_ref, bh_ref, wo_ref, bo_ref, o_ref):
  xa = x_ref[...] + agg_ref[0] + agg_ref[1]
  h = lax.dot_general(xa, wh_ref[...], (((1,), (0,)), ((), ())),
                      precision=lax.Precision.HIGHEST,
                      preferred_element_type=jnp.float32)
  h = jnp.maximum(h + bh_ref[...], 0.0)
  o = lax.dot_general(h, wo_ref[...], (((1,), (0,)), ((), ())),
                      precision=lax.Precision.HIGHEST,
                      preferred_element_type=jnp.float32)
  o_ref[...] = jnp.maximum(o + bo_ref[...], 0.0)


def _tc_mlp(X, agg2, W_hidden, b_hidden, W_out, b_out):
  n, d = X.shape
  grid = (n // TC_BLOCK,)
  return pl.pallas_call(
      _tc_mlp_body,
      grid=grid,
      in_specs=[
          pl.BlockSpec((TC_BLOCK, d), lambda i: (i, 0)),
          pl.BlockSpec((NC, TC_BLOCK, d), lambda i: (0, i, 0)),
          pl.BlockSpec(W_hidden.shape, lambda i: (0, 0)),
          pl.BlockSpec((1, d), lambda i: (0, 0)),
          pl.BlockSpec(W_out.shape, lambda i: (0, 0)),
          pl.BlockSpec((1, d), lambda i: (0, 0)),
      ],
      out_specs=pl.BlockSpec((TC_BLOCK, d), lambda i: (i, 0)),
      out_shape=jax.ShapeDtypeStruct((n, W_out.shape[1]), jnp.float32),
  )(X, agg2, W_hidden, b_hidden, W_out, b_out)


def kernel(X, ref_a, ref_b, v_map, v_count, W_hidden, b_hidden, W_out, b_out):
  e = ref_a.shape[0]
  pad = E_PAD - e
  ia = jnp.concatenate(
      [ref_a.astype(jnp.int32), jnp.zeros((pad,), jnp.int32)]
  ).reshape(TOT_CHUNKS, CHUNK)
  dummy = N_NODES + (jnp.arange(pad, dtype=jnp.int32) % (AGG_ROWS - N_NODES))
  ib = jnp.concatenate(
      [ref_b.astype(jnp.int32), dummy]
  ).reshape(TOT_CHUNKS, CHUNK)
  zb = jnp.zeros((CHUNK, D), jnp.float32)

  agg2 = _sc_aggregate(X, ia, ib, zb)
  out = _tc_mlp(X, agg2, W_hidden, b_hidden.reshape(1, -1),
                W_out, b_out.reshape(1, -1))
  return (out, ref_a, ref_b, v_map, v_count)

# --- scband reference (transcript-rebuilt; emitter-appended) ---
"""Pipeline reference for scband-ginlayer-73512660239033 (READ-ONLY COPY).

The authoritative reference and input builder live on the scoring server;
editing this copy changes nothing except your own understanding.
"""

import jax, jax.numpy as jnp
import numpy as np

N_NODES = 10000
N_EDGES = 320000
D_FEAT = 128
HIDDEN = 128
OUT = 128

def _glorot(key, shape):
    fan_in, fan_out = shape[0], shape[1]
    limit = np.sqrt(6.0 / (fan_in + fan_out))
    return jax.random.uniform(key, shape, dtype=jnp.float32, minval=-limit, maxval=limit)

def setup_inputs(seed: int = 0) -> dict:
    key = jax.random.key(seed)
    k_x, k_a, k_b, k_wh, k_wo = jax.random.split(key, 5)
    X = jax.random.normal(k_x, (N_NODES, D_FEAT), dtype=jnp.float32)
    ref_a = jax.random.randint(k_a, (N_EDGES,), 0, N_NODES, dtype=jnp.int64) if jax.config.jax_enable_x64 else jax.random.randint(k_a, (N_EDGES,), 0, N_NODES).astype(jnp.int32)
    ref_b = jax.random.randint(k_b, (N_EDGES,), 0, N_NODES, dtype=jnp.int64) if jax.config.jax_enable_x64 else jax.random.randint(k_b, (N_EDGES,), 0, N_NODES).astype(jnp.int32)
    v_map = jnp.arange(N_NODES)
    v_count = N_NODES
    W_hidden = _glorot(k_wh, (D_FEAT, HIDDEN))
    b_hidden = jnp.zeros((HIDDEN,), dtype=jnp.float32)
    W_out = _glorot(k_wo, (HIDDEN, OUT))
    b_out = jnp.zeros((OUT,), dtype=jnp.float32)
    return {"X": X, "ref_a": ref_a, "ref_b": ref_b, "v_map": v_map, "v_count": v_count,
            "W_hidden": W_hidden, "b_hidden": b_hidden, "W_out": W_out, "b_out": b_out}

def reference(X, ref_a, ref_b, v_map, v_count, W_hidden, b_hidden, W_out, b_out):
    # gin_convolution_compact: X_agg[i] = X[i] + sum_{edges (a->b), b==i} X[a]
    msgs = jnp.take(X, ref_a, axis=0)                       # gather over source nodes
    agg = jnp.zeros_like(X).at[ref_b].add(msgs)             # scatter-add to destination nodes
    X_agg = X + agg                                          # GIN: (1 + eps=0) * x + sum_neighbors
    X_hid = jnp.matmul(X_agg, W_hidden) + b_hidden
    X_hid = jax.nn.relu(X_hid)
    X_out = jnp.matmul(X_hid, W_out) + b_out
    X_out = jax.nn.relu(X_out)
    return (X_out, ref_a, ref_b, v_map, v_count)

if __name__ == "__main__":
    import jax
    _d = setup_inputs()
    print(jax.jit(kernel)(*tuple(_d.values())))

</pallas_src>

<mosaic_0001>
#map = affine_map<(d0, d1) -> (0, 0)>
#map1 = affine_map<(d0, d1) -> (0, 0, 0)>
module attributes {stable_mosaic.version = 14 : i64} {
  func.func @agg_kernel(%arg0: i32, %arg1: i32, %arg2: memref<10000x128xf32, #tpu.memory_space<hbm>>, %arg3: memref<4096x80xi32, #tpu.memory_space<hbm>>, %arg4: memref<4096x80xi32, #tpu.memory_space<hbm>>, %arg5: memref<80x128xf32, #tpu.memory_space<hbm>>, %arg6: memref<2x10240x128xf32, #tpu.memory_space<hbm>>, %arg7: memref<32x80xi32, #tpu.memory_space<vmem>>, %arg8: memref<32x80xi32, #tpu.memory_space<vmem>>, %arg9: memref<3x80x128xf32, #tpu.memory_space<vmem>>, %arg10: memref<10240x128xf32, #tpu.memory_space<vmem_shared>>, %arg11: memref<!tpu.dma_semaphore, #tpu.memory_space<semaphore_mem>>, %arg12: memref<!tpu.dma_semaphore, #tpu.memory_space<semaphore_mem>>, %arg13: memref<!tpu.dma_semaphore, #tpu.memory_space<semaphore_mem>>) attributes {dimension_semantics = [#tpu.dimension_semantics<core_parallel>, #tpu.dimension_semantics<subcore_parallel>], iteration_bounds = array<i64: 2, 16>, scalar_prefetch = 0 : i64, scratch_operands = 7 : i64, tpu.core_type = #tpu.core_type<sc_vector_subcore>, window_params = [{transform_indices = #map}, {transform_indices = #map}, {transform_indices = #map}, {transform_indices = #map}, {transform_indices = #map1}]} {
    %mul3A = arith.constant 16 : i32
    %mul3A_0 = arith.muli %arg0, %mul3A : i32
    %add3A = arith.addi %mul3A_0, %arg1 : i32
    %mul3A_1 = arith.constant 640 : i32
    %mul3A_2 = arith.muli %arg1, %mul3A_1 : i32
    %run_scoped3A = arith.constant 0 : i32
    "tpu.region"() ({
      %run_scoped3A_597 = tpu.sem_alloc : memref<!tpu.dma_semaphore, #tpu.memory_space<semaphore_mem>>
      %dma_start3A_598 = arith.constant 0 : i32
      %dma_start3A_599 = arith.constant 0 : i32
      %dma_start3A_600 = tpu.memref_slice %arg9[%run_scoped3A, %dma_start3A_598, %dma_start3A_599] : memref<3x80x128xf32, #tpu.memory_space<vmem>> -> memref<1x80x128xf32, #tpu.memory_space<vmem>>
      %dma_start3A_601 = tpu.memref_squeeze %dma_start3A_600 : memref<1x80x128xf32, #tpu.memory_space<vmem>> -> memref<80x128xf32, #tpu.memory_space<vmem>>
      %dma_start3A_602 = arith.constant 0 : i32
      %dma_start3A_603 = arith.constant 0 : i32
      %dma_start3A_604 = tpu.memref_slice %arg9[%run_scoped3A, %dma_start3A_602, %dma_start3A_603] : memref<3x80x128xf32, #tpu.memory_space<vmem>> -> memref<1x80x128xf32, #tpu.memory_space<vmem>>
      %dma_start3A_605 = tpu.memref_squeeze %dma_start3A_604 : memref<1x80x128xf32, #tpu.memory_space<vmem>> -> memref<80x128xf32, #tpu.memory_space<vmem>>
      tpu.enqueue_dma source(%arg5 : memref<80x128xf32, #tpu.memory_space<hbm>>) target(%dma_start3A_605 : memref<80x128xf32, #tpu.memory_space<vmem>>) target_semaphore(%run_scoped3A_597 : memref<!tpu.dma_semaphore, #tpu.memory_space<semaphore_mem>>)
      %dma_wait3A_606 = arith.constant 0 : i32
      %dma_wait3A_607 = arith.constant 0 : i32
      %dma_wait3A_608 = tpu.memref_slice %arg9[%run_scoped3A, %dma_wait3A_606, %dma_wait3A_607] : memref<3x80x128xf32, #tpu.memory_space<vmem>> -> memref<1x80x128xf32, #tpu.memory_space<vmem>>
      %dma_wait3A_609 = tpu.memref_squeeze %dma_wait3A_608 : memref<1x80x128xf32, #tpu.memory_space<vmem>> -> memref<80x128xf32, #tpu.memory_space<vmem>>
      %dma_wait3A_610 = arith.constant 0 : i32
      %dma_wait3A_611 = arith.constant 0 : i32
      %dma_wait3A_612 = tpu.memref_slice %arg9[%run_scoped3A, %dma_wait3A_610, %dma_wait3A_611] : memref<3x80x128xf32, #tpu.memory_space<vmem>> -> memref<1x80x128xf32, #tpu.memory_space<vmem>>
      %dma_wait3A_613 = tpu.memref_squeeze %dma_wait3A_612 : memref<1x80x128xf32, #tpu.memory_space<vmem>> -> memref<80x128xf32, #tpu.memory_space<vmem>>
      tpu.wait_dma2 semaphore(%run_scoped3A_597 : memref<!tpu.dma_semaphore, #tpu.memory_space<semaphore_mem>>) src(%arg5 : memref<80x128xf32, #tpu.memory_space<hbm>>) dst(%dma_wait3A_613 : memref<80x128xf32, #tpu.memory_space<vmem>>)
      tpu.yield
    }) : () -> ()
    %mul3A_3 = arith.constant 640 : i32
    %mul3A_4 = arith.muli %arg1, %mul3A_3 : i32
    %add3A_5 = arith.constant 0 : i32
    %add3A_6 = arith.addi %mul3A_4, %add3A_5 : i32
    %run_scoped3A_7 = arith.constant 0 : i32
    "tpu.region"() ({
      %run_scoped3A_597 = tpu.sem_alloc : memref<!tpu.dma_semaphore, #tpu.memory_space<semaphore_mem>>
      %dma_start3A_598 = arith.constant 0 : i32
      %dma_start3A_599 = arith.constant 0 : i32
      %dma_start3A_600 = tpu.memref_slice %arg9[%run_scoped3A_7, %dma_start3A_598, %dma_start3A_599] : memref<3x80x128xf32, #tpu.memory_space<vmem>> -> memref<1x80x128xf32, #tpu.memory_space<vmem>>
      %dma_start3A_601 = tpu.memref_squeeze %dma_start3A_600 : memref<1x80x128xf32, #tpu.memory_space<vmem>> -> memref<80x128xf32, #tpu.memory_space<vmem>>
      %dma_start3A_602 = arith.constant 0 : i32
      %dma_start3A_603 = tpu.memref_slice %arg10[%add3A_6, %dma_start3A_602] : memref<10240x128xf32, #tpu.memory_space<vmem_shared>> -> memref<80x128xf32, #tpu.memory_space<vmem_shared>>
      %dma_start3A_604 = arith.constant 0 : i32
      %dma_start3A_605 = tpu.memref_slice %arg10[%add3A_6, %dma_start3A_604] : memref<10240x128xf32, #tpu.memory_space<vmem_shared>> -> memref<80x128xf32, #tpu.memory_space<vmem_shared>>
      %dma_start3A_606 = arith.constant 0 : i32
      %dma_start3A_607 = arith.constant 0 : i32
      %dma_start3A_608 = tpu.memref_slice %arg9[%run_scoped3A_7, %dma_start3A_606, %dma_start3A_607] : memref<3x80x128xf32, #tpu.memory_space<vmem>> -> memref<1x80x128xf32, #tpu.memory_space<vmem>>
      %dma_start3A_609 = tpu.memref_squeeze %dma_start3A_608 : memref<1x80x128xf32, #tpu.memory_space<vmem>> -> memref<80x128xf32, #tpu.memory_space<vmem>>
      tpu.enqueue_dma source(%dma_start3A_609 : memref<80x128xf32, #tpu.memory_space<vmem>>) target(%dma_start3A_605 : memref<80x128xf32, #tpu.memory_space<vmem_shared>>) target_semaphore(%run_scoped3A_597 : memref<!tpu.dma_semaphore, #tpu.memory_space<semaphore_mem>>)
      %dma_wait3A_610 = arith.constant 0 : i32
      %dma_wait3A_611 = arith.constant 0 : i32
      %dma_wait3A_612 = tpu.memref_slice %arg9[%run_scoped3A_7, %dma_wait3A_610, %dma_wait3A_611] : memref<3x80x128xf32, #tpu.memory_space<vmem>> -> memref<1x80x128xf32, #tpu.memory_space<vmem>>
      %dma_wait3A_613 = tpu.memref_squeeze %dma_wait3A_612 : memref<1x80x128xf32, #tpu.memory_space<vmem>> -> memref<80x128xf32, #tpu.memory_space<vmem>>
      %dma_wait3A_614 = arith.constant 0 : i32
      %dma_wait3A_615 = tpu.memref_slice %arg10[%add3A_6, %dma_wait3A_614] : memref<10240x128xf32, #tpu.memory_space<vmem_shared>> -> memref<80x128xf32, #tpu.memory_space<vmem_shared>>
      %dma_wait3A_616 = arith.constant 0 : i32
      %dma_wait3A_617 = tpu.memref_slice %arg10[%add3A_6, %dma_wait3A_616] : memref<10240x128xf32, #tpu.memory_space<vmem_shared>> -> memref<80x128xf32, #tpu.memory_space<vmem_shared>>
      %dma_wait3A_618 = arith.constant 0 : i32
      %dma_wait3A_619 = arith.constant 0 : i32
      %dma_wait3A_620 = tpu.memref_slice %arg9[%run_scoped3A_7, %dma_wait3A_618, %dma_wait3A_619] : memref<3x80x128xf32, #tpu.memory_space<vmem>> -> memref<1x80x128xf32, #tpu.memory_space<vmem>>
      %dma_wait3A_621 = tpu.memref_squeeze %dma_wait3A_620 : memref<1x80x128xf32, #tpu.memory_space<vmem>> -> memref<80x128xf32, #tpu.memory_space<vmem>>
      tpu.wait_dma2 semaphore(%run_scoped3A_597 : memref<!tpu.dma_semaphore, #tpu.memory_space<semaphore_mem>>) src(%dma_wait3A_621 : memref<80x128xf32, #tpu.memory_space<vmem>>) dst(%dma_wait3A_617 : memref<80x128xf32, #tpu.memory_space<vmem_shared>>)
      tpu.yield
    }) : () -> ()
    %mul3A_8 = arith.constant 640 : i32
    %mul3A_9 = arith.muli %arg1, %mul3A_8 : i32
    %add3A_10 = arith.constant 80 : i32
    %add3A_11 = arith.addi %mul3A_9, %add3A_10 : i32
    %run_scoped3A_12 = arith.constant 0 : i32
    "tpu.region"() ({
      %run_scoped3A_597 = tpu.sem_alloc : memref<!tpu.dma_semaphore, #tpu.memory_space<semaphore_mem>>
      %dma_start3A_598 = arith.constant 0 : i32
      %dma_start3A_599 = arith.constant 0 : i32
      %dma_start3A_600 = tpu.memref_slice %arg9[%run_scoped3A_12, %dma_start3A_598, %dma_start3A_599] : memref<3x80x128xf32, #tpu.memory_space<vmem>> -> memref<1x80x128xf32, #tpu.memory_space<vmem>>
      %dma_start3A_601 = tpu.memref_squeeze %dma_start3A_600 : memref<1x80x128xf32, #tpu.memory_space<vmem>> -> memref<80x128xf32, #tpu.memory_space<vmem>>
      %dma_start3A_602 = arith.constant 0 : i32
      %dma_start3A_603 = tpu.memref_slice %arg10[%add3A_11, %dma_start3A_602] : memref<10240x128xf32, #tpu.memory_space<vmem_shared>> -> memref<80x128xf32, #tpu.memory_space<vmem_shared>>
      %dma_start3A_604 = arith.constant 0 : i32
      %dma_start3A_605 = tpu.memref_slice %arg10[%add3A_11, %dma_start3A_604] : memref<10240x128xf32, #tpu.memory_space<vmem_shared>> -> memref<80x128xf32, #tpu.memory_space<vmem_shared>>
      %dma_start3A_606 = arith.constant 0 : i32
      %dma_start3A_607 = arith.constant 0 : i32
      %dma_start3A_608 = tpu.memref_slice %arg9[%run_scoped3A_12, %dma_start3A_606, %dma_start3A_607] : memref<3x80x128xf32, #tpu.memory_space<vmem>> -> memref<1x80x128xf32, #tpu.memory_space<vmem>>
      %dma_start3A_609 = tpu.memref_squeeze %dma_start3A_608 : memref<1x80x128xf32, #tpu.memory_space<vmem>> -> memref<80x128xf32, #tpu.memory_space<vmem>>
      tpu.enqueue_dma source(%dma_start3A_609 : memref<80x128xf32, #tpu.memory_space<vmem>>) target(%dma_start3A_605 : memref<80x128xf32, #tpu.memory_space<vmem_shared>>) target_semaphore(%run_scoped3A_597 : memref<!tpu.dma_semaphore, #tpu.memory_space<semaphore_mem>>)
      %dma_wait3A_610 = arith.constant 0 : i32
      %dma_wait3A_611 = arith.constant 0 : i32
      %dma_wait3A_612 = tpu.memref_slice %arg9[%run_scoped3A_12, %dma_wait3A_610, %dma_wait3A_611] : memref<3x80x128xf32, #tpu.memory_space<vmem>> -> memref<1x80x128xf32, #tpu.memory_space<vmem>>
      %dma_wait3A_613 = tpu.memref_squeeze %dma_wait3A_612 : memref<1x80x128xf32, #tpu.memory_space<vmem>> -> memref<80x128xf32, #tpu.memory_space<vmem>>
      %dma_wait3A_614 = arith.constant 0 : i32
      %dma_wait3A_615 = tpu.memref_slice %arg10[%add3A_11, %dma_wait3A_614] : memref<10240x128xf32, #tpu.memory_space<vmem_shared>> -> memref<80x128xf32, #tpu.memory_space<vmem_shared>>
      %dma_wait3A_616 = arith.constant 0 : i32
      %dma_wait3A_617 = tpu.memref_slice %arg10[%add3A_11, %dma_wait3A_616] : memref<10240x128xf32, #tpu.memory_space<vmem_shared>> -> memref<80x128xf32, #tpu.memory_space<vmem_shared>>
      %dma_wait3A_618 = arith.constant 0 : i32
      %dma_wait3A_619 = arith.constant 0 : i32
      %dma_wait3A_620 = tpu.memref_slice %arg9[%run_scoped3A_12, %dma_wait3A_618, %dma_wait3A_619] : memref<3x80x128xf32, #tpu.memory_space<vmem>> -> memref<1x80x128xf32, #tpu.memory_space<vmem>>
      %dma_wait3A_621 = tpu.memref_squeeze %dma_wait3A_620 : memref<1x80x128xf32, #tpu.memory_space<vmem>> -> memref<80x128xf32, #tpu.memory_space<vmem>>
      tpu.wait_dma2 semaphore(%run_scoped3A_597 : memref<!tpu.dma_semaphore, #tpu.memory_space<semaphore_mem>>) src(%dma_wait3A_621 : memref<80x128xf32, #tpu.memory_space<vmem>>) dst(%dma_wait3A_617 : memref<80x128xf32, #tpu.memory_space<vmem_shared>>)
      tpu.yield
    }) : () -> ()
    %mul3A_13 = arith.constant 640 : i32
    %mul3A_14 = arith.muli %arg1, %mul3A_13 : i32
    %add3A_15 = arith.constant 160 : i32
    %add3A_16 = arith.addi %mul3A_14, %add3A_15 : i32
    %run_scoped3A_17 = arith.constant 0 : i32
    "tpu.region"() ({
      %run_scoped3A_597 = tpu.sem_alloc : memref<!tpu.dma_semaphore, #tpu.memory_space<semaphore_mem>>
      %dma_start3A_598 = arith.constant 0 : i32
      %dma_start3A_599 = arith.constant 0 : i32
      %dma_start3A_600 = tpu.memref_slice %arg9[%run_scoped3A_17, %dma_start3A_598, %dma_start3A_599] : memref<3x80x128xf32, #tpu.memory_space<vmem>> -> memref<1x80x128xf32, #tpu.memory_space<vmem>>
      %dma_start3A_601 = tpu.memref_squeeze %dma_start3A_600 : memref<1x80x128xf32, #tpu.memory_space<vmem>> -> memref<80x128xf32, #tpu.memory_space<vmem>>
      %dma_start3A_602 = arith.constant 0 : i32
      %dma_start3A_603 = tpu.memref_slice %arg10[%add3A_16, %dma_start3A_602] : memref<10240x128xf32, #tpu.memory_space<vmem_shared>> -> memref<80x128xf32, #tpu.memory_space<vmem_shared>>
      %dma_start3A_604 = arith.constant 0 : i32
      %dma_start3A_605 = tpu.memref_slice %arg10[%add3A_16, %dma_start3A_604] : memref<10240x128xf32, #tpu.memory_space<vmem_shared>> -> memref<80x128xf32, #tpu.memory_space<vmem_shared>>
      %dma_start3A_606 = arith.constant 0 : i32
      %dma_start3A_607 = arith.constant 0 : i32
      %dma_start3A_608 = tpu.memref_slice %arg9[%run_scoped3A_17, %dma_start3A_606, %dma_start3A_607] : memref<3x80x128xf32, #tpu.memory_space<vmem>> -> memref<1x80x128xf32, #tpu.memory_space<vmem>>
      %dma_start3A_609 = tpu.memref_squeeze %dma_start3A_608 : memref<1x80x128xf32, #tpu.memory_space<vmem>> -> memref<80x128xf32, #tpu.memory_space<vmem>>
      tpu.enqueue_dma source(%dma_start3A_609 : memref<80x128xf32, #tpu.memory_space<vmem>>) target(%dma_start3A_605 : memref<80x128xf32, #tpu.memory_space<vmem_shared>>) target_semaphore(%run_scoped3A_597 : memref<!tpu.dma_semaphore, #tpu.memory_space<semaphore_mem>>)
      %dma_wait3A_610 = arith.constant 0 : i32
      %dma_wait3A_611 = arith.constant 0 : i32
      %dma_wait3A_612 = tpu.memref_slice %arg9[%run_scoped3A_17, %dma_wait3A_610, %dma_wait3A_611] : memref<3x80x128xf32, #tpu.memory_space<vmem>> -> memref<1x80x128xf32, #tpu.memory_space<vmem>>
      %dma_wait3A_613 = tpu.memref_squeeze %dma_wait3A_612 : memref<1x80x128xf32, #tpu.memory_space<vmem>> -> memref<80x128xf32, #tpu.memory_space<vmem>>
      %dma_wait3A_614 = arith.constant 0 : i32
      %dma_wait3A_615 = tpu.memref_slice %arg10[%add3A_16, %dma_wait3A_614] : memref<10240x128xf32, #tpu.memory_space<vmem_shared>> -> memref<80x128xf32, #tpu.memory_space<vmem_shared>>
      %dma_wait3A_616 = arith.constant 0 : i32
      %dma_wait3A_617 = tpu.memref_slice %arg10[%add3A_16, %dma_wait3A_616] : memref<10240x128xf32, #tpu.memory_space<vmem_shared>> -> memref<80x128xf32, #tpu.memory_space<vmem_shared>>
      %dma_wait3A_618 = arith.constant 0 : i32
      %dma_wait3A_619 = arith.constant 0 : i32
      %dma_wait3A_620 = tpu.memref_slice %arg9[%run_scoped3A_17, %dma_wait3A_618, %dma_wait3A_619] : memref<3x80x128xf32, #tpu.memory_space<vmem>> -> memref<1x80x128xf32, #tpu.memory_space<vmem>>
      %dma_wait3A_621 = tpu.memref_squeeze %dma_wait3A_620 : memref<1x80x128xf32, #tpu.memory_space<vmem>> -> memref<80x128xf32, #tpu.memory_space<vmem>>
      tpu.wait_dma2 semaphore(%run_scoped3A_597 : memref<!tpu.dma_semaphore, #tpu.memory_space<semaphore_mem>>) src(%dma_wait3A_621 : memref<80x128xf32, #tpu.memory_space<vmem>>) dst(%dma_wait3A_617 : memref<80x128xf32, #tpu.memory_space<vmem_shared>>)
      tpu.yield
    }) : () -> ()
    %mul3A_18 = arith.constant 640 : i32
    %mul3A_19 = arith.muli %arg1, %mul3A_18 : i32
    %add3A_20 = arith.constant 240 : i32
    %add3A_21 = arith.addi %mul3A_19, %add3A_20 : i32
    %run_scoped3A_22 = arith.constant 0 : i32
    "tpu.region"() ({
      %run_scoped3A_597 = tpu.sem_alloc : memref<!tpu.dma_semaphore, #tpu.memory_space<semaphore_mem>>
      %dma_start3A_598 = arith.constant 0 : i32
      %dma_start3A_599 = arith.constant 0 : i32
      %dma_start3A_600 = tpu.memref_slice %arg9[%run_scoped3A_22, %dma_start3A_598, %dma_start3A_599] : memref<3x80x128xf32, #tpu.memory_space<vmem>> -> memref<1x80x128xf32, #tpu.memory_space<vmem>>
      %dma_start3A_601 = tpu.memref_squeeze %dma_start3A_600 : memref<1x80x128xf32, #tpu.memory_space<vmem>> -> memref<80x128xf32, #tpu.memory_space<vmem>>
      %dma_start3A_602 = arith.constant 0 : i32
      %dma_start3A_603 = tpu.memref_slice %arg10[%add3A_21, %dma_start3A_602] : memref<10240x128xf32, #tpu.memory_space<vmem_shared>> -> memref<80x128xf32, #tpu.memory_space<vmem_shared>>
      %dma_start3A_604 = arith.constant 0 : i32
      %dma_start3A_605 = tpu.memref_slice %arg10[%add3A_21, %dma_start3A_604] : memref<10240x128xf32, #tpu.memory_space<vmem_shared>> -> memref<80x128xf32, #tpu.memory_space<vmem_shared>>
      %dma_start3A_606 = arith.constant 0 : i32
      %dma_start3A_607 = arith.constant 0 : i32
      %dma_start3A_608 = tpu.memref_slice %arg9[%run_scoped3A_22, %dma_start3A_606, %dma_start3A_607] : memref<3x80x128xf32, #tpu.memory_space<vmem>> -> memref<1x80x128xf32, #tpu.memory_space<vmem>>
      %dma_start3A_609 = tpu.memref_squeeze %dma_start3A_608 : memref<1x80x128xf32, #tpu.memory_space<vmem>> -> memref<80x128xf32, #tpu.memory_space<vmem>>
      tpu.enqueue_dma source(%dma_start3A_609 : memref<80x128xf32, #tpu.memory_space<vmem>>) target(%dma_start3A_605 : memref<80x128xf32, #tpu.memory_space<vmem_shared>>) target_semaphore(%run_scoped3A_597 : memref<!tpu.dma_semaphore, #tpu.memory_space<semaphore_mem>>)
      %dma_wait3A_610 = arith.constant 0 : i32
      %dma_wait3A_611 = arith.constant 0 : i32
      %dma_wait3A_612 = tpu.memref_slice %arg9[%run_scoped3A_22, %dma_wait3A_610, %dma_wait3A_611] : memref<3x80x128xf32, #tpu.memory_space<vmem>> -> memref<1x80x128xf32, #tpu.memory_space<vmem>>
      %dma_wait3A_613 = tpu.memref_squeeze %dma_wait3A_612 : memref<1x80x128xf32, #tpu.memory_space<vmem>> -> memref<80x128xf32, #tpu.memory_space<vmem>>
      %dma_wait3A_614 = arith.constant 0 : i32
      %dma_wait3A_615 = tpu.memref_slice %arg10[%add3A_21, %dma_wait3A_614] : memref<10240x128xf32, #tpu.memory_space<vmem_shared>> -> memref<80x128xf32, #tpu.memory_space<vmem_shared>>
      %dma_wait3A_616 = arith.constant 0 : i32
      %dma_wait3A_617 = tpu.memref_slice %arg10[%add3A_21, %dma_wait3A_616] : memref<10240x128xf32, #tpu.memory_space<vmem_shared>> -> memref<80x128xf32, #tpu.memory_space<vmem_shared>>
      %dma_wait3A_618 = arith.constant 0 : i32
      %dma_wait3A_619 = arith.constant 0 : i32
      %dma_wait3A_620 = tpu.memref_slice %arg9[%run_scoped3A_22, %dma_wait3A_618, %dma_wait3A_619] : memref<3x80x128xf32, #tpu.memory_space<vmem>> -> memref<1x80x128xf32, #tpu.memory_space<vmem>>
      %dma_wait3A_621 = tpu.memref_squeeze %dma_wait3A_620 : memref<1x80x128xf32, #tpu.memory_space<vmem>> -> memref<80x128xf32, #tpu.memory_space<vmem>>
      tpu.wait_dma2 semaphore(%run_scoped3A_597 : memref<!tpu.dma_semaphore, #tpu.memory_space<semaphore_mem>>) src(%dma_wait3A_621 : memref<80x128xf32, #tpu.memory_space<vmem>>) dst(%dma_wait3A_617 : memref<80x128xf32, #tpu.memory_space<vmem_shared>>)
      tpu.yield
    }) : () -> ()
    %mul3A_23 = arith.constant 640 : i32
    %mul3A_24 = arith.muli %arg1, %mul3A_23 : i32
    %add3A_25 = arith.constant 320 : i32
    %add3A_26 = arith.addi %mul3A_24, %add3A_25 : i32
    %run_scoped3A_27 = arith.constant 0 : i32
    "tpu.region"() ({
      %run_scoped3A_597 = tpu.sem_alloc : memref<!tpu.dma_semaphore, #tpu.memory_space<semaphore_mem>>
      %dma_start3A_598 = arith.constant 0 : i32
      %dma_start3A_599 = arith.constant 0 : i32
      %dma_start3A_600 = tpu.memref_slice %arg9[%run_scoped3A_27, %dma_start3A_598, %dma_start3A_599] : memref<3x80x128xf32, #tpu.memory_space<vmem>> -> memref<1x80x128xf32, #tpu.memory_space<vmem>>
      %dma_start3A_601 = tpu.memref_squeeze %dma_start3A_600 : memref<1x80x128xf32, #tpu.memory_space<vmem>> -> memref<80x128xf32, #tpu.memory_space<vmem>>
      %dma_start3A_602 = arith.constant 0 : i32
      %dma_start3A_603 = tpu.memref_slice %arg10[%add3A_26, %dma_start3A_602] : memref<10240x128xf32, #tpu.memory_space<vmem_shared>> -> memref<80x128xf32, #tpu.memory_space<vmem_shared>>
      %dma_start3A_604 = arith.constant 0 : i32
      %dma_start3A_605 = tpu.memref_slice %arg10[%add3A_26, %dma_start3A_604] : memref<10240x128xf32, #tpu.memory_space<vmem_shared>> -> memref<80x128xf32, #tpu.memory_space<vmem_shared>>
      %dma_start3A_606 = arith.constant 0 : i32
      %dma_start3A_607 = arith.constant 0 : i32
      %dma_start3A_608 = tpu.memref_slice %arg9[%run_scoped3A_27, %dma_start3A_606, %dma_start3A_607] : memref<3x80x128xf32, #tpu.memory_space<vmem>> -> memref<1x80x128xf32, #tpu.memory_space<vmem>>
      %dma_start3A_609 = tpu.memref_squeeze %dma_start3A_608 : memref<1x80x128xf32, #tpu.memory_space<vmem>> -> memref<80x128xf32, #tpu.memory_space<vmem>>
      tpu.enqueue_dma source(%dma_start3A_609 : memref<80x128xf32, #tpu.memory_space<vmem>>) target(%dma_start3A_605 : memref<80x128xf32, #tpu.memory_space<vmem_shared>>) target_semaphore(%run_scoped3A_597 : memref<!tpu.dma_semaphore, #tpu.memory_space<semaphore_mem>>)
      %dma_wait3A_610 = arith.constant 0 : i32
      %dma_wait3A_611 = arith.constant 0 : i32
      %dma_wait3A_612 = tpu.memref_slice %arg9[%run_scoped3A_27, %dma_wait3A_610, %dma_wait3A_611] : memref<3x80x128xf32, #tpu.memory_space<vmem>> -> memref<1x80x128xf32, #tpu.memory_space<vmem>>
      %dma_wait3A_613 = tpu.memref_squeeze %dma_wait3A_612 : memref<1x80x128xf32, #tpu.memory_space<vmem>> -> memref<80x128xf32, #tpu.memory_space<vmem>>
      %dma_wait3A_614 = arith.constant 0 : i32
      %dma_wait3A_615 = tpu.memref_slice %arg10[%add3A_26, %dma_wait3A_614] : memref<10240x128xf32, #tpu.memory_space<vmem_shared>> -> memref<80x128xf32, #tpu.memory_space<vmem_shared>>
      %dma_wait3A_616 = arith.constant 0 : i32
      %dma_wait3A_617 = tpu.memref_slice %arg10[%add3A_26, %dma_wait3A_616] : memref<10240x128xf32, #tpu.memory_space<vmem_shared>> -> memref<80x128xf32, #tpu.memory_space<vmem_shared>>
      %dma_wait3A_618 = arith.constant 0 : i32
      %dma_wait3A_619 = arith.constant 0 : i32
      %dma_wait3A_620 = tpu.memref_slice %arg9[%run_scoped3A_27, %dma_wait3A_618, %dma_wait3A_619] : memref<3x80x128xf32, #tpu.memory_space<vmem>> -> memref<1x80x128xf32, #tpu.memory_space<vmem>>
      %dma_wait3A_621 = tpu.memref_squeeze %dma_wait3A_620 : memref<1x80x128xf32, #tpu.memory_space<vmem>> -> memref<80x128xf32, #tpu.memory_space<vmem>>
      tpu.wait_dma2 semaphore(%run_scoped3A_597 : memref<!tpu.dma_semaphore, #tpu.memory_space<semaphore_mem>>) src(%dma_wait3A_621 : memref<80x128xf32, #tpu.memory_space<vmem>>) dst(%dma_wait3A_617 : memref<80x128xf32, #tpu.memory_space<vmem_shared>>)
      tpu.yield
    }) : () -> ()
    %mul3A_28 = arith.constant 640 : i32
    %mul3A_29 = arith.muli %arg1, %mul3A_28 : i32
    %add3A_30 = arith.constant 400 : i32
    %add3A_31 = arith.addi %mul3A_29, %add3A_30 : i32
    %run_scoped3A_32 = arith.constant 0 : i32
    "tpu.region"() ({
      %run_scoped3A_597 = tpu.sem_alloc : memref<!tpu.dma_semaphore, #tpu.memory_space<semaphore_mem>>
      %dma_start3A_598 = arith.constant 0 : i32
      %dma_start3A_599 = arith.constant 0 : i32
      %dma_start3A_600 = tpu.memref_slice %arg9[%run_scoped3A_32, %dma_start3A_598, %dma_start3A_599] : memref<3x80x128xf32, #tpu.memory_space<vmem>> -> memref<1x80x128xf32, #tpu.memory_space<vmem>>
      %dma_start3A_601 = tpu.memref_squeeze %dma_start3A_600 : memref<1x80x128xf32, #tpu.memory_space<vmem>> -> memref<80x128xf32, #tpu.memory_space<vmem>>
      %dma_start3A_602 = arith.constant 0 : i32
      %dma_start3A_603 = tpu.memref_slice %arg10[%add3A_31, %dma_start3A_602] : memref<10240x128xf32, #tpu.memory_space<vmem_shared>> -> memref<80x128xf32, #tpu.memory_space<vmem_shared>>
      %dma_start3A_604 = arith.constant 0 : i32
      %dma_start3A_605 = tpu.memref_slice %arg10[%add3A_31, %dma_start3A_604] : memref<10240x128xf32, #tpu.memory_space<vmem_shared>> -> memref<80x128xf32, #tpu.memory_space<vmem_shared>>
      %dma_start3A_606 = arith.constant 0 : i32
      %dma_start3A_607 = arith.constant 0 : i32
      %dma_start3A_608 = tpu.memref_slice %arg9[%run_scoped3A_32, %dma_start3A_606, %dma_start3A_607] : memref<3x80x128xf32, #tpu.memory_space<vmem>> -> memref<1x80x128xf32, #tpu.memory_space<vmem>>
      %dma_start3A_609 = tpu.memref_squeeze %dma_start3A_608 : memref<1x80x128xf32, #tpu.memory_space<vmem>> -> memref<80x128xf32, #tpu.memory_space<vmem>>
      tpu.enqueue_dma source(%dma_start3A_609 : memref<80x128xf32, #tpu.memory_space<vmem>>) target(%dma_start3A_605 : memref<80x128xf32, #tpu.memory_space<vmem_shared>>) target_semaphore(%run_scoped3A_597 : memref<!tpu.dma_semaphore, #tpu.memory_space<semaphore_mem>>)
      %dma_wait3A_610 = arith.constant 0 : i32
      %dma_wait3A_611 = arith.constant 0 : i32
      %dma_wait3A_612 = tpu.memref_slice %arg9[%run_scoped3A_32, %dma_wait3A_610, %dma_wait3A_611] : memref<3x80x128xf32, #tpu.memory_space<vmem>> -> memref<1x80x128xf32, #tpu.memory_space<vmem>>
      %dma_wait3A_613 = tpu.memref_squeeze %dma_wait3A_612 : memref<1x80x128xf32, #tpu.memory_space<vmem>> -> memref<80x128xf32, #tpu.memory_space<vmem>>
      %dma_wait3A_614 = arith.constant 0 : i32
      %dma_wait3A_615 = tpu.memref_slice %arg10[%add3A_31, %dma_wait3A_614] : memref<10240x128xf32, #tpu.memory_space<vmem_shared>> -> memref<80x128xf32, #tpu.memory_space<vmem_shared>>
      %dma_wait3A_616 = arith.constant 0 : i32
      %dma_wait3A_617 = tpu.memref_slice %arg10[%add3A_31, %dma_wait3A_616] : memref<10240x128xf32, #tpu.memory_space<vmem_shared>> -> memref<80x128xf32, #tpu.memory_space<vmem_shared>>
      %dma_wait3A_618 = arith.constant 0 : i32
      %dma_wait3A_619 = arith.constant 0 : i32
      %dma_wait3A_620 = tpu.memref_slice %arg9[%run_scoped3A_32, %dma_wait3A_618, %dma_wait3A_619] : memref<3x80x128xf32, #tpu.memory_space<vmem>> -> memref<1x80x128xf32, #tpu.memory_space<vmem>>
      %dma_wait3A_621 = tpu.memref_squeeze %dma_wait3A_620 : memref<1x80x128xf32, #tpu.memory_space<vmem>> -> memref<80x128xf32, #tpu.memory_space<vmem>>
      tpu.wait_dma2 semaphore(%run_scoped3A_597 : memref<!tpu.dma_semaphore, #tpu.memory_space<semaphore_mem>>) src(%dma_wait3A_621 : memref<80x128xf32, #tpu.memory_space<vmem>>) dst(%dma_wait3A_617 : memref<80x128xf32, #tpu.memory_space<vmem_shared>>)
      tpu.yield
    }) : () -> ()
    %mul3A_33 = arith.constant 640 : i32
    %mul3A_34 = arith.muli %arg1, %mul3A_33 : i32
    %add3A_35 = arith.constant 480 : i32
    %add3A_36 = arith.addi %mul3A_34, %add3A_35 : i32
    %run_scoped3A_37 = arith.constant 0 : i32
    "tpu.region"() ({
      %run_scoped3A_597 = tpu.sem_alloc : memref<!tpu.dma_semaphore, #tpu.memory_space<semaphore_mem>>
      %dma_start3A_598 = arith.constant 0 : i32
      %dma_start3A_599 = arith.constant 0 : i32
      %dma_start3A_600 = tpu.memref_slice %arg9[%run_scoped3A_37, %dma_start3A_598, %dma_start3A_599] : memref<3x80x128xf32, #tpu.memory_space<vmem>> -> memref<1x80x128xf32, #tpu.memory_space<vmem>>
      %dma_start3A_601 = tpu.memref_squeeze %dma_start3A_600 : memref<1x80x128xf32, #tpu.memory_space<vmem>> -> memref<80x128xf32, #tpu.memory_space<vmem>>
      %dma_start3A_602 = arith.constant 0 : i32
      %dma_start3A_603 = tpu.memref_slice %arg10[%add3A_36, %dma_start3A_602] : memref<10240x128xf32, #tpu.memory_space<vmem_shared>> -> memref<80x128xf32, #tpu.memory_space<vmem_shared>>
      %dma_start3A_604 = arith.constant 0 : i32
      %dma_start3A_605 = tpu.memref_slice %arg10[%add3A_36, %dma_start3A_604] : memref<10240x128xf32, #tpu.memory_space<vmem_shared>> -> memref<80x128xf32, #tpu.memory_space<vmem_shared>>
      %dma_start3A_606 = arith.constant 0 : i32
      %dma_start3A_607 = arith.constant 0 : i32
      %dma_start3A_608 = tpu.memref_slice %arg9[%run_scoped3A_37, %dma_start3A_606, %dma_start3A_607] : memref<3x80x128xf32, #tpu.memory_space<vmem>> -> memref<1x80x128xf32, #tpu.memory_space<vmem>>
      %dma_start3A_609 = tpu.memref_squeeze %dma_start3A_608 : memref<1x80x128xf32, #tpu.memory_space<vmem>> -> memref<80x128xf32, #tpu.memory_space<vmem>>
      tpu.enqueue_dma source(%dma_start3A_609 : memref<80x128xf32, #tpu.memory_space<vmem>>) target(%dma_start3A_605 : memref<80x128xf32, #tpu.memory_space<vmem_shared>>) target_semaphore(%run_scoped3A_597 : memref<!tpu.dma_semaphore, #tpu.memory_space<semaphore_mem>>)
      %dma_wait3A_610 = arith.constant 0 : i32
      %dma_wait3A_611 = arith.constant 0 : i32
      %dma_wait3A_612 = tpu.memref_slice %arg9[%run_scoped3A_37, %dma_wait3A_610, %dma_wait3A_611] : memref<3x80x128xf32, #tpu.memory_space<vmem>> -> memref<1x80x128xf32, #tpu.memory_space<vmem>>
      %dma_wait3A_613 = tpu.memref_squeeze %dma_wait3A_612 : memref<1x80x128xf32, #tpu.memory_space<vmem>> -> memref<80x128xf32, #tpu.memory_space<vmem>>
      %dma_wait3A_614 = arith.constant 0 : i32
      %dma_wait3A_615 = tpu.memref_slice %arg10[%add3A_36, %dma_wait3A_614] : memref<10240x128xf32, #tpu.memory_space<vmem_shared>> -> memref<80x128xf32, #tpu.memory_space<vmem_shared>>
      %dma_wait3A_616 = arith.constant 0 : i32
      %dma_wait3A_617 = tpu.memref_slice %arg10[%add3A_36, %dma_wait3A_616] : memref<10240x128xf32, #tpu.memory_space<vmem_shared>> -> memref<80x128xf32, #tpu.memory_space<vmem_shared>>
      %dma_wait3A_618 = arith.constant 0 : i32
      %dma_wait3A_619 = arith.constant 0 : i32
      %dma_wait3A_620 = tpu.memref_slice %arg9[%run_scoped3A_37, %dma_wait3A_618, %dma_wait3A_619] : memref<3x80x128xf32, #tpu.memory_space<vmem>> -> memref<1x80x128xf32, #tpu.memory_space<vmem>>
      %dma_wait3A_621 = tpu.memref_squeeze %dma_wait3A_620 : memref<1x80x128xf32, #tpu.memory_space<vmem>> -> memref<80x128xf32, #tpu.memory_space<vmem>>
      tpu.wait_dma2 semaphore(%run_scoped3A_597 : memref<!tpu.dma_semaphore, #tpu.memory_space<semaphore_mem>>) src(%dma_wait3A_621 : memref<80x128xf32, #tpu.memory_space<vmem>>) dst(%dma_wait3A_617 : memref<80x128xf32, #tpu.memory_space<vmem_shared>>)
      tpu.yield
    }) : () -> ()
    %mul3A_38 = arith.constant 640 : i32
    %mul3A_39 = arith.muli %arg1, %mul3A_38 : i32
    %add3A_40 = arith.constant 560 : i32
    %add3A_41 = arith.addi %mul3A_39, %add3A_40 : i32
    %run_scoped3A_42 = arith.constant 0 : i32
    "tpu.region"() ({
      %run_scoped3A_597 = tpu.sem_alloc : memref<!tpu.dma_semaphore, #tpu.memory_space<semaphore_mem>>
      %dma_start3A_598 = arith.constant 0 : i32
      %dma_start3A_599 = arith.constant 0 : i32
      %dma_start3A_600 = tpu.memref_slice %arg9[%run_scoped3A_42, %dma_start3A_598, %dma_start3A_599] : memref<3x80x128xf32, #tpu.memory_space<vmem>> -> memref<1x80x128xf32, #tpu.memory_space<vmem>>
      %dma_start3A_601 = tpu.memref_squeeze %dma_start3A_600 : memref<1x80x128xf32, #tpu.memory_space<vmem>> -> memref<80x128xf32, #tpu.memory_space<vmem>>
      %dma_start3A_602 = arith.constant 0 : i32
      %dma_start3A_603 = tpu.memref_slice %arg10[%add3A_41, %dma_start3A_602] : memref<10240x128xf32, #tpu.memory_space<vmem_shared>> -> memref<80x128xf32, #tpu.memory_space<vmem_shared>>
      %dma_start3A_604 = arith.constant 0 : i32
      %dma_start3A_605 = tpu.memref_slice %arg10[%add3A_41, %dma_start3A_604] : memref<10240x128xf32, #tpu.memory_space<vmem_shared>> -> memref<80x128xf32, #tpu.memory_space<vmem_shared>>
      %dma_start3A_606 = arith.constant 0 : i32
      %dma_start3A_607 = arith.constant 0 : i32
      %dma_start3A_608 = tpu.memref_slice %arg9[%run_scoped3A_42, %dma_start3A_606, %dma_start3A_607] : memref<3x80x128xf32, #tpu.memory_space<vmem>> -> memref<1x80x128xf32, #tpu.memory_space<vmem>>
      %dma_start3A_609 = tpu.memref_squeeze %dma_start3A_608 : memref<1x80x128xf32, #tpu.memory_space<vmem>> -> memref<80x128xf32, #tpu.memory_space<vmem>>
      tpu.enqueue_dma source(%dma_start3A_609 : memref<80x128xf32, #tpu.memory_space<vmem>>) target(%dma_start3A_605 : memref<80x128xf32, #tpu.memory_space<vmem_shared>>) target_semaphore(%run_scoped3A_597 : memref<!tpu.dma_semaphore, #tpu.memory_space<semaphore_mem>>)
      %dma_wait3A_610 = arith.constant 0 : i32
      %dma_wait3A_611 = arith.constant 0 : i32
      %dma_wait3A_612 = tpu.memref_slice %arg9[%run_scoped3A_42, %dma_wait3A_610, %dma_wait3A_611] : memref<3x80x128xf32, #tpu.memory_space<vmem>> -> memref<1x80x128xf32, #tpu.memory_space<vmem>>
      %dma_wait3A_613 = tpu.memref_squeeze %dma_wait3A_612 : memref<1x80x128xf32, #tpu.memory_space<vmem>> -> memref<80x128xf32, #tpu.memory_space<vmem>>
      %dma_wait3A_614 = arith.constant 0 : i32
      %dma_wait3A_615 = tpu.memref_slice %arg10[%add3A_41, %dma_wait3A_614] : memref<10240x128xf32, #tpu.memory_space<vmem_shared>> -> memref<80x128xf32, #tpu.memory_space<vmem_shared>>
      %dma_wait3A_616 = arith.constant 0 : i32
      %dma_wait3A_617 = tpu.memref_slice %arg10[%add3A_41, %dma_wait3A_616] : memref<10240x128xf32, #tpu.memory_space<vmem_shared>> -> memref<80x128xf32, #tpu.memory_space<vmem_shared>>
      %dma_wait3A_618 = arith.constant 0 : i32
      %dma_wait3A_619 = arith.constant 0 : i32
      %dma_wait3A_620 = tpu.memref_slice %arg9[%run_scoped3A_42, %dma_wait3A_618, %dma_wait3A_619] : memref<3x80x128xf32, #tpu.memory_space<vmem>> -> memref<1x80x128xf32, #tpu.memory_space<vmem>>
      %dma_wait3A_621 = tpu.memref_squeeze %dma_wait3A_620 : memref<1x80x128xf32, #tpu.memory_space<vmem>> -> memref<80x128xf32, #tpu.memory_space<vmem>>
      tpu.wait_dma2 semaphore(%run_scoped3A_597 : memref<!tpu.dma_semaphore, #tpu.memory_space<semaphore_mem>>) src(%dma_wait3A_621 : memref<80x128xf32, #tpu.memory_space<vmem>>) dst(%dma_wait3A_617 : memref<80x128xf32, #tpu.memory_space<vmem_shared>>)
      tpu.yield
    }) : () -> ()
    %barrier3A = arith.constant 0 : index
    tpu.barrier barrier_id(%barrier3A)
    %mul3A_43 = arith.constant 128 : i32
    %mul3A_44 = arith.muli %add3A, %mul3A_43 : i32
    %add3A_45 = arith.constant 0 : i32
    %add3A_46 = arith.addi %mul3A_44, %add3A_45 : i32
    "tpu.region"() ({
      %run_scoped3A_597 = tpu.sem_alloc : memref<!tpu.dma_semaphore, #tpu.memory_space<semaphore_mem>>
      %dma_start3A_598 = arith.constant 0 : i32
      %dma_start3A_599 = tpu.memref_slice %arg3[%add3A_46, %dma_start3A_598] : memref<4096x80xi32, #tpu.memory_space<hbm>> -> memref<32x80xi32, #tpu.memory_space<hbm>>
      %dma_start3A_600 = arith.constant 0 : i32
      %dma_start3A_601 = tpu.memref_slice %arg3[%add3A_46, %dma_start3A_600] : memref<4096x80xi32, #tpu.memory_space<hbm>> -> memref<32x80xi32, #tpu.memory_space<hbm>>
      tpu.enqueue_dma source(%dma_start3A_601 : memref<32x80xi32, #tpu.memory_space<hbm>>) target(%arg7 : memref<32x80xi32, #tpu.memory_space<vmem>>) target_semaphore(%run_scoped3A_597 : memref<!tpu.dma_semaphore, #tpu.memory_space<semaphore_mem>>)
      %dma_wait3A_602 = arith.constant 0 : i32
      %dma_wait3A_603 = tpu.memref_slice %arg3[%add3A_46, %dma_wait3A_602] : memref<4096x80xi32, #tpu.memory_space<hbm>> -> memref<32x80xi32, #tpu.memory_space<hbm>>
      %dma_wait3A_604 = arith.constant 0 : i32
      %dma_wait3A_605 = tpu.memref_slice %arg3[%add3A_46, %dma_wait3A_604] : memref<4096x80xi32, #tpu.memory_space<hbm>> -> memref<32x80xi32, #tpu.memory_space<hbm>>
      tpu.wait_dma2 semaphore(%run_scoped3A_597 : memref<!tpu.dma_semaphore, #tpu.memory_space<semaphore_mem>>) src(%dma_wait3A_605 : memref<32x80xi32, #tpu.memory_space<hbm>>) dst(%arg7 : memref<32x80xi32, #tpu.memory_space<vmem>>)
      tpu.yield
    }) : () -> ()
    "tpu.region"() ({
      %run_scoped3A_597 = tpu.sem_alloc : memref<!tpu.dma_semaphore, #tpu.memory_space<semaphore_mem>>
      %dma_start3A_598 = arith.constant 0 : i32
      %dma_start3A_599 = tpu.memref_slice %arg4[%add3A_46, %dma_start3A_598] : memref<4096x80xi32, #tpu.memory_space<hbm>> -> memref<32x80xi32, #tpu.memory_space<hbm>>
      %dma_start3A_600 = arith.constant 0 : i32
      %dma_start3A_601 = tpu.memref_slice %arg4[%add3A_46, %dma_start3A_600] : memref<4096x80xi32, #tpu.memory_space<hbm>> -> memref<32x80xi32, #tpu.memory_space<hbm>>
      tpu.enqueue_dma source(%dma_start3A_601 : memref<32x80xi32, #tpu.memory_space<hbm>>) target(%arg8 : memref<32x80xi32, #tpu.memory_space<vmem>>) target_semaphore(%run_scoped3A_597 : memref<!tpu.dma_semaphore, #tpu.memory_space<semaphore_mem>>)
      %dma_wait3A_602 = arith.constant 0 : i32
      %dma_wait3A_603 = tpu.memref_slice %arg4[%add3A_46, %dma_wait3A_602] : memref<4096x80xi32, #tpu.memory_space<hbm>> -> memref<32x80xi32, #tpu.memory_space<hbm>>
      %dma_wait3A_604 = arith.constant 0 : i32
      %dma_wait3A_605 = tpu.memref_slice %arg4[%add3A_46, %dma_wait3A_604] : memref<4096x80xi32, #tpu.memory_space<hbm>> -> memref<32x80xi32, #tpu.memory_space<hbm>>
      tpu.wait_dma2 semaphore(%run_scoped3A_597 : memref<!tpu.dma_semaphore, #tpu.memory_space<semaphore_mem>>) src(%dma_wait3A_605 : memref<32x80xi32, #tpu.memory_space<hbm>>) dst(%arg8 : memref<32x80xi32, #tpu.memory_space<vmem>>)
      tpu.yield
    }) : () -> ()
    %dma_start3A = arith.constant 0 : i32
    %dma_start3A_47 = arith.constant 0 : i32
    %dma_start3A_48 = arith.constant 0 : i32
    %dma_start3A_49 = arith.constant 0 : i32
    %dma_start3A_50 = tpu.memref_slice %arg9[%dma_start3A_47, %dma_start3A_48, %dma_start3A_49] : memref<3x80x128xf32, #tpu.memory_space<vmem>> -> memref<1x80x128xf32, #tpu.memory_space<vmem>>
    %dma_start3A_51 = tpu.memref_squeeze %dma_start3A_50 : memref<1x80x128xf32, #tpu.memory_space<vmem>> -> memref<80x128xf32, #tpu.memory_space<vmem>>
    %dma_start3A_52 = arith.constant 0 : i32
    %dma_start3A_53 = tpu.memref_slice %arg7[%dma_start3A, %dma_start3A_52] : memref<32x80xi32, #tpu.memory_space<vmem>> -> memref<1x80xi32, #tpu.memory_space<vmem>>
    %dma_start3A_54 = tpu.memref_squeeze %dma_start3A_53 : memref<1x80xi32, #tpu.memory_space<vmem>> -> memref<80xi32, #tpu.memory_space<vmem>>
    %dma_start3A_55 = arith.constant 0 : i32
    %dma_start3A_56 = arith.constant 0 : i32
    %dma_start3A_57 = tpu.memref_slice %arg2[%dma_start3A_55, %dma_start3A_56] : memref<10000x128xf32, #tpu.memory_space<hbm>> -> memref<10000x128xf32, #tpu.memory_space<hbm>>
    tpu.enqueue_indirect_dma source(%dma_start3A_57 : memref<10000x128xf32, #tpu.memory_space<hbm>>) target(%dma_start3A_51 : memref<80x128xf32, #tpu.memory_space<vmem>>) offsets(%dma_start3A_54 : memref<80xi32, #tpu.memory_space<vmem>>) semaphore(%arg11 : memref<!tpu.dma_semaphore, #tpu.memory_space<semaphore_mem>>)
    %dma_start3A_58 = arith.constant 1 : i32
    %dma_start3A_59 = arith.constant 1 : i32
    %dma_start3A_60 = arith.constant 0 : i32
    %dma_start3A_61 = arith.constant 0 : i32
    %dma_start3A_62 = tpu.memref_slice %arg9[%dma_start3A_59, %dma_start3A_60, %dma_start3A_61] : memref<3x80x128xf32, #tpu.memory_space<vmem>> -> memref<1x80x128xf32, #tpu.memory_space<vmem>>
    %dma_start3A_63 = tpu.memref_squeeze %dma_start3A_62 : memref<1x80x128xf32, #tpu.memory_space<vmem>> -> memref<80x128xf32, #tpu.memory_space<vmem>>
    %dma_start3A_64 = arith.constant 0 : i32
    %dma_start3A_65 = tpu.memref_slice %arg7[%dma_start3A_58, %dma_start3A_64] : memref<32x80xi32, #tpu.memory_space<vmem>> -> memref<1x80xi32, #tpu.memory_space<vmem>>
    %dma_start3A_66 = tpu.memref_squeeze %dma_start3A_65 : memref<1x80xi32, #tpu.memory_space<vmem>> -> memref<80xi32, #tpu.memory_space<vmem>>
    %dma_start3A_67 = arith.constant 0 : i32
    %dma_start3A_68 = arith.constant 0 : i32
    %dma_start3A_69 = tpu.memref_slice %arg2[%dma_start3A_67, %dma_start3A_68] : memref<10000x128xf32, #tpu.memory_space<hbm>> -> memref<10000x128xf32, #tpu.memory_space<hbm>>
    tpu.enqueue_indirect_dma source(%dma_start3A_69 : memref<10000x128xf32, #tpu.memory_space<hbm>>) target(%dma_start3A_63 : memref<80x128xf32, #tpu.memory_space<vmem>>) offsets(%dma_start3A_66 : memref<80xi32, #tpu.memory_space<vmem>>) semaphore(%arg12 : memref<!tpu.dma_semaphore, #tpu.memory_space<semaphore_mem>>)
    %dma_start3A_70 = arith.constant 2 : i32
    %dma_start3A_71 = arith.constant 2 : i32
    %dma_start3A_72 = arith.constant 0 : i32
    %dma_start3A_73 = arith.constant 0 : i32
    %dma_start3A_74 = tpu.memref_slice %arg9[%dma_start3A_71, %dma_start3A_72, %dma_start3A_73] : memref<3x80x128xf32, #tpu.memory_space<vmem>> -> memref<1x80x128xf32, #tpu.memory_space<vmem>>
    %dma_start3A_75 = tpu.memref_squeeze %dma_start3A_74 : memref<1x80x128xf32, #tpu.memory_space<vmem>> -> memref<80x128xf32, #tpu.memory_space<vmem>>
    %dma_start3A_76 = arith.constant 0 : i32
    %dma_start3A_77 = tpu.memref_slice %arg7[%dma_start3A_70, %dma_start3A_76] : memref<32x80xi32, #tpu.memory_space<vmem>> -> memref<1x80xi32, #tpu.memory_space<vmem>>
    %dma_start3A_78 = tpu.memref_squeeze %dma_start3A_77 : memref<1x80xi32, #tpu.memory_space<vmem>> -> memref<80xi32, #tpu.memory_space<vmem>>
    %dma_start3A_79 = arith.constant 0 : i32
    %dma_start3A_80 = arith.constant 0 : i32
    %dma_start3A_81 = tpu.memref_slice %arg2[%dma_start3A_79, %dma_start3A_80] : memref<10000x128xf32, #tpu.memory_space<hbm>> -> memref<10000x128xf32, #tpu.memory_space<hbm>>
    tpu.enqueue_indirect_dma source(%dma_start3A_81 : memref<10000x128xf32, #tpu.memory_space<hbm>>) target(%dma_start3A_75 : memref<80x128xf32, #tpu.memory_space<vmem>>) offsets(%dma_start3A_78 : memref<80xi32, #tpu.memory_space<vmem>>) semaphore(%arg13 : memref<!tpu.dma_semaphore, #tpu.memory_space<semaphore_mem>>)
    %scan3A = arith.constant 0 : i32
    %scan3A_82 = arith.constant 9 : i32
    %scan3A_83 = arith.addi %scan3A, %scan3A_82 : i32
    %scan3A_84 = arith.constant 1 : i32
    scf.for %scan3A_597 = %scan3A to %scan3A_83 step %scan3A_84  : i32 {
      %mul3A_598 = arith.constant 1 : i32
      %mul3A_599 = arith.muli %scan3A_597, %mul3A_598 : i32
      %add3A_600 = arith.constant 0 : i32
      %add3A_601 = arith.addi %add3A_600, %mul3A_599 : i32
      %mul3A_602 = arith.constant 3 : i32
      %mul3A_603 = arith.muli %add3A_601, %mul3A_602 : i32
      %add3A_604 = arith.constant 0 : i32
      %add3A_605 = arith.addi %mul3A_603, %add3A_604 : i32
      %dma_wait3A_606 = arith.constant 0 : i32
      %dma_wait3A_607 = arith.constant 0 : i32
      %dma_wait3A_608 = arith.constant 0 : i32
      %dma_wait3A_609 = tpu.memref_slice %arg9[%dma_wait3A_606, %dma_wait3A_607, %dma_wait3A_608] : memref<3x80x128xf32, #tpu.memory_space<vmem>> -> memref<1x80x128xf32, #tpu.memory_space<vmem>>
      %dma_wait3A_610 = tpu.memref_squeeze %dma_wait3A_609 : memref<1x80x128xf32, #tpu.memory_space<vmem>> -> memref<80x128xf32, #tpu.memory_space<vmem>>
      %dma_wait3A_611 = arith.constant 0 : i32
      %dma_wait3A_612 = tpu.memref_slice %arg7[%add3A_605, %dma_wait3A_611] : memref<32x80xi32, #tpu.memory_space<vmem>> -> memref<1x80xi32, #tpu.memory_space<vmem>>
      %dma_wait3A_613 = tpu.memref_squeeze %dma_wait3A_612 : memref<1x80xi32, #tpu.memory_space<vmem>> -> memref<80xi32, #tpu.memory_space<vmem>>
      %dma_wait3A_614 = arith.constant 0 : i32
      %dma_wait3A_615 = arith.constant 0 : i32
      %dma_wait3A_616 = tpu.memref_slice %arg2[%dma_wait3A_614, %dma_wait3A_615] : memref<10000x128xf32, #tpu.memory_space<hbm>> -> memref<10000x128xf32, #tpu.memory_space<hbm>>
      tpu.wait_indirect_dma semaphore(%arg11 : memref<!tpu.dma_semaphore, #tpu.memory_space<semaphore_mem>>) src(%dma_wait3A_616 : memref<10000x128xf32, #tpu.memory_space<hbm>>) dst(%dma_wait3A_610 : memref<80x128xf32, #tpu.memory_space<vmem>>)
      %run_scoped3A_617 = arith.constant 0 : i32
      "tpu.region"() ({
        %run_scoped3A_689 = tpu.sem_alloc : memref<!tpu.dma_semaphore, #tpu.memory_space<semaphore_mem>>
        %dma_start3A_690 = arith.constant 0 : i32
        %dma_start3A_691 = arith.constant 0 : i32
        %dma_start3A_692 = tpu.memref_slice %arg9[%run_scoped3A_617, %dma_start3A_690, %dma_start3A_691] : memref<3x80x128xf32, #tpu.memory_space<vmem>> -> memref<1x80x128xf32, #tpu.memory_space<vmem>>
        %dma_start3A_693 = tpu.memref_squeeze %dma_start3A_692 : memref<1x80x128xf32, #tpu.memory_space<vmem>> -> memref<80x128xf32, #tpu.memory_space<vmem>>
        %dma_start3A_694 = arith.constant 0 : i32
        %dma_start3A_695 = tpu.memref_slice %arg8[%add3A_605, %dma_start3A_694] : memref<32x80xi32, #tpu.memory_space<vmem>> -> memref<1x80xi32, #tpu.memory_space<vmem>>
        %dma_start3A_696 = tpu.memref_squeeze %dma_start3A_695 : memref<1x80xi32, #tpu.memory_space<vmem>> -> memref<80xi32, #tpu.memory_space<vmem>>
        %dma_start3A_697 = arith.constant 0 : i32
        %dma_start3A_698 = arith.constant 0 : i32
        %dma_start3A_699 = tpu.memref_slice %arg10[%dma_start3A_697, %dma_start3A_698] : memref<10240x128xf32, #tpu.memory_space<vmem_shared>> -> memref<10240x128xf32, #tpu.memory_space<vmem_shared>>
        tpu.enqueue_indirect_dma source(%dma_start3A_693 : memref<80x128xf32, #tpu.memory_space<vmem>>) target(%dma_start3A_699 : memref<10240x128xf32, #tpu.memory_space<vmem_shared>>) offsets(%dma_start3A_696 : memref<80xi32, #tpu.memory_space<vmem>>) semaphore(%run_scoped3A_689 : memref<!tpu.dma_semaphore, #tpu.memory_space<semaphore_mem>>) {add = true}
        %dma_wait3A_700 = arith.constant 0 : i32
        %dma_wait3A_701 = arith.constant 0 : i32
        %dma_wait3A_702 = tpu.memref_slice %arg9[%run_scoped3A_617, %dma_wait3A_700, %dma_wait3A_701] : memref<3x80x128xf32, #tpu.memory_space<vmem>> -> memref<1x80x128xf32, #tpu.memory_space<vmem>>
        %dma_wait3A_703 = tpu.memref_squeeze %dma_wait3A_702 : memref<1x80x128xf32, #tpu.memory_space<vmem>> -> memref<80x128xf32, #tpu.memory_space<vmem>>
        %dma_wait3A_704 = arith.constant 0 : i32
        %dma_wait3A_705 = tpu.memref_slice %arg8[%add3A_605, %dma_wait3A_704] : memref<32x80xi32, #tpu.memory_space<vmem>> -> memref<1x80xi32, #tpu.memory_space<vmem>>
        %dma_wait3A_706 = tpu.memref_squeeze %dma_wait3A_705 : memref<1x80xi32, #tpu.memory_space<vmem>> -> memref<80xi32, #tpu.memory_space<vmem>>
        %dma_wait3A_707 = arith.constant 0 : i32
        %dma_wait3A_708 = arith.constant 0 : i32
        %dma_wait3A_709 = tpu.memref_slice %arg10[%dma_wait3A_707, %dma_wait3A_708] : memref<10240x128xf32, #tpu.memory_space<vmem_shared>> -> memref<10240x128xf32, #tpu.memory_space<vmem_shared>>
        tpu.wait_indirect_dma semaphore(%run_scoped3A_689 : memref<!tpu.dma_semaphore, #tpu.memory_space<semaphore_mem>>) src(%dma_wait3A_703 : memref<80x128xf32, #tpu.memory_space<vmem>>) dst(%dma_wait3A_709 : memref<10240x128xf32, #tpu.memory_space<vmem_shared>>)
        tpu.yield
      }) : () -> ()
      %add3A_618 = arith.constant 3 : i32
      %add3A_619 = arith.addi %add3A_605, %add3A_618 : i32
      %dma_start3A_620 = arith.constant 0 : i32
      %dma_start3A_621 = arith.constant 0 : i32
      %dma_start3A_622 = arith.constant 0 : i32
      %dma_start3A_623 = tpu.memref_slice %arg9[%dma_start3A_620, %dma_start3A_621, %dma_start3A_622] : memref<3x80x128xf32, #tpu.memory_space<vmem>> -> memref<1x80x128xf32, #tpu.memory_space<vmem>>
      %dma_start3A_624 = tpu.memref_squeeze %dma_start3A_623 : memref<1x80x128xf32, #tpu.memory_space<vmem>> -> memref<80x128xf32, #tpu.memory_space<vmem>>
      %dma_start3A_625 = arith.constant 0 : i32
      %dma_start3A_626 = tpu.memref_slice %arg7[%add3A_619, %dma_start3A_625] : memref<32x80xi32, #tpu.memory_space<vmem>> -> memref<1x80xi32, #tpu.memory_space<vmem>>
      %dma_start3A_627 = tpu.memref_squeeze %dma_start3A_626 : memref<1x80xi32, #tpu.memory_space<vmem>> -> memref<80xi32, #tpu.memory_space<vmem>>
      %dma_start3A_628 = arith.constant 0 : i32
      %dma_start3A_629 = arith.constant 0 : i32
      %dma_start3A_630 = tpu.memref_slice %arg2[%dma_start3A_628, %dma_start3A_629] : memref<10000x128xf32, #tpu.memory_space<hbm>> -> memref<10000x128xf32, #tpu.memory_space<hbm>>
      tpu.enqueue_indirect_dma source(%dma_start3A_630 : memref<10000x128xf32, #tpu.memory_space<hbm>>) target(%dma_start3A_624 : memref<80x128xf32, #tpu.memory_space<vmem>>) offsets(%dma_start3A_627 : memref<80xi32, #tpu.memory_space<vmem>>) semaphore(%arg11 : memref<!tpu.dma_semaphore, #tpu.memory_space<semaphore_mem>>)
      %mul3A_631 = arith.constant 3 : i32
      %mul3A_632 = arith.muli %add3A_601, %mul3A_631 : i32
      %add3A_633 = arith.constant 1 : i32
      %add3A_634 = arith.addi %mul3A_632, %add3A_633 : i32
      %dma_wait3A_635 = arith.constant 1 : i32
      %dma_wait3A_636 = arith.constant 0 : i32
      %dma_wait3A_637 = arith.constant 0 : i32
      %dma_wait3A_638 = tpu.memref_slice %arg9[%dma_wait3A_635, %dma_wait3A_636, %dma_wait3A_637] : memref<3x80x128xf32, #tpu.memory_space<vmem>> -> memref<1x80x128xf32, #tpu.memory_space<vmem>>
      %dma_wait3A_639 = tpu.memref_squeeze %dma_wait3A_638 : memref<1x80x128xf32, #tpu.memory_space<vmem>> -> memref<80x128xf32, #tpu.memory_space<vmem>>
      %dma_wait3A_640 = arith.constant 0 : i32
      %dma_wait3A_641 = tpu.memref_slice %arg7[%add3A_634, %dma_wait3A_640] : memref<32x80xi32, #tpu.memory_space<vmem>> -> memref<1x80xi32, #tpu.memory_space<vmem>>
      %dma_wait3A_642 = tpu.memref_squeeze %dma_wait3A_641 : memref<1x80xi32, #tpu.memory_space<vmem>> -> memref<80xi32, #tpu.memory_space<vmem>>
      %dma_wait3A_643 = arith.constant 0 : i32
      %dma_wait3A_644 = arith.constant 0 : i32
      %dma_wait3A_645 = tpu.memref_slice %arg2[%dma_wait3A_643, %dma_wait3A_644] : memref<10000x128xf32, #tpu.memory_space<hbm>> -> memref<10000x128xf32, #tpu.memory_space<hbm>>
      tpu.wait_indirect_dma semaphore(%arg12 : memref<!tpu.dma_semaphore, #tpu.memory_space<semaphore_mem>>) src(%dma_wait3A_645 : memref<10000x128xf32, #tpu.memory_space<hbm>>) dst(%dma_wait3A_639 : memref<80x128xf32, #tpu.memory_space<vmem>>)
      %run_scoped3A_646 = arith.constant 1 : i32
      "tpu.region"() ({
        %run_scoped3A_689 = tpu.sem_alloc : memref<!tpu.dma_semaphore, #tpu.memory_space<semaphore_mem>>
        %dma_start3A_690 = arith.constant 0 : i32
        %dma_start3A_691 = arith.constant 0 : i32
        %dma_start3A_692 = tpu.memref_slice %arg9[%run_scoped3A_646, %dma_start3A_690, %dma_start3A_691] : memref<3x80x128xf32, #tpu.memory_space<vmem>> -> memref<1x80x128xf32, #tpu.memory_space<vmem>>
        %dma_start3A_693 = tpu.memref_squeeze %dma_start3A_692 : memref<1x80x128xf32, #tpu.memory_space<vmem>> -> memref<80x128xf32, #tpu.memory_space<vmem>>
        %dma_start3A_694 = arith.constant 0 : i32
        %dma_start3A_695 = tpu.memref_slice %arg8[%add3A_634, %dma_start3A_694] : memref<32x80xi32, #tpu.memory_space<vmem>> -> memref<1x80xi32, #tpu.memory_space<vmem>>
        %dma_start3A_696 = tpu.memref_squeeze %dma_start3A_695 : memref<1x80xi32, #tpu.memory_space<vmem>> -> memref<80xi32, #tpu.memory_space<vmem>>
        %dma_start3A_697 = arith.constant 0 : i32
        %dma_start3A_698 = arith.constant 0 : i32
        %dma_start3A_699 = tpu.memref_slice %arg10[%dma_start3A_697, %dma_start3A_698] : memref<10240x128xf32, #tpu.memory_space<vmem_shared>> -> memref<10240x128xf32, #tpu.memory_space<vmem_shared>>
        tpu.enqueue_indirect_dma source(%dma_start3A_693 : memref<80x128xf32, #tpu.memory_space<vmem>>) target(%dma_start3A_699 : memref<10240x128xf32, #tpu.memory_space<vmem_shared>>) offsets(%dma_start3A_696 : memref<80xi32, #tpu.memory_space<vmem>>) semaphore(%run_scoped3A_689 : memref<!tpu.dma_semaphore, #tpu.memory_space<semaphore_mem>>) {add = true}
        %dma_wait3A_700 = arith.constant 0 : i32
        %dma_wait3A_701 = arith.constant 0 : i32
        %dma_wait3A_702 = tpu.memref_slice %arg9[%run_scoped3A_646, %dma_wait3A_700, %dma_wait3A_701] : memref<3x80x128xf32, #tpu.memory_space<vmem>> -> memref<1x80x128xf32, #tpu.memory_space<vmem>>
        %dma_wait3A_703 = tpu.memref_squeeze %dma_wait3A_702 : memref<1x80x128xf32, #tpu.memory_space<vmem>> -> memref<80x128xf32, #tpu.memory_space<vmem>>
        %dma_wait3A_704 = arith.constant 0 : i32
        %dma_wait3A_705 = tpu.memref_slice %arg8[%add3A_634, %dma_wait3A_704] : memref<32x80xi32, #tpu.memory_space<vmem>> -> memref<1x80xi32, #tpu.memory_space<vmem>>
        %dma_wait3A_706 = tpu.memref_squeeze %dma_wait3A_705 : memref<1x80xi32, #tpu.memory_space<vmem>> -> memref<80xi32, #tpu.memory_space<vmem>>
        %dma_wait3A_707 = arith.constant 0 : i32
        %dma_wait3A_708 = arith.constant 0 : i32
        %dma_wait3A_709 = tpu.memref_slice %arg10[%dma_wait3A_707, %dma_wait3A_708] : memref<10240x128xf32, #tpu.memory_space<vmem_shared>> -> memref<10240x128xf32, #tpu.memory_space<vmem_shared>>
        tpu.wait_indirect_dma semaphore(%run_scoped3A_689 : memref<!tpu.dma_semaphore, #tpu.memory_space<semaphore_mem>>) src(%dma_wait3A_703 : memref<80x128xf32, #tpu.memory_space<vmem>>) dst(%dma_wait3A_709 : memref<10240x128xf32, #tpu.memory_space<vmem_shared>>)
        tpu.yield
      }) : () -> ()
      %add3A_647 = arith.constant 3 : i32
      %add3A_648 = arith.addi %add3A_634, %add3A_647 : i32
      %dma_start3A_649 = arith.constant 1 : i32
      %dma_start3A_650 = arith.constant 0 : i32
      %dma_start3A_651 = arith.constant 0 : i32
      %dma_start3A_652 = tpu.memref_slice %arg9[%dma_start3A_649, %dma_start3A_650, %dma_start3A_651] : memref<3x80x128xf32, #tpu.memory_space<vmem>> -> memref<1x80x128xf32, #tpu.memory_space<vmem>>
      %dma_start3A_653 = tpu.memref_squeeze %dma_start3A_652 : memref<1x80x128xf32, #tpu.memory_space<vmem>> -> memref<80x128xf32, #tpu.memory_space<vmem>>
      %dma_start3A_654 = arith.constant 0 : i32
      %dma_start3A_655 = tpu.memref_slice %arg7[%add3A_648, %dma_start3A_654] : memref<32x80xi32, #tpu.memory_space<vmem>> -> memref<1x80xi32, #tpu.memory_space<vmem>>
      %dma_start3A_656 = tpu.memref_squeeze %dma_start3A_655 : memref<1x80xi32, #tpu.memory_space<vmem>> -> memref<80xi32, #tpu.memory_space<vmem>>
      %dma_start3A_657 = arith.constant 0 : i32
      %dma_start3A_658 = arith.constant 0 : i32
      %dma_start3A_659 = tpu.memref_slice %arg2[%dma_start3A_657, %dma_start3A_658] : memref<10000x128xf32, #tpu.memory_space<hbm>> -> memref<10000x128xf32, #tpu.memory_space<hbm>>
      tpu.enqueue_indirect_dma source(%dma_start3A_659 : memref<10000x128xf32, #tpu.memory_space<hbm>>) target(%dma_start3A_653 : memref<80x128xf32, #tpu.memory_space<vmem>>) offsets(%dma_start3A_656 : memref<80xi32, #tpu.memory_space<vmem>>) semaphore(%arg12 : memref<!tpu.dma_semaphore, #tpu.memory_space<semaphore_mem>>)
      %mul3A_660 = arith.constant 3 : i32
      %mul3A_661 = arith.muli %add3A_601, %mul3A_660 : i32
      %add3A_662 = arith.constant 2 : i32
      %add3A_663 = arith.addi %mul3A_661, %add3A_662 : i32
      %dma_wait3A_664 = arith.constant 2 : i32
      %dma_wait3A_665 = arith.constant 0 : i32
      %dma_wait3A_666 = arith.constant 0 : i32
      %dma_wait3A_667 = tpu.memref_slice %arg9[%dma_wait3A_664, %dma_wait3A_665, %dma_wait3A_666] : memref<3x80x128xf32, #tpu.memory_space<vmem>> -> memref<1x80x128xf32, #tpu.memory_space<vmem>>
      %dma_wait3A_668 = tpu.memref_squeeze %dma_wait3A_667 : memref<1x80x128xf32, #tpu.memory_space<vmem>> -> memref<80x128xf32, #tpu.memory_space<vmem>>
      %dma_wait3A_669 = arith.constant 0 : i32
      %dma_wait3A_670 = tpu.memref_slice %arg7[%add3A_663, %dma_wait3A_669] : memref<32x80xi32, #tpu.memory_space<vmem>> -> memref<1x80xi32, #tpu.memory_space<vmem>>
      %dma_wait3A_671 = tpu.memref_squeeze %dma_wait3A_670 : memref<1x80xi32, #tpu.memory_space<vmem>> -> memref<80xi32, #tpu.memory_space<vmem>>
      %dma_wait3A_672 = arith.constant 0 : i32
      %dma_wait3A_673 = arith.constant 0 : i32
      %dma_wait3A_674 = tpu.memref_slice %arg2[%dma_wait3A_672, %dma_wait3A_673] : memref<10000x128xf32, #tpu.memory_space<hbm>> -> memref<10000x128xf32, #tpu.memory_space<hbm>>
      tpu.wait_indirect_dma semaphore(%arg13 : memref<!tpu.dma_semaphore, #tpu.memory_space<semaphore_mem>>) src(%dma_wait3A_674 : memref<10000x128xf32, #tpu.memory_space<hbm>>) dst(%dma_wait3A_668 : memref<80x128xf32, #tpu.memory_space<vmem>>)
      %run_scoped3A_675 = arith.constant 2 : i32
      "tpu.region"() ({
        %run_scoped3A_689 = tpu.sem_alloc : memref<!tpu.dma_semaphore, #tpu.memory_space<semaphore_mem>>
        %dma_start3A_690 = arith.constant 0 : i32
        %dma_start3A_691 = arith.constant 0 : i32
        %dma_start3A_692 = tpu.memref_slice %arg9[%run_scoped3A_675, %dma_start3A_690, %dma_start3A_691] : memref<3x80x128xf32, #tpu.memory_space<vmem>> -> memref<1x80x128xf32, #tpu.memory_space<vmem>>
        %dma_start3A_693 = tpu.memref_squeeze %dma_start3A_692 : memref<1x80x128xf32, #tpu.memory_space<vmem>> -> memref<80x128xf32, #tpu.memory_space<vmem>>
        %dma_start3A_694 = arith.constant 0 : i32
        %dma_start3A_695 = tpu.memref_slice %arg8[%add3A_663, %dma_start3A_694] : memref<32x80xi32, #tpu.memory_space<vmem>> -> memref<1x80xi32, #tpu.memory_space<vmem>>
        %dma_start3A_696 = tpu.memref_squeeze %dma_start3A_695 : memref<1x80xi32, #tpu.memory_space<vmem>> -> memref<80xi32, #tpu.memory_space<vmem>>
        %dma_start3A_697 = arith.constant 0 : i32
        %dma_start3A_698 = arith.constant 0 : i32
        %dma_start3A_699 = tpu.memref_slice %arg10[%dma_start3A_697, %dma_start3A_698] : memref<10240x128xf32, #tpu.memory_space<vmem_shared>> -> memref<10240x128xf32, #tpu.memory_space<vmem_shared>>
        tpu.enqueue_indirect_dma source(%dma_start3A_693 : memref<80x128xf32, #tpu.memory_space<vmem>>) target(%dma_start3A_699 : memref<10240x128xf32, #tpu.memory_space<vmem_shared>>) offsets(%dma_start3A_696 : memref<80xi32, #tpu.memory_space<vmem>>) semaphore(%run_scoped3A_689 : memref<!tpu.dma_semaphore, #tpu.memory_space<semaphore_mem>>) {add = true}
        %dma_wait3A_700 = arith.constant 0 : i32
        %dma_wait3A_701 = arith.constant 0 : i32
        %dma_wait3A_702 = tpu.memref_slice %arg9[%run_scoped3A_675, %dma_wait3A_700, %dma_wait3A_701] : memref<3x80x128xf32, #tpu.memory_space<vmem>> -> memref<1x80x128xf32, #tpu.memory_space<vmem>>
        %dma_wait3A_703 = tpu.memref_squeeze %dma_wait3A_702 : memref<1x80x128xf32, #tpu.memory_space<vmem>> -> memref<80x128xf32, #tpu.memory_space<vmem>>
        %dma_wait3A_704 = arith.constant 0 : i32
        %dma_wait3A_705 = tpu.memref_slice %arg8[%add3A_663, %dma_wait3A_704] : memref<32x80xi32, #tpu.memory_space<vmem>> -> memref<1x80xi32, #tpu.memory_space<vmem>>
        %dma_wait3A_706 = tpu.memref_squeeze %dma_wait3A_705 : memref<1x80xi32, #tpu.memory_space<vmem>> -> memref<80xi32, #tpu.memory_space<vmem>>
        %dma_wait3A_707 = arith.constant 0 : i32
        %dma_wait3A_708 = arith.constant 0 : i32
        %dma_wait3A_709 = tpu.memref_slice %arg10[%dma_wait3A_707, %dma_wait3A_708] : memref<10240x128xf32, #tpu.memory_space<vmem_shared>> -> memref<10240x128xf32, #tpu.memory_space<vmem_shared>>
        tpu.wait_indirect_dma semaphore(%run_scoped3A_689 : memref<!tpu.dma_semaphore, #tpu.memory_space<semaphore_mem>>) src(%dma_wait3A_703 : memref<80x128xf32, #tpu.memory_space<vmem>>) dst(%dma_wait3A_709 : memref<10240x128xf32, #tpu.memory_space<vmem_shared>>)
        tpu.yield
      }) : () -> ()
      %add3A_676 = arith.constant 3 : i32
      %add3A_677 = arith.addi %add3A_663, %add3A_676 : i32
      %dma_start3A_678 = arith.constant 2 : i32
      %dma_start3A_679 = arith.constant 0 : i32
      %dma_start3A_680 = arith.constant 0 : i32
      %dma_start3A_681 = tpu.memref_slice %arg9[%dma_start3A_678, %dma_start3A_679, %dma_start3A_680] : memref<3x80x128xf32, #tpu.memory_space<vmem>> -> memref<1x80x128xf32, #tpu.memory_space<vmem>>
      %dma_start3A_682 = tpu.memref_squeeze %dma_start3A_681 : memref<1x80x128xf32, #tpu.memory_space<vmem>> -> memref<80x128xf32, #tpu.memory_space<vmem>>
      %dma_start3A_683 = arith.constant 0 : i32
      %dma_start3A_684 = tpu.memref_slice %arg7[%add3A_677, %dma_start3A_683] : memref<32x80xi32, #tpu.memory_space<vmem>> -> memref<1x80xi32, #tpu.memory_space<vmem>>
      %dma_start3A_685 = tpu.memref_squeeze %dma_start3A_684 : memref<1x80xi32, #tpu.memory_space<vmem>> -> memref<80xi32, #tpu.memory_space<vmem>>
      %dma_start3A_686 = arith.constant 0 : i32
      %dma_start3A_687 = arith.constant 0 : i32
      %dma_start3A_688 = tpu.memref_slice %arg2[%dma_start3A_686, %dma_start3A_687] : memref<10000x128xf32, #tpu.memory_space<hbm>> -> memref<10000x128xf32, #tpu.memory_space<hbm>>
      tpu.enqueue_indirect_dma source(%dma_start3A_688 : memref<10000x128xf32, #tpu.memory_space<hbm>>) target(%dma_start3A_682 : memref<80x128xf32, #tpu.memory_space<vmem>>) offsets(%dma_start3A_685 : memref<80xi32, #tpu.memory_space<vmem>>) semaphore(%arg13 : memref<!tpu.dma_semaphore, #tpu.memory_space<semaphore_mem>>)
    }
    %scan3A_85 = arith.constant 9 : i32
    %dma_wait3A = arith.constant 27 : i32
    %dma_wait3A_86 = arith.constant 0 : i32
    %dma_wait3A_87 = arith.constant 0 : i32
    %dma_wait3A_88 = arith.constant 0 : i32
    %dma_wait3A_89 = tpu.memref_slice %arg9[%dma_wait3A_86, %dma_wait3A_87, %dma_wait3A_88] : memref<3x80x128xf32, #tpu.memory_space<vmem>> -> memref<1x80x128xf32, #tpu.memory_space<vmem>>
    %dma_wait3A_90 = tpu.memref_squeeze %dma_wait3A_89 : memref<1x80x128xf32, #tpu.memory_space<vmem>> -> memref<80x128xf32, #tpu.memory_space<vmem>>
    %dma_wait3A_91 = arith.constant 0 : i32
    %dma_wait3A_92 = tpu.memref_slice %arg7[%dma_wait3A, %dma_wait3A_91] : memref<32x80xi32, #tpu.memory_space<vmem>> -> memref<1x80xi32, #tpu.memory_space<vmem>>
    %dma_wait3A_93 = tpu.memref_squeeze %dma_wait3A_92 : memref<1x80xi32, #tpu.memory_space<vmem>> -> memref<80xi32, #tpu.memory_space<vmem>>
    %dma_wait3A_94 = arith.constant 0 : i32
    %dma_wait3A_95 = arith.constant 0 : i32
    %dma_wait3A_96 = tpu.memref_slice %arg2[%dma_wait3A_94, %dma_wait3A_95] : memref<10000x128xf32, #tpu.memory_space<hbm>> -> memref<10000x128xf32, #tpu.memory_space<hbm>>
    tpu.wait_indirect_dma semaphore(%arg11 : memref<!tpu.dma_semaphore, #tpu.memory_space<semaphore_mem>>) src(%dma_wait3A_96 : memref<10000x128xf32, #tpu.memory_space<hbm>>) dst(%dma_wait3A_90 : memref<80x128xf32, #tpu.memory_space<vmem>>)
    %run_scoped3A_97 = arith.constant 0 : i32
    %run_scoped3A_98 = arith.constant 27 : i32
    "tpu.region"() ({
      %run_scoped3A_597 = tpu.sem_alloc : memref<!tpu.dma_semaphore, #tpu.memory_space<semaphore_mem>>
      %dma_start3A_598 = arith.constant 0 : i32
      %dma_start3A_599 = arith.constant 0 : i32
      %dma_start3A_600 = tpu.memref_slice %arg9[%run_scoped3A_97, %dma_start3A_598, %dma_start3A_599] : memref<3x80x128xf32, #tpu.memory_space<vmem>> -> memref<1x80x128xf32, #tpu.memory_space<vmem>>
      %dma_start3A_601 = tpu.memref_squeeze %dma_start3A_600 : memref<1x80x128xf32, #tpu.memory_space<vmem>> -> memref<80x128xf32, #tpu.memory_space<vmem>>
      %dma_start3A_602 = arith.constant 0 : i32
      %dma_start3A_603 = tpu.memref_slice %arg8[%run_scoped3A_98, %dma_start3A_602] : memref<32x80xi32, #tpu.memory_space<vmem>> -> memref<1x80xi32, #tpu.memory_space<vmem>>
      %dma_start3A_604 = tpu.memref_squeeze %dma_start3A_603 : memref<1x80xi32, #tpu.memory_space<vmem>> -> memref<80xi32, #tpu.memory_space<vmem>>
      %dma_start3A_605 = arith.constant 0 : i32
      %dma_start3A_606 = arith.constant 0 : i32
      %dma_start3A_607 = tpu.memref_slice %arg10[%dma_start3A_605, %dma_start3A_606] : memref<10240x128xf32, #tpu.memory_space<vmem_shared>> -> memref<10240x128xf32, #tpu.memory_space<vmem_shared>>
      tpu.enqueue_indirect_dma source(%dma_start3A_601 : memref<80x128xf32, #tpu.memory_space<vmem>>) target(%dma_start3A_607 : memref<10240x128xf32, #tpu.memory_space<vmem_shared>>) offsets(%dma_start3A_604 : memref<80xi32, #tpu.memory_space<vmem>>) semaphore(%run_scoped3A_597 : memref<!tpu.dma_semaphore, #tpu.memory_space<semaphore_mem>>) {add = true}
      %dma_wait3A_608 = arith.constant 0 : i32
      %dma_wait3A_609 = arith.constant 0 : i32
      %dma_wait3A_610 = tpu.memref_slice %arg9[%run_scoped3A_97, %dma_wait3A_608, %dma_wait3A_609] : memref<3x80x128xf32, #tpu.memory_space<vmem>> -> memref<1x80x128xf32, #tpu.memory_space<vmem>>
      %dma_wait3A_611 = tpu.memref_squeeze %dma_wait3A_610 : memref<1x80x128xf32, #tpu.memory_space<vmem>> -> memref<80x128xf32, #tpu.memory_space<vmem>>
      %dma_wait3A_612 = arith.constant 0 : i32
      %dma_wait3A_613 = tpu.memref_slice %arg8[%run_scoped3A_98, %dma_wait3A_612] : memref<32x80xi32, #tpu.memory_space<vmem>> -> memref<1x80xi32, #tpu.memory_space<vmem>>
      %dma_wait3A_614 = tpu.memref_squeeze %dma_wait3A_613 : memref<1x80xi32, #tpu.memory_space<vmem>> -> memref<80xi32, #tpu.memory_space<vmem>>
      %dma_wait3A_615 = arith.constant 0 : i32
      %dma_wait3A_616 = arith.constant 0 : i32
      %dma_wait3A_617 = tpu.memref_slice %arg10[%dma_wait3A_615, %dma_wait3A_616] : memref<10240x128xf32, #tpu.memory_space<vmem_shared>> -> memref<10240x128xf32, #tpu.memory_space<vmem_shared>>
      tpu.wait_indirect_dma semaphore(%run_scoped3A_597 : memref<!tpu.dma_semaphore, #tpu.memory_space<semaphore_mem>>) src(%dma_wait3A_611 : memref<80x128xf32, #tpu.memory_space<vmem>>) dst(%dma_wait3A_617 : memref<10240x128xf32, #tpu.memory_space<vmem_shared>>)
      tpu.yield
    }) : () -> ()
    %dma_start3A_99 = arith.constant 30 : i32
    %dma_start3A_100 = arith.constant 0 : i32
    %dma_start3A_101 = arith.constant 0 : i32
    %dma_start3A_102 = arith.constant 0 : i32
    %dma_start3A_103 = tpu.memref_slice %arg9[%dma_start3A_100, %dma_start3A_101, %dma_start3A_102] : memref<3x80x128xf32, #tpu.memory_space<vmem>> -> memref<1x80x128xf32, #tpu.memory_space<vmem>>
    %dma_start3A_104 = tpu.memref_squeeze %dma_start3A_103 : memref<1x80x128xf32, #tpu.memory_space<vmem>> -> memref<80x128xf32, #tpu.memory_space<vmem>>
    %dma_start3A_105 = arith.constant 0 : i32
    %dma_start3A_106 = tpu.memref_slice %arg7[%dma_start3A_99, %dma_start3A_105] : memref<32x80xi32, #tpu.memory_space<vmem>> -> memref<1x80xi32, #tpu.memory_space<vmem>>
    %dma_start3A_107 = tpu.memref_squeeze %dma_start3A_106 : memref<1x80xi32, #tpu.memory_space<vmem>> -> memref<80xi32, #tpu.memory_space<vmem>>
    %dma_start3A_108 = arith.constant 0 : i32
    %dma_start3A_109 = arith.constant 0 : i32
    %dma_start3A_110 = tpu.memref_slice %arg2[%dma_start3A_108, %dma_start3A_109] : memref<10000x128xf32, #tpu.memory_space<hbm>> -> memref<10000x128xf32, #tpu.memory_space<hbm>>
    tpu.enqueue_indirect_dma source(%dma_start3A_110 : memref<10000x128xf32, #tpu.memory_space<hbm>>) target(%dma_start3A_104 : memref<80x128xf32, #tpu.memory_space<vmem>>) offsets(%dma_start3A_107 : memref<80xi32, #tpu.memory_space<vmem>>) semaphore(%arg11 : memref<!tpu.dma_semaphore, #tpu.memory_space<semaphore_mem>>)
    %dma_wait3A_111 = arith.constant 28 : i32
    %dma_wait3A_112 = arith.constant 1 : i32
    %dma_wait3A_113 = arith.constant 0 : i32
    %dma_wait3A_114 = arith.constant 0 : i32
    %dma_wait3A_115 = tpu.memref_slice %arg9[%dma_wait3A_112, %dma_wait3A_113, %dma_wait3A_114] : memref<3x80x128xf32, #tpu.memory_space<vmem>> -> memref<1x80x128xf32, #tpu.memory_space<vmem>>
    %dma_wait3A_116 = tpu.memref_squeeze %dma_wait3A_115 : memref<1x80x128xf32, #tpu.memory_space<vmem>> -> memref<80x128xf32, #tpu.memory_space<vmem>>
    %dma_wait3A_117 = arith.constant 0 : i32
    %dma_wait3A_118 = tpu.memref_slice %arg7[%dma_wait3A_111, %dma_wait3A_117] : memref<32x80xi32, #tpu.memory_space<vmem>> -> memref<1x80xi32, #tpu.memory_space<vmem>>
    %dma_wait3A_119 = tpu.memref_squeeze %dma_wait3A_118 : memref<1x80xi32, #tpu.memory_space<vmem>> -> memref<80xi32, #tpu.memory_space<vmem>>
    %dma_wait3A_120 = arith.constant 0 : i32
    %dma_wait3A_121 = arith.constant 0 : i32
    %dma_wait3A_122 = tpu.memref_slice %arg2[%dma_wait3A_120, %dma_wait3A_121] : memref<10000x128xf32, #tpu.memory_space<hbm>> -> memref<10000x128xf32, #tpu.memory_space<hbm>>
    tpu.wait_indirect_dma semaphore(%arg12 : memref<!tpu.dma_semaphore, #tpu.memory_space<semaphore_mem>>) src(%dma_wait3A_122 : memref<10000x128xf32, #tpu.memory_space<hbm>>) dst(%dma_wait3A_116 : memref<80x128xf32, #tpu.memory_space<vmem>>)
    %run_scoped3A_123 = arith.constant 1 : i32
    %run_scoped3A_124 = arith.constant 28 : i32
    "tpu.region"() ({
      %run_scoped3A_597 = tpu.sem_alloc : memref<!tpu.dma_semaphore, #tpu.memory_space<semaphore_mem>>
      %dma_start3A_598 = arith.constant 0 : i32
      %dma_start3A_599 = arith.constant 0 : i32
      %dma_start3A_600 = tpu.memref_slice %arg9[%run_scoped3A_123, %dma_start3A_598, %dma_start3A_599] : memref<3x80x128xf32, #tpu.memory_space<vmem>> -> memref<1x80x128xf32, #tpu.memory_space<vmem>>
      %dma_start3A_601 = tpu.memref_squeeze %dma_start3A_600 : memref<1x80x128xf32, #tpu.memory_space<vmem>> -> memref<80x128xf32, #tpu.memory_space<vmem>>
      %dma_start3A_602 = arith.constant 0 : i32
      %dma_start3A_603 = tpu.memref_slice %arg8[%run_scoped3A_124, %dma_start3A_602] : memref<32x80xi32, #tpu.memory_space<vmem>> -> memref<1x80xi32, #tpu.memory_space<vmem>>
      %dma_start3A_604 = tpu.memref_squeeze %dma_start3A_603 : memref<1x80xi32, #tpu.memory_space<vmem>> -> memref<80xi32, #tpu.memory_space<vmem>>
      %dma_start3A_605 = arith.constant 0 : i32
      %dma_start3A_606 = arith.constant 0 : i32
      %dma_start3A_607 = tpu.memref_slice %arg10[%dma_start3A_605, %dma_start3A_606] : memref<10240x128xf32, #tpu.memory_space<vmem_shared>> -> memref<10240x128xf32, #tpu.memory_space<vmem_shared>>
      tpu.enqueue_indirect_dma source(%dma_start3A_601 : memref<80x128xf32, #tpu.memory_space<vmem>>) target(%dma_start3A_607 : memref<10240x128xf32, #tpu.memory_space<vmem_shared>>) offsets(%dma_start3A_604 : memref<80xi32, #tpu.memory_space<vmem>>) semaphore(%run_scoped3A_597 : memref<!tpu.dma_semaphore, #tpu.memory_space<semaphore_mem>>) {add = true}
      %dma_wait3A_608 = arith.constant 0 : i32
      %dma_wait3A_609 = arith.constant 0 : i32
      %dma_wait3A_610 = tpu.memref_slice %arg9[%run_scoped3A_123, %dma_wait3A_608, %dma_wait3A_609] : memref<3x80x128xf32, #tpu.memory_space<vmem>> -> memref<1x80x128xf32, #tpu.memory_space<vmem>>
      %dma_wait3A_611 = tpu.memref_squeeze %dma_wait3A_610 : memref<1x80x128xf32, #tpu.memory_space<vmem>> -> memref<80x128xf32, #tpu.memory_space<vmem>>
      %dma_wait3A_612 = arith.constant 0 : i32
      %dma_wait3A_613 = tpu.memref_slice %arg8[%run_scoped3A_124, %dma_wait3A_612] : memref<32x80xi32, #tpu.memory_space<vmem>> -> memref<1x80xi32, #tpu.memory_space<vmem>>
      %dma_wait3A_614 = tpu.memref_squeeze %dma_wait3A_613 : memref<1x80xi32, #tpu.memory_space<vmem>> -> memref<80xi32, #tpu.memory_space<vmem>>
      %dma_wait3A_615 = arith.constant 0 : i32
      %dma_wait3A_616 = arith.constant 0 : i32
      %dma_wait3A_617 = tpu.memref_slice %arg10[%dma_wait3A_615, %dma_wait3A_616] : memref<10240x128xf32, #tpu.memory_space<vmem_shared>> -> memref<10240x128xf32, #tpu.memory_space<vmem_shared>>
      tpu.wait_indirect_dma semaphore(%run_scoped3A_597 : memref<!tpu.dma_semaphore, #tpu.memory_space<semaphore_mem>>) src(%dma_wait3A_611 : memref<80x128xf32, #tpu.memory_space<vmem>>) dst(%dma_wait3A_617 : memref<10240x128xf32, #tpu.memory_space<vmem_shared>>)
      tpu.yield
    }) : () -> ()
    %dma_start3A_125 = arith.constant 31 : i32
    %dma_start3A_126 = arith.constant 1 : i32
    %dma_start3A_127 = arith.constant 0 : i32
    %dma_start3A_128 = arith.constant 0 : i32
    %dma_start3A_129 = tpu.memref_slice %arg9[%dma_start3A_126, %dma_start3A_127, %dma_start3A_128] : memref<3x80x128xf32, #tpu.memory_space<vmem>> -> memref<1x80x128xf32, #tpu.memory_space<vmem>>
    %dma_start3A_130 = tpu.memref_squeeze %dma_start3A_129 : memref<1x80x128xf32, #tpu.memory_space<vmem>> -> memref<80x128xf32, #tpu.memory_space<vmem>>
    %dma_start3A_131 = arith.constant 0 : i32
    %dma_start3A_132 = tpu.memref_slice %arg7[%dma_start3A_125, %dma_start3A_131] : memref<32x80xi32, #tpu.memory_space<vmem>> -> memref<1x80xi32, #tpu.memory_space<vmem>>
    %dma_start3A_133 = tpu.memref_squeeze %dma_start3A_132 : memref<1x80xi32, #tpu.memory_space<vmem>> -> memref<80xi32, #tpu.memory_space<vmem>>
    %dma_start3A_134 = arith.constant 0 : i32
    %dma_start3A_135 = arith.constant 0 : i32
    %dma_start3A_136 = tpu.memref_slice %arg2[%dma_start3A_134, %dma_start3A_135] : memref<10000x128xf32, #tpu.memory_space<hbm>> -> memref<10000x128xf32, #tpu.memory_space<hbm>>
    tpu.enqueue_indirect_dma source(%dma_start3A_136 : memref<10000x128xf32, #tpu.memory_space<hbm>>) target(%dma_start3A_130 : memref<80x128xf32, #tpu.memory_space<vmem>>) offsets(%dma_start3A_133 : memref<80xi32, #tpu.memory_space<vmem>>) semaphore(%arg12 : memref<!tpu.dma_semaphore, #tpu.memory_space<semaphore_mem>>)
    %dma_wait3A_137 = arith.constant 29 : i32
    %dma_wait3A_138 = arith.constant 2 : i32
    %dma_wait3A_139 = arith.constant 0 : i32
    %dma_wait3A_140 = arith.constant 0 : i32
    %dma_wait3A_141 = tpu.memref_slice %arg9[%dma_wait3A_138, %dma_wait3A_139, %dma_wait3A_140] : memref<3x80x128xf32, #tpu.memory_space<vmem>> -> memref<1x80x128xf32, #tpu.memory_space<vmem>>
    %dma_wait3A_142 = tpu.memref_squeeze %dma_wait3A_141 : memref<1x80x128xf32, #tpu.memory_space<vmem>> -> memref<80x128xf32, #tpu.memory_space<vmem>>
    %dma_wait3A_143 = arith.constant 0 : i32
    %dma_wait3A_144 = tpu.memref_slice %arg7[%dma_wait3A_137, %dma_wait3A_143] : memref<32x80xi32, #tpu.memory_space<vmem>> -> memref<1x80xi32, #tpu.memory_space<vmem>>
    %dma_wait3A_145 = tpu.memref_squeeze %dma_wait3A_144 : memref<1x80xi32, #tpu.memory_space<vmem>> -> memref<80xi32, #tpu.memory_space<vmem>>
    %dma_wait3A_146 = arith.constant 0 : i32
    %dma_wait3A_147 = arith.constant 0 : i32
    %dma_wait3A_148 = tpu.memref_slice %arg2[%dma_wait3A_146, %dma_wait3A_147] : memref<10000x128xf32, #tpu.memory_space<hbm>> -> memref<10000x128xf32, #tpu.memory_space<hbm>>
    tpu.wait_indirect_dma semaphore(%arg13 : memref<!tpu.dma_semaphore, #tpu.memory_space<semaphore_mem>>) src(%dma_wait3A_148 : memref<10000x128xf32, #tpu.memory_space<hbm>>) dst(%dma_wait3A_142 : memref<80x128xf32, #tpu.memory_space<vmem>>)
    %run_scoped3A_149 = arith.constant 2 : i32
    %run_scoped3A_150 = arith.constant 29 : i32
    "tpu.region"() ({
      %run_scoped3A_597 = tpu.sem_alloc : memref<!tpu.dma_semaphore, #tpu.memory_space<semaphore_mem>>
      %dma_start3A_598 = arith.constant 0 : i32
      %dma_start3A_599 = arith.constant 0 : i32
      %dma_start3A_600 = tpu.memref_slice %arg9[%run_scoped3A_149, %dma_start3A_598, %dma_start3A_599] : memref<3x80x128xf32, #tpu.memory_space<vmem>> -> memref<1x80x128xf32, #tpu.memory_space<vmem>>
      %dma_start3A_601 = tpu.memref_squeeze %dma_start3A_600 : memref<1x80x128xf32, #tpu.memory_space<vmem>> -> memref<80x128xf32, #tpu.memory_space<vmem>>
      %dma_start3A_602 = arith.constant 0 : i32
      %dma_start3A_603 = tpu.memref_slice %arg8[%run_scoped3A_150, %dma_start3A_602] : memref<32x80xi32, #tpu.memory_space<vmem>> -> memref<1x80xi32, #tpu.memory_space<vmem>>
      %dma_start3A_604 = tpu.memref_squeeze %dma_start3A_603 : memref<1x80xi32, #tpu.memory_space<vmem>> -> memref<80xi32, #tpu.memory_space<vmem>>
      %dma_start3A_605 = arith.constant 0 : i32
      %dma_start3A_606 = arith.constant 0 : i32
      %dma_start3A_607 = tpu.memref_slice %arg10[%dma_start3A_605, %dma_start3A_606] : memref<10240x128xf32, #tpu.memory_space<vmem_shared>> -> memref<10240x128xf32, #tpu.memory_space<vmem_shared>>
      tpu.enqueue_indirect_dma source(%dma_start3A_601 : memref<80x128xf32, #tpu.memory_space<vmem>>) target(%dma_start3A_607 : memref<10240x128xf32, #tpu.memory_space<vmem_shared>>) offsets(%dma_start3A_604 : memref<80xi32, #tpu.memory_space<vmem>>) semaphore(%run_scoped3A_597 : memref<!tpu.dma_semaphore, #tpu.memory_space<semaphore_mem>>) {add = true}
      %dma_wait3A_608 = arith.constant 0 : i32
      %dma_wait3A_609 = arith.constant 0 : i32
      %dma_wait3A_610 = tpu.memref_slice %arg9[%run_scoped3A_149, %dma_wait3A_608, %dma_wait3A_609] : memref<3x80x128xf32, #tpu.memory_space<vmem>> -> memref<1x80x128xf32, #tpu.memory_space<vmem>>
      %dma_wait3A_611 = tpu.memref_squeeze %dma_wait3A_610 : memref<1x80x128xf32, #tpu.memory_space<vmem>> -> memref<80x128xf32, #tpu.memory_space<vmem>>
      %dma_wait3A_612 = arith.constant 0 : i32
      %dma_wait3A_613 = tpu.memref_slice %arg8[%run_scoped3A_150, %dma_wait3A_612] : memref<32x80xi32, #tpu.memory_space<vmem>> -> memref<1x80xi32, #tpu.memory_space<vmem>>
      %dma_wait3A_614 = tpu.memref_squeeze %dma_wait3A_613 : memref<1x80xi32, #tpu.memory_space<vmem>> -> memref<80xi32, #tpu.memory_space<vmem>>
      %dma_wait3A_615 = arith.constant 0 : i32
      %dma_wait3A_616 = arith.constant 0 : i32
      %dma_wait3A_617 = tpu.memref_slice %arg10[%dma_wait3A_615, %dma_wait3A_616] : memref<10240x128xf32, #tpu.memory_space<vmem_shared>> -> memref<10240x128xf32, #tpu.memory_space<vmem_shared>>
      tpu.wait_indirect_dma semaphore(%run_scoped3A_597 : memref<!tpu.dma_semaphore, #tpu.memory_space<semaphore_mem>>) src(%dma_wait3A_611 : memref<80x128xf32, #tpu.memory_space<vmem>>) dst(%dma_wait3A_617 : memref<10240x128xf32, #tpu.memory_space<vmem_shared>>)
      tpu.yield
    }) : () -> ()
    %dma_wait3A_151 = arith.constant 30 : i32
    %dma_wait3A_152 = arith.constant 0 : i32
    %dma_wait3A_153 = arith.constant 0 : i32
    %dma_wait3A_154 = arith.constant 0 : i32
    %dma_wait3A_155 = tpu.memref_slice %arg9[%dma_wait3A_152, %dma_wait3A_153, %dma_wait3A_154] : memref<3x80x128xf32, #tpu.memory_space<vmem>> -> memref<1x80x128xf32, #tpu.memory_space<vmem>>
    %dma_wait3A_156 = tpu.memref_squeeze %dma_wait3A_155 : memref<1x80x128xf32, #tpu.memory_space<vmem>> -> memref<80x128xf32, #tpu.memory_space<vmem>>
    %dma_wait3A_157 = arith.constant 0 : i32
    %dma_wait3A_158 = tpu.memref_slice %arg7[%dma_wait3A_151, %dma_wait3A_157] : memref<32x80xi32, #tpu.memory_space<vmem>> -> memref<1x80xi32, #tpu.memory_space<vmem>>
    %dma_wait3A_159 = tpu.memref_squeeze %dma_wait3A_158 : memref<1x80xi32, #tpu.memory_space<vmem>> -> memref<80xi32, #tpu.memory_space<vmem>>
    %dma_wait3A_160 = arith.constant 0 : i32
    %dma_wait3A_161 = arith.constant 0 : i32
    %dma_wait3A_162 = tpu.memref_slice %arg2[%dma_wait3A_160, %dma_wait3A_161] : memref<10000x128xf32, #tpu.memory_space<hbm>> -> memref<10000x128xf32, #tpu.memory_space<hbm>>
    tpu.wait_indirect_dma semaphore(%arg11 : memref<!tpu.dma_semaphore, #tpu.memory_space<semaphore_mem>>) src(%dma_wait3A_162 : memref<10000x128xf32, #tpu.memory_space<hbm>>) dst(%dma_wait3A_156 : memref<80x128xf32, #tpu.memory_space<vmem>>)
    %run_scoped3A_163 = arith.constant 0 : i32
    %run_scoped3A_164 = arith.constant 30 : i32
    "tpu.region"() ({
      %run_scoped3A_597 = tpu.sem_alloc : memref<!tpu.dma_semaphore, #tpu.memory_space<semaphore_mem>>
      %dma_start3A_598 = arith.constant 0 : i32
      %dma_start3A_599 = arith.constant 0 : i32
      %dma_start3A_600 = tpu.memref_slice %arg9[%run_scoped3A_163, %dma_start3A_598, %dma_start3A_599] : memref<3x80x128xf32, #tpu.memory_space<vmem>> -> memref<1x80x128xf32, #tpu.memory_space<vmem>>
      %dma_start3A_601 = tpu.memref_squeeze %dma_start3A_600 : memref<1x80x128xf32, #tpu.memory_space<vmem>> -> memref<80x128xf32, #tpu.memory_space<vmem>>
      %dma_start3A_602 = arith.constant 0 : i32
      %dma_start3A_603 = tpu.memref_slice %arg8[%run_scoped3A_164, %dma_start3A_602] : memref<32x80xi32, #tpu.memory_space<vmem>> -> memref<1x80xi32, #tpu.memory_space<vmem>>
      %dma_start3A_604 = tpu.memref_squeeze %dma_start3A_603 : memref<1x80xi32, #tpu.memory_space<vmem>> -> memref<80xi32, #tpu.memory_space<vmem>>
      %dma_start3A_605 = arith.constant 0 : i32
      %dma_start3A_606 = arith.constant 0 : i32
      %dma_start3A_607 = tpu.memref_slice %arg10[%dma_start3A_605, %dma_start3A_606] : memref<10240x128xf32, #tpu.memory_space<vmem_shared>> -> memref<10240x128xf32, #tpu.memory_space<vmem_shared>>
      tpu.enqueue_indirect_dma source(%dma_start3A_601 : memref<80x128xf32, #tpu.memory_space<vmem>>) target(%dma_start3A_607 : memref<10240x128xf32, #tpu.memory_space<vmem_shared>>) offsets(%dma_start3A_604 : memref<80xi32, #tpu.memory_space<vmem>>) semaphore(%run_scoped3A_597 : memref<!tpu.dma_semaphore, #tpu.memory_space<semaphore_mem>>) {add = true}
      %dma_wait3A_608 = arith.constant 0 : i32
      %dma_wait3A_609 = arith.constant 0 : i32
      %dma_wait3A_610 = tpu.memref_slice %arg9[%run_scoped3A_163, %dma_wait3A_608, %dma_wait3A_609] : memref<3x80x128xf32, #tpu.memory_space<vmem>> -> memref<1x80x128xf32, #tpu.memory_space<vmem>>
      %dma_wait3A_611 = tpu.memref_squeeze %dma_wait3A_610 : memref<1x80x128xf32, #tpu.memory_space<vmem>> -> memref<80x128xf32, #tpu.memory_space<vmem>>
      %dma_wait3A_612 = arith.constant 0 : i32
      %dma_wait3A_613 = tpu.memref_slice %arg8[%run_scoped3A_164, %dma_wait3A_612] : memref<32x80xi32, #tpu.memory_space<vmem>> -> memref<1x80xi32, #tpu.memory_space<vmem>>
      %dma_wait3A_614 = tpu.memref_squeeze %dma_wait3A_613 : memref<1x80xi32, #tpu.memory_space<vmem>> -> memref<80xi32, #tpu.memory_space<vmem>>
      %dma_wait3A_615 = arith.constant 0 : i32
      %dma_wait3A_616 = arith.constant 0 : i32
      %dma_wait3A_617 = tpu.memref_slice %arg10[%dma_wait3A_615, %dma_wait3A_616] : memref<10240x128xf32, #tpu.memory_space<vmem_shared>> -> memref<10240x128xf32, #tpu.memory_space<vmem_shared>>
      tpu.wait_indirect_dma semaphore(%run_scoped3A_597 : memref<!tpu.dma_semaphore, #tpu.memory_space<semaphore_mem>>) src(%dma_wait3A_611 : memref<80x128xf32, #tpu.memory_space<vmem>>) dst(%dma_wait3A_617 : memref<10240x128xf32, #tpu.memory_space<vmem_shared>>)
      tpu.yield
    }) : () -> ()
    %dma_wait3A_165 = arith.constant 31 : i32
    %dma_wait3A_166 = arith.constant 1 : i32
    %dma_wait3A_167 = arith.constant 0 : i32
    %dma_wait3A_168 = arith.constant 0 : i32
    %dma_wait3A_169 = tpu.memref_slice %arg9[%dma_wait3A_166, %dma_wait3A_167, %dma_wait3A_168] : memref<3x80x128xf32, #tpu.memory_space<vmem>> -> memref<1x80x128xf32, #tpu.memory_space<vmem>>
    %dma_wait3A_170 = tpu.memref_squeeze %dma_wait3A_169 : memref<1x80x128xf32, #tpu.memory_space<vmem>> -> memref<80x128xf32, #tpu.memory_space<vmem>>
    %dma_wait3A_171 = arith.constant 0 : i32
    %dma_wait3A_172 = tpu.memref_slice %arg7[%dma_wait3A_165, %dma_wait3A_171] : memref<32x80xi32, #tpu.memory_space<vmem>> -> memref<1x80xi32, #tpu.memory_space<vmem>>
    %dma_wait3A_173 = tpu.memref_squeeze %dma_wait3A_172 : memref<1x80xi32, #tpu.memory_space<vmem>> -> memref<80xi32, #tpu.memory_space<vmem>>
    %dma_wait3A_174 = arith.constant 0 : i32
    %dma_wait3A_175 = arith.constant 0 : i32
    %dma_wait3A_176 = tpu.memref_slice %arg2[%dma_wait3A_174, %dma_wait3A_175] : memref<10000x128xf32, #tpu.memory_space<hbm>> -> memref<10000x128xf32, #tpu.memory_space<hbm>>
    tpu.wait_indirect_dma semaphore(%arg12 : memref<!tpu.dma_semaphore, #tpu.memory_space<semaphore_mem>>) src(%dma_wait3A_176 : memref<10000x128xf32, #tpu.memory_space<hbm>>) dst(%dma_wait3A_170 : memref<80x128xf32, #tpu.memory_space<vmem>>)
    %run_scoped3A_177 = arith.constant 1 : i32
    %run_scoped3A_178 = arith.constant 31 : i32
    "tpu.region"() ({
      %run_scoped3A_597 = tpu.sem_alloc : memref<!tpu.dma_semaphore, #tpu.memory_space<semaphore_mem>>
      %dma_start3A_598 = arith.constant 0 : i32
      %dma_start3A_599 = arith.constant 0 : i32
      %dma_start3A_600 = tpu.memref_slice %arg9[%run_scoped3A_177, %dma_start3A_598, %dma_start3A_599] : memref<3x80x128xf32, #tpu.memory_space<vmem>> -> memref<1x80x128xf32, #tpu.memory_space<vmem>>
      %dma_start3A_601 = tpu.memref_squeeze %dma_start3A_600 : memref<1x80x128xf32, #tpu.memory_space<vmem>> -> memref<80x128xf32, #tpu.memory_space<vmem>>
      %dma_start3A_602 = arith.constant 0 : i32
      %dma_start3A_603 = tpu.memref_slice %arg8[%run_scoped3A_178, %dma_start3A_602] : memref<32x80xi32, #tpu.memory_space<vmem>> -> memref<1x80xi32, #tpu.memory_space<vmem>>
      %dma_start3A_604 = tpu.memref_squeeze %dma_start3A_603 : memref<1x80xi32, #tpu.memory_space<vmem>> -> memref<80xi32, #tpu.memory_space<vmem>>
      %dma_start3A_605 = arith.constant 0 : i32
      %dma_start3A_606 = arith.constant 0 : i32
      %dma_start3A_607 = tpu.memref_slice %arg10[%dma_start3A_605, %dma_start3A_606] : memref<10240x128xf32, #tpu.memory_space<vmem_shared>> -> memref<10240x128xf32, #tpu.memory_space<vmem_shared>>
      tpu.enqueue_indirect_dma source(%dma_start3A_601 : memref<80x128xf32, #tpu.memory_space<vmem>>) target(%dma_start3A_607 : memref<10240x128xf32, #tpu.memory_space<vmem_shared>>) offsets(%dma_start3A_604 : memref<80xi32, #tpu.memory_space<vmem>>) semaphore(%run_scoped3A_597 : memref<!tpu.dma_semaphore, #tpu.memory_space<semaphore_mem>>) {add = true}
      %dma_wait3A_608 = arith.constant 0 : i32
      %dma_wait3A_609 = arith.constant 0 : i32
      %dma_wait3A_610 = tpu.memref_slice %arg9[%run_scoped3A_177, %dma_wait3A_608, %dma_wait3A_609] : memref<3x80x128xf32, #tpu.memory_space<vmem>> -> memref<1x80x128xf32, #tpu.memory_space<vmem>>
      %dma_wait3A_611 = tpu.memref_squeeze %dma_wait3A_610 : memref<1x80x128xf32, #tpu.memory_space<vmem>> -> memref<80x128xf32, #tpu.memory_space<vmem>>
      %dma_wait3A_612 = arith.constant 0 : i32
      %dma_wait3A_613 = tpu.memref_slice %arg8[%run_scoped3A_178, %dma_wait3A_612] : memref<32x80xi32, #tpu.memory_space<vmem>> -> memref<1x80xi32, #tpu.memory_space<vmem>>
      %dma_wait3A_614 = tpu.memref_squeeze %dma_wait3A_613 : memref<1x80xi32, #tpu.memory_space<vmem>> -> memref<80xi32, #tpu.memory_space<vmem>>
      %dma_wait3A_615 = arith.constant 0 : i32
      %dma_wait3A_616 = arith.constant 0 : i32
      %dma_wait3A_617 = tpu.memref_slice %arg10[%dma_wait3A_615, %dma_wait3A_616] : memref<10240x128xf32, #tpu.memory_space<vmem_shared>> -> memref<10240x128xf32, #tpu.memory_space<vmem_shared>>
      tpu.wait_indirect_dma semaphore(%run_scoped3A_597 : memref<!tpu.dma_semaphore, #tpu.memory_space<semaphore_mem>>) src(%dma_wait3A_611 : memref<80x128xf32, #tpu.memory_space<vmem>>) dst(%dma_wait3A_617 : memref<10240x128xf32, #tpu.memory_space<vmem_shared>>)
      tpu.yield
    }) : () -> ()
    %mul3A_179 = arith.constant 128 : i32
    %mul3A_180 = arith.muli %add3A, %mul3A_179 : i32
    %add3A_181 = arith.constant 32 : i32
    %add3A_182 = arith.addi %mul3A_180, %add3A_181 : i32
    "tpu.region"() ({
      %run_scoped3A_597 = tpu.sem_alloc : memref<!tpu.dma_semaphore, #tpu.memory_space<semaphore_mem>>
      %dma_start3A_598 = arith.constant 0 : i32
      %dma_start3A_599 = tpu.memref_slice %arg3[%add3A_182, %dma_start3A_598] : memref<4096x80xi32, #tpu.memory_space<hbm>> -> memref<32x80xi32, #tpu.memory_space<hbm>>
      %dma_start3A_600 = arith.constant 0 : i32
      %dma_start3A_601 = tpu.memref_slice %arg3[%add3A_182, %dma_start3A_600] : memref<4096x80xi32, #tpu.memory_space<hbm>> -> memref<32x80xi32, #tpu.memory_space<hbm>>
      tpu.enqueue_dma source(%dma_start3A_601 : memref<32x80xi32, #tpu.memory_space<hbm>>) target(%arg7 : memref<32x80xi32, #tpu.memory_space<vmem>>) target_semaphore(%run_scoped3A_597 : memref<!tpu.dma_semaphore, #tpu.memory_space<semaphore_mem>>)
      %dma_wait3A_602 = arith.constant 0 : i32
      %dma_wait3A_603 = tpu.memref_slice %arg3[%add3A_182, %dma_wait3A_602] : memref<4096x80xi32, #tpu.memory_space<hbm>> -> memref<32x80xi32, #tpu.memory_space<hbm>>
      %dma_wait3A_604 = arith.constant 0 : i32
      %dma_wait3A_605 = tpu.memref_slice %arg3[%add3A_182, %dma_wait3A_604] : memref<4096x80xi32, #tpu.memory_space<hbm>> -> memref<32x80xi32, #tpu.memory_space<hbm>>
      tpu.wait_dma2 semaphore(%run_scoped3A_597 : memref<!tpu.dma_semaphore, #tpu.memory_space<semaphore_mem>>) src(%dma_wait3A_605 : memref<32x80xi32, #tpu.memory_space<hbm>>) dst(%arg7 : memref<32x80xi32, #tpu.memory_space<vmem>>)
      tpu.yield
    }) : () -> ()
    "tpu.region"() ({
      %run_scoped3A_597 = tpu.sem_alloc : memref<!tpu.dma_semaphore, #tpu.memory_space<semaphore_mem>>
      %dma_start3A_598 = arith.constant 0 : i32
      %dma_start3A_599 = tpu.memref_slice %arg4[%add3A_182, %dma_start3A_598] : memref<4096x80xi32, #tpu.memory_space<hbm>> -> memref<32x80xi32, #tpu.memory_space<hbm>>
      %dma_start3A_600 = arith.constant 0 : i32
      %dma_start3A_601 = tpu.memref_slice %arg4[%add3A_182, %dma_start3A_600] : memref<4096x80xi32, #tpu.memory_space<hbm>> -> memref<32x80xi32, #tpu.memory_space<hbm>>
      tpu.enqueue_dma source(%dma_start3A_601 : memref<32x80xi32, #tpu.memory_space<hbm>>) target(%arg8 : memref<32x80xi32, #tpu.memory_space<vmem>>) target_semaphore(%run_scoped3A_597 : memref<!tpu.dma_semaphore, #tpu.memory_space<semaphore_mem>>)
      %dma_wait3A_602 = arith.constant 0 : i32
      %dma_wait3A_603 = tpu.memref_slice %arg4[%add3A_182, %dma_wait3A_602] : memref<4096x80xi32, #tpu.memory_space<hbm>> -> memref<32x80xi32, #tpu.memory_space<hbm>>
      %dma_wait3A_604 = arith.constant 0 : i32
      %dma_wait3A_605 = tpu.memref_slice %arg4[%add3A_182, %dma_wait3A_604] : memref<4096x80xi32, #tpu.memory_space<hbm>> -> memref<32x80xi32, #tpu.memory_space<hbm>>
      tpu.wait_dma2 semaphore(%run_scoped3A_597 : memref<!tpu.dma_semaphore, #tpu.memory_space<semaphore_mem>>) src(%dma_wait3A_605 : memref<32x80xi32, #tpu.memory_space<hbm>>) dst(%arg8 : memref<32x80xi32, #tpu.memory_space<vmem>>)
      tpu.yield
    }) : () -> ()
    %dma_start3A_183 = arith.constant 0 : i32
    %dma_start3A_184 = arith.constant 0 : i32
    %dma_start3A_185 = arith.constant 0 : i32
    %dma_start3A_186 = arith.constant 0 : i32
    %dma_start3A_187 = tpu.memref_slice %arg9[%dma_start3A_184, %dma_start3A_185, %dma_start3A_186] : memref<3x80x128xf32, #tpu.memory_space<vmem>> -> memref<1x80x128xf32, #tpu.memory_space<vmem>>
    %dma_start3A_188 = tpu.memref_squeeze %dma_start3A_187 : memref<1x80x128xf32, #tpu.memory_space<vmem>> -> memref<80x128xf32, #tpu.memory_space<vmem>>
    %dma_start3A_189 = arith.constant 0 : i32
    %dma_start3A_190 = tpu.memref_slice %arg7[%dma_start3A_183, %dma_start3A_189] : memref<32x80xi32, #tpu.memory_space<vmem>> -> memref<1x80xi32, #tpu.memory_space<vmem>>
    %dma_start3A_191 = tpu.memref_squeeze %dma_start3A_190 : memref<1x80xi32, #tpu.memory_space<vmem>> -> memref<80xi32, #tpu.memory_space<vmem>>
    %dma_start3A_192 = arith.constant 0 : i32
    %dma_start3A_193 = arith.constant 0 : i32
    %dma_start3A_194 = tpu.memref_slice %arg2[%dma_start3A_192, %dma_start3A_193] : memref<10000x128xf32, #tpu.memory_space<hbm>> -> memref<10000x128xf32, #tpu.memory_space<hbm>>
    tpu.enqueue_indirect_dma source(%dma_start3A_194 : memref<10000x128xf32, #tpu.memory_space<hbm>>) target(%dma_start3A_188 : memref<80x128xf32, #tpu.memory_space<vmem>>) offsets(%dma_start3A_191 : memref<80xi32, #tpu.memory_space<vmem>>) semaphore(%arg11 : memref<!tpu.dma_semaphore, #tpu.memory_space<semaphore_mem>>)
    %dma_start3A_195 = arith.constant 1 : i32
    %dma_start3A_196 = arith.constant 1 : i32
    %dma_start3A_197 = arith.constant 0 : i32
    %dma_start3A_198 = arith.constant 0 : i32
    %dma_start3A_199 = tpu.memref_slice %arg9[%dma_start3A_196, %dma_start3A_197, %dma_start3A_198] : memref<3x80x128xf32, #tpu.memory_space<vmem>> -> memref<1x80x128xf32, #tpu.memory_space<vmem>>
    %dma_start3A_200 = tpu.memref_squeeze %dma_start3A_199 : memref<1x80x128xf32, #tpu.memory_space<vmem>> -> memref<80x128xf32, #tpu.memory_space<vmem>>
    %dma_start3A_201 = arith.constant 0 : i32
    %dma_start3A_202 = tpu.memref_slice %arg7[%dma_start3A_195, %dma_start3A_201] : memref<32x80xi32, #tpu.memory_space<vmem>> -> memref<1x80xi32, #tpu.memory_space<vmem>>
    %dma_start3A_203 = tpu.memref_squeeze %dma_start3A_202 : memref<1x80xi32, #tpu.memory_space<vmem>> -> memref<80xi32, #tpu.memory_space<vmem>>
    %dma_start3A_204 = arith.constant 0 : i32
    %dma_start3A_205 = arith.constant 0 : i32
    %dma_start3A_206 = tpu.memref_slice %arg2[%dma_start3A_204, %dma_start3A_205] : memref<10000x128xf32, #tpu.memory_space<hbm>> -> memref<10000x128xf32, #tpu.memory_space<hbm>>
    tpu.enqueue_indirect_dma source(%dma_start3A_206 : memref<10000x128xf32, #tpu.memory_space<hbm>>) target(%dma_start3A_200 : memref<80x128xf32, #tpu.memory_space<vmem>>) offsets(%dma_start3A_203 : memref<80xi32, #tpu.memory_space<vmem>>) semaphore(%arg12 : memref<!tpu.dma_semaphore, #tpu.memory_space<semaphore_mem>>)
    %dma_start3A_207 = arith.constant 2 : i32
    %dma_start3A_208 = arith.constant 2 : i32
    %dma_start3A_209 = arith.constant 0 : i32
    %dma_start3A_210 = arith.constant 0 : i32
    %dma_start3A_211 = tpu.memref_slice %arg9[%dma_start3A_208, %dma_start3A_209, %dma_start3A_210] : memref<3x80x128xf32, #tpu.memory_space<vmem>> -> memref<1x80x128xf32, #tpu.memory_space<vmem>>
    %dma_start3A_212 = tpu.memref_squeeze %dma_start3A_211 : memref<1x80x128xf32, #tpu.memory_space<vmem>> -> memref<80x128xf32, #tpu.memory_space<vmem>>
    %dma_start3A_213 = arith.constant 0 : i32
    %dma_start3A_214 = tpu.memref_slice %arg7[%dma_start3A_207, %dma_start3A_213] : memref<32x80xi32, #tpu.memory_space<vmem>> -> memref<1x80xi32, #tpu.memory_space<vmem>>
    %dma_start3A_215 = tpu.memref_squeeze %dma_start3A_214 : memref<1x80xi32, #tpu.memory_space<vmem>> -> memref<80xi32, #tpu.memory_space<vmem>>
    %dma_start3A_216 = arith.constant 0 : i32
    %dma_start3A_217 = arith.constant 0 : i32
    %dma_start3A_218 = tpu.memref_slice %arg2[%dma_start3A_216, %dma_start3A_217] : memref<10000x128xf32, #tpu.memory_space<hbm>> -> memref<10000x128xf32, #tpu.memory_space<hbm>>
    tpu.enqueue_indirect_dma source(%dma_start3A_218 : memref<10000x128xf32, #tpu.memory_space<hbm>>) target(%dma_start3A_212 : memref<80x128xf32, #tpu.memory_space<vmem>>) offsets(%dma_start3A_215 : memref<80xi32, #tpu.memory_space<vmem>>) semaphore(%arg13 : memref<!tpu.dma_semaphore, #tpu.memory_space<semaphore_mem>>)
    %scan3A_219 = arith.constant 0 : i32
    %scan3A_220 = arith.constant 9 : i32
    %scan3A_221 = arith.addi %scan3A_219, %scan3A_220 : i32
    %scan3A_222 = arith.constant 1 : i32
    scf.for %scan3A_597 = %scan3A_219 to %scan3A_221 step %scan3A_222  : i32 {
      %mul3A_598 = arith.constant 1 : i32
      %mul3A_599 = arith.muli %scan3A_597, %mul3A_598 : i32
      %add3A_600 = arith.constant 0 : i32
      %add3A_601 = arith.addi %add3A_600, %mul3A_599 : i32
      %mul3A_602 = arith.constant 3 : i32
      %mul3A_603 = arith.muli %add3A_601, %mul3A_602 : i32
      %add3A_604 = arith.constant 0 : i32
      %add3A_605 = arith.addi %mul3A_603, %add3A_604 : i32
      %dma_wait3A_606 = arith.constant 0 : i32
      %dma_wait3A_607 = arith.constant 0 : i32
      %dma_wait3A_608 = arith.constant 0 : i32
      %dma_wait3A_609 = tpu.memref_slice %arg9[%dma_wait3A_606, %dma_wait3A_607, %dma_wait3A_608] : memref<3x80x128xf32, #tpu.memory_space<vmem>> -> memref<1x80x128xf32, #tpu.memory_space<vmem>>
      %dma_wait3A_610 = tpu.memref_squeeze %dma_wait3A_609 : memref<1x80x128xf32, #tpu.memory_space<vmem>> -> memref<80x128xf32, #tpu.memory_space<vmem>>
      %dma_wait3A_611 = arith.constant 0 : i32
      %dma_wait3A_612 = tpu.memref_slice %arg7[%add3A_605, %dma_wait3A_611] : memref<32x80xi32, #tpu.memory_space<vmem>> -> memref<1x80xi32, #tpu.memory_space<vmem>>
      %dma_wait3A_613 = tpu.memref_squeeze %dma_wait3A_612 : memref<1x80xi32, #tpu.memory_space<vmem>> -> memref<80xi32, #tpu.memory_space<vmem>>
      %dma_wait3A_614 = arith.constant 0 : i32
      %dma_wait3A_615 = arith.constant 0 : i32
      %dma_wait3A_616 = tpu.memref_slice %arg2[%dma_wait3A_614, %dma_wait3A_615] : memref<10000x128xf32, #tpu.memory_space<hbm>> -> memref<10000x128xf32, #tpu.memory_space<hbm>>
      tpu.wait_indirect_dma semaphore(%arg11 : memref<!tpu.dma_semaphore, #tpu.memory_space<semaphore_mem>>) src(%dma_wait3A_616 : memref<10000x128xf32, #tpu.memory_space<hbm>>) dst(%dma_wait3A_610 : memref<80x128xf32, #tpu.memory_space<vmem>>)
      %run_scoped3A_617 = arith.constant 0 : i32
      "tpu.region"() ({
        %run_scoped3A_689 = tpu.sem_alloc : memref<!tpu.dma_semaphore, #tpu.memory_space<semaphore_mem>>
        %dma_start3A_690 = arith.constant 0 : i32
        %dma_start3A_691 = arith.constant 0 : i32
        %dma_start3A_692 = tpu.memref_slice %arg9[%run_scoped3A_617, %dma_start3A_690, %dma_start3A_691] : memref<3x80x128xf32, #tpu.memory_space<vmem>> -> memref<1x80x128xf32, #tpu.memory_space<vmem>>
        %dma_start3A_693 = tpu.memref_squeeze %dma_start3A_692 : memref<1x80x128xf32, #tpu.memory_space<vmem>> -> memref<80x128xf32, #tpu.memory_space<vmem>>
        %dma_start3A_694 = arith.constant 0 : i32
        %dma_start3A_695 = tpu.memref_slice %arg8[%add3A_605, %dma_start3A_694] : memref<32x80xi32, #tpu.memory_space<vmem>> -> memref<1x80xi32, #tpu.memory_space<vmem>>
        %dma_start3A_696 = tpu.memref_squeeze %dma_start3A_695 : memref<1x80xi32, #tpu.memory_space<vmem>> -> memref<80xi32, #tpu.memory_space<vmem>>
        %dma_start3A_697 = arith.constant 0 : i32
        %dma_start3A_698 = arith.constant 0 : i32
        %dma_start3A_699 = tpu.memref_slice %arg10[%dma_start3A_697, %dma_start3A_698] : memref<10240x128xf32, #tpu.memory_space<vmem_shared>> -> memref<10240x128xf32, #tpu.memory_space<vmem_shared>>
        tpu.enqueue_indirect_dma source(%dma_start3A_693 : memref<80x128xf32, #tpu.memory_space<vmem>>) target(%dma_start3A_699 : memref<10240x128xf32, #tpu.memory_space<vmem_shared>>) offsets(%dma_start3A_696 : memref<80xi32, #tpu.memory_space<vmem>>) semaphore(%run_scoped3A_689 : memref<!tpu.dma_semaphore, #tpu.memory_space<semaphore_mem>>) {add = true}
        %dma_wait3A_700 = arith.constant 0 : i32
        %dma_wait3A_701 = arith.constant 0 : i32
        %dma_wait3A_702 = tpu.memref_slice %arg9[%run_scoped3A_617, %dma_wait3A_700, %dma_wait3A_701] : memref<3x80x128xf32, #tpu.memory_space<vmem>> -> memref<1x80x128xf32, #tpu.memory_space<vmem>>
        %dma_wait3A_703 = tpu.memref_squeeze %dma_wait3A_702 : memref<1x80x128xf32, #tpu.memory_space<vmem>> -> memref<80x128xf32, #tpu.memory_space<vmem>>
        %dma_wait3A_704 = arith.constant 0 : i32
        %dma_wait3A_705 = tpu.memref_slice %arg8[%add3A_605, %dma_wait3A_704] : memref<32x80xi32, #tpu.memory_space<vmem>> -> memref<1x80xi32, #tpu.memory_space<vmem>>
        %dma_wait3A_706 = tpu.memref_squeeze %dma_wait3A_705 : memref<1x80xi32, #tpu.memory_space<vmem>> -> memref<80xi32, #tpu.memory_space<vmem>>
        %dma_wait3A_707 = arith.constant 0 : i32
        %dma_wait3A_708 = arith.constant 0 : i32
        %dma_wait3A_709 = tpu.memref_slice %arg10[%dma_wait3A_707, %dma_wait3A_708] : memref<10240x128xf32, #tpu.memory_space<vmem_shared>> -> memref<10240x128xf32, #tpu.memory_space<vmem_shared>>
        tpu.wait_indirect_dma semaphore(%run_scoped3A_689 : memref<!tpu.dma_semaphore, #tpu.memory_space<semaphore_mem>>) src(%dma_wait3A_703 : memref<80x128xf32, #tpu.memory_space<vmem>>) dst(%dma_wait3A_709 : memref<10240x128xf32, #tpu.memory_space<vmem_shared>>)
        tpu.yield
      }) : () -> ()
      %add3A_618 = arith.constant 3 : i32
      %add3A_619 = arith.addi %add3A_605, %add3A_618 : i32
      %dma_start3A_620 = arith.constant 0 : i32
      %dma_start3A_621 = arith.constant 0 : i32
      %dma_start3A_622 = arith.constant 0 : i32
      %dma_start3A_623 = tpu.memref_slice %arg9[%dma_start3A_620, %dma_start3A_621, %dma_start3A_622] : memref<3x80x128xf32, #tpu.memory_space<vmem>> -> memref<1x80x128xf32, #tpu.memory_space<vmem>>
      %dma_start3A_624 = tpu.memref_squeeze %dma_start3A_623 : memref<1x80x128xf32, #tpu.memory_space<vmem>> -> memref<80x128xf32, #tpu.memory_space<vmem>>
      %dma_start3A_625 = arith.constant 0 : i32
      %dma_start3A_626 = tpu.memref_slice %arg7[%add3A_619, %dma_start3A_625] : memref<32x80xi32, #tpu.memory_space<vmem>> -> memref<1x80xi32, #tpu.memory_space<vmem>>
      %dma_start3A_627 = tpu.memref_squeeze %dma_start3A_626 : memref<1x80xi32, #tpu.memory_space<vmem>> -> memref<80xi32, #tpu.memory_space<vmem>>
      %dma_start3A_628 = arith.constant 0 : i32
      %dma_start3A_629 = arith.constant 0 : i32
      %dma_start3A_630 = tpu.memref_slice %arg2[%dma_start3A_628, %dma_start3A_629] : memref<10000x128xf32, #tpu.memory_space<hbm>> -> memref<10000x128xf32, #tpu.memory_space<hbm>>
      tpu.enqueue_indirect_dma source(%dma_start3A_630 : memref<10000x128xf32, #tpu.memory_space<hbm>>) target(%dma_start3A_624 : memref<80x128xf32, #tpu.memory_space<vmem>>) offsets(%dma_start3A_627 : memref<80xi32, #tpu.memory_space<vmem>>) semaphore(%arg11 : memref<!tpu.dma_semaphore, #tpu.memory_space<semaphore_mem>>)
      %mul3A_631 = arith.constant 3 : i32
      %mul3A_632 = arith.muli %add3A_601, %mul3A_631 : i32
      %add3A_633 = arith.constant 1 : i32
      %add3A_634 = arith.addi %mul3A_632, %add3A_633 : i32
      %dma_wait3A_635 = arith.constant 1 : i32
      %dma_wait3A_636 = arith.constant 0 : i32
      %dma_wait3A_637 = arith.constant 0 : i32
      %dma_wait3A_638 = tpu.memref_slice %arg9[%dma_wait3A_635, %dma_wait3A_636, %dma_wait3A_637] : memref<3x80x128xf32, #tpu.memory_space<vmem>> -> memref<1x80x128xf32, #tpu.memory_space<vmem>>
      %dma_wait3A_639 = tpu.memref_squeeze %dma_wait3A_638 : memref<1x80x128xf32, #tpu.memory_space<vmem>> -> memref<80x128xf32, #tpu.memory_space<vmem>>
      %dma_wait3A_640 = arith.constant 0 : i32
      %dma_wait3A_641 = tpu.memref_slice %arg7[%add3A_634, %dma_wait3A_640] : memref<32x80xi32, #tpu.memory_space<vmem>> -> memref<1x80xi32, #tpu.memory_space<vmem>>
      %dma_wait3A_642 = tpu.memref_squeeze %dma_wait3A_641 : memref<1x80xi32, #tpu.memory_space<vmem>> -> memref<80xi32, #tpu.memory_space<vmem>>
      %dma_wait3A_643 = arith.constant 0 : i32
      %dma_wait3A_644 = arith.constant 0 : i32
      %dma_wait3A_645 = tpu.memref_slice %arg2[%dma_wait3A_643, %dma_wait3A_644] : memref<10000x128xf32, #tpu.memory_space<hbm>> -> memref<10000x128xf32, #tpu.memory_space<hbm>>
      tpu.wait_indirect_dma semaphore(%arg12 : memref<!tpu.dma_semaphore, #tpu.memory_space<semaphore_mem>>) src(%dma_wait3A_645 : memref<10000x128xf32, #tpu.memory_space<hbm>>) dst(%dma_wait3A_639 : memref<80x128xf32, #tpu.memory_space<vmem>>)
      %run_scoped3A_646 = arith.constant 1 : i32
      "tpu.region"() ({
        %run_scoped3A_689 = tpu.sem_alloc : memref<!tpu.dma_semaphore, #tpu.memory_space<semaphore_mem>>
        %dma_start3A_690 = arith.constant 0 : i32
        %dma_start3A_691 = arith.constant 0 : i32
        %dma_start3A_692 = tpu.memref_slice %arg9[%run_scoped3A_646, %dma_start3A_690, %dma_start3A_691] : memref<3x80x128xf32, #tpu.memory_space<vmem>> -> memref<1x80x128xf32, #tpu.memory_space<vmem>>
        %dma_start3A_693 = tpu.memref_squeeze %dma_start3A_692 : memref<1x80x128xf32, #tpu.memory_space<vmem>> -> memref<80x128xf32, #tpu.memory_space<vmem>>
        %dma_start3A_694 = arith.constant 0 : i32
        %dma_start3A_695 = tpu.memref_slice %arg8[%add3A_634, %dma_start3A_694] : memref<32x80xi32, #tpu.memory_space<vmem>> -> memref<1x80xi32, #tpu.memory_space<vmem>>
        %dma_start3A_696 = tpu.memref_squeeze %dma_start3A_695 : memref<1x80xi32, #tpu.memory_space<vmem>> -> memref<80xi32, #tpu.memory_space<vmem>>
        %dma_start3A_697 = arith.constant 0 : i32
        %dma_start3A_698 = arith.constant 0 : i32
        %dma_start3A_699 = tpu.memref_slice %arg10[%dma_start3A_697, %dma_start3A_698] : memref<10240x128xf32, #tpu.memory_space<vmem_shared>> -> memref<10240x128xf32, #tpu.memory_space<vmem_shared>>
        tpu.enqueue_indirect_dma source(%dma_start3A_693 : memref<80x128xf32, #tpu.memory_space<vmem>>) target(%dma_start3A_699 : memref<10240x128xf32, #tpu.memory_space<vmem_shared>>) offsets(%dma_start3A_696 : memref<80xi32, #tpu.memory_space<vmem>>) semaphore(%run_scoped3A_689 : memref<!tpu.dma_semaphore, #tpu.memory_space<semaphore_mem>>) {add = true}
        %dma_wait3A_700 = arith.constant 0 : i32
        %dma_wait3A_701 = arith.constant 0 : i32
        %dma_wait3A_702 = tpu.memref_slice %arg9[%run_scoped3A_646, %dma_wait3A_700, %dma_wait3A_701] : memref<3x80x128xf32, #tpu.memory_space<vmem>> -> memref<1x80x128xf32, #tpu.memory_space<vmem>>
        %dma_wait3A_703 = tpu.memref_squeeze %dma_wait3A_702 : memref<1x80x128xf32, #tpu.memory_space<vmem>> -> memref<80x128xf32, #tpu.memory_space<vmem>>
        %dma_wait3A_704 = arith.constant 0 : i32
        %dma_wait3A_705 = tpu.memref_slice %arg8[%add3A_634, %dma_wait3A_704] : memref<32x80xi32, #tpu.memory_space<vmem>> -> memref<1x80xi32, #tpu.memory_space<vmem>>
        %dma_wait3A_706 = tpu.memref_squeeze %dma_wait3A_705 : memref<1x80xi32, #tpu.memory_space<vmem>> -> memref<80xi32, #tpu.memory_space<vmem>>
        %dma_wait3A_707 = arith.constant 0 : i32
        %dma_wait3A_708 = arith.constant 0 : i32
        %dma_wait3A_709 = tpu.memref_slice %arg10[%dma_wait3A_707, %dma_wait3A_708] : memref<10240x128xf32, #tpu.memory_space<vmem_shared>> -> memref<10240x128xf32, #tpu.memory_space<vmem_shared>>
        tpu.wait_indirect_dma semaphore(%run_scoped3A_689 : memref<!tpu.dma_semaphore, #tpu.memory_space<semaphore_mem>>) src(%dma_wait3A_703 : memref<80x128xf32, #tpu.memory_space<vmem>>) dst(%dma_wait3A_709 : memref<10240x128xf32, #tpu.memory_space<vmem_shared>>)
        tpu.yield
      }) : () -> ()
      %add3A_647 = arith.constant 3 : i32
      %add3A_648 = arith.addi %add3A_634, %add3A_647 : i32
      %dma_start3A_649 = arith.constant 1 : i32
      %dma_start3A_650 = arith.constant 0 : i32
      %dma_start3A_651 = arith.constant 0 : i32
      %dma_start3A_652 = tpu.memref_slice %arg9[%dma_start3A_649, %dma_start3A_650, %dma_start3A_651] : memref<3x80x128xf32, #tpu.memory_space<vmem>> -> memref<1x80x128xf32, #tpu.memory_space<vmem>>
      %dma_start3A_653 = tpu.memref_squeeze %dma_start3A_652 : memref<1x80x128xf32, #tpu.memory_space<vmem>> -> memref<80x128xf32, #tpu.memory_space<vmem>>
      %dma_start3A_654 = arith.constant 0 : i32
      %dma_start3A_655 = tpu.memref_slice %arg7[%add3A_648, %dma_start3A_654] : memref<32x80xi32, #tpu.memory_space<vmem>> -> memref<1x80xi32, #tpu.memory_space<vmem>>
      %dma_start3A_656 = tpu.memref_squeeze %dma_start3A_655 : memref<1x80xi32, #tpu.memory_space<vmem>> -> memref<80xi32, #tpu.memory_space<vmem>>
      %dma_start3A_657 = arith.constant 0 : i32
      %dma_start3A_658 = arith.constant 0 : i32
      %dma_start3A_659 = tpu.memref_slice %arg2[%dma_start3A_657, %dma_start3A_658] : memref<10000x128xf32, #tpu.memory_space<hbm>> -> memref<10000x128xf32, #tpu.memory_space<hbm>>
      tpu.enqueue_indirect_dma source(%dma_start3A_659 : memref<10000x128xf32, #tpu.memory_space<hbm>>) target(%dma_start3A_653 : memref<80x128xf32, #tpu.memory_space<vmem>>) offsets(%dma_start3A_656 : memref<80xi32, #tpu.memory_space<vmem>>) semaphore(%arg12 : memref<!tpu.dma_semaphore, #tpu.memory_space<semaphore_mem>>)
      %mul3A_660 = arith.constant 3 : i32
      %mul3A_661 = arith.muli %add3A_601, %mul3A_660 : i32
      %add3A_662 = arith.constant 2 : i32
      %add3A_663 = arith.addi %mul3A_661, %add3A_662 : i32
      %dma_wait3A_664 = arith.constant 2 : i32
      %dma_wait3A_665 = arith.constant 0 : i32
      %dma_wait3A_666 = arith.constant 0 : i32
      %dma_wait3A_667 = tpu.memref_slice %arg9[%dma_wait3A_664, %dma_wait3A_665, %dma_wait3A_666] : memref<3x80x128xf32, #tpu.memory_space<vmem>> -> memref<1x80x128xf32, #tpu.memory_space<vmem>>
      %dma_wait3A_668 = tpu.memref_squeeze %dma_wait3A_667 : memref<1x80x128xf32, #tpu.memory_space<vmem>> -> memref<80x128xf32, #tpu.memory_space<vmem>>
      %dma_wait3A_669 = arith.constant 0 : i32
      %dma_wait3A_670 = tpu.memref_slice %arg7[%add3A_663, %dma_wait3A_669] : memref<32x80xi32, #tpu.memory_space<vmem>> -> memref<1x80xi32, #tpu.memory_space<vmem>>
      %dma_wait3A_671 = tpu.memref_squeeze %dma_wait3A_670 : memref<1x80xi32, #tpu.memory_space<vmem>> -> memref<80xi32, #tpu.memory_space<vmem>>
      %dma_wait3A_672 = arith.constant 0 : i32
      %dma_wait3A_673 = arith.constant 0 : i32
      %dma_wait3A_674 = tpu.memref_slice %arg2[%dma_wait3A_672, %dma_wait3A_673] : memref<10000x128xf32, #tpu.memory_space<hbm>> -> memref<10000x128xf32, #tpu.memory_space<hbm>>
      tpu.wait_indirect_dma semaphore(%arg13 : memref<!tpu.dma_semaphore, #tpu.memory_space<semaphore_mem>>) src(%dma_wait3A_674 : memref<10000x128xf32, #tpu.memory_space<hbm>>) dst(%dma_wait3A_668 : memref<80x128xf32, #tpu.memory_space<vmem>>)
      %run_scoped3A_675 = arith.constant 2 : i32
      "tpu.region"() ({
        %run_scoped3A_689 = tpu.sem_alloc : memref<!tpu.dma_semaphore, #tpu.memory_space<semaphore_mem>>
        %dma_start3A_690 = arith.constant 0 : i32
        %dma_start3A_691 = arith.constant 0 : i32
        %dma_start3A_692 = tpu.memref_slice %arg9[%run_scoped3A_675, %dma_start3A_690, %dma_start3A_691] : memref<3x80x128xf32, #tpu.memory_space<vmem>> -> memref<1x80x128xf32, #tpu.memory_space<vmem>>
        %dma_start3A_693 = tpu.memref_squeeze %dma_start3A_692 : memref<1x80x128xf32, #tpu.memory_space<vmem>> -> memref<80x128xf32, #tpu.memory_space<vmem>>
        %dma_start3A_694 = arith.constant 0 : i32
        %dma_start3A_695 = tpu.memref_slice %arg8[%add3A_663, %dma_start3A_694] : memref<32x80xi32, #tpu.memory_space<vmem>> -> memref<1x80xi32, #tpu.memory_space<vmem>>
        %dma_start3A_696 = tpu.memref_squeeze %dma_start3A_695 : memref<1x80xi32, #tpu.memory_space<vmem>> -> memref<80xi32, #tpu.memory_space<vmem>>
        %dma_start3A_697 = arith.constant 0 : i32
        %dma_start3A_698 = arith.constant 0 : i32
        %dma_start3A_699 = tpu.memref_slice %arg10[%dma_start3A_697, %dma_start3A_698] : memref<10240x128xf32, #tpu.memory_space<vmem_shared>> -> memref<10240x128xf32, #tpu.memory_space<vmem_shared>>
        tpu.enqueue_indirect_dma source(%dma_start3A_693 : memref<80x128xf32, #tpu.memory_space<vmem>>) target(%dma_start3A_699 : memref<10240x128xf32, #tpu.memory_space<vmem_shared>>) offsets(%dma_start3A_696 : memref<80xi32, #tpu.memory_space<vmem>>) semaphore(%run_scoped3A_689 : memref<!tpu.dma_semaphore, #tpu.memory_space<semaphore_mem>>) {add = true}
        %dma_wait3A_700 = arith.constant 0 : i32
        %dma_wait3A_701 = arith.constant 0 : i32
        %dma_wait3A_702 = tpu.memref_slice %arg9[%run_scoped3A_675, %dma_wait3A_700, %dma_wait3A_701] : memref<3x80x128xf32, #tpu.memory_space<vmem>> -> memref<1x80x128xf32, #tpu.memory_space<vmem>>
        %dma_wait3A_703 = tpu.memref_squeeze %dma_wait3A_702 : memref<1x80x128xf32, #tpu.memory_space<vmem>> -> memref<80x128xf32, #tpu.memory_space<vmem>>
        %dma_wait3A_704 = arith.constant 0 : i32
        %dma_wait3A_705 = tpu.memref_slice %arg8[%add3A_663, %dma_wait3A_704] : memref<32x80xi32, #tpu.memory_space<vmem>> -> memref<1x80xi32, #tpu.memory_space<vmem>>
        %dma_wait3A_706 = tpu.memref_squeeze %dma_wait3A_705 : memref<1x80xi32, #tpu.memory_space<vmem>> -> memref<80xi32, #tpu.memory_space<vmem>>
        %dma_wait3A_707 = arith.constant 0 : i32
        %dma_wait3A_708 = arith.constant 0 : i32
        %dma_wait3A_709 = tpu.memref_slice %arg10[%dma_wait3A_707, %dma_wait3A_708] : memref<10240x128xf32, #tpu.memory_space<vmem_shared>> -> memref<10240x128xf32, #tpu.memory_space<vmem_shared>>
        tpu.wait_indirect_dma semaphore(%run_scoped3A_689 : memref<!tpu.dma_semaphore, #tpu.memory_space<semaphore_mem>>) src(%dma_wait3A_703 : memref<80x128xf32, #tpu.memory_space<vmem>>) dst(%dma_wait3A_709 : memref<10240x128xf32, #tpu.memory_space<vmem_shared>>)
        tpu.yield
      }) : () -> ()
      %add3A_676 = arith.constant 3 : i32
      %add3A_677 = arith.addi %add3A_663, %add3A_676 : i32
      %dma_start3A_678 = arith.constant 2 : i32
      %dma_start3A_679 = arith.constant 0 : i32
      %dma_start3A_680 = arith.constant 0 : i32
      %dma_start3A_681 = tpu.memref_slice %arg9[%dma_start3A_678, %dma_start3A_679, %dma_start3A_680] : memref<3x80x128xf32, #tpu.memory_space<vmem>> -> memref<1x80x128xf32, #tpu.memory_space<vmem>>
      %dma_start3A_682 = tpu.memref_squeeze %dma_start3A_681 : memref<1x80x128xf32, #tpu.memory_space<vmem>> -> memref<80x128xf32, #tpu.memory_space<vmem>>
      %dma_start3A_683 = arith.constant 0 : i32
      %dma_start3A_684 = tpu.memref_slice %arg7[%add3A_677, %dma_start3A_683] : memref<32x80xi32, #tpu.memory_space<vmem>> -> memref<1x80xi32, #tpu.memory_space<vmem>>
      %dma_start3A_685 = tpu.memref_squeeze %dma_start3A_684 : memref<1x80xi32, #tpu.memory_space<vmem>> -> memref<80xi32, #tpu.memory_space<vmem>>
      %dma_start3A_686 = arith.constant 0 : i32
      %dma_start3A_687 = arith.constant 0 : i32
      %dma_start3A_688 = tpu.memref_slice %arg2[%dma_start3A_686, %dma_start3A_687] : memref<10000x128xf32, #tpu.memory_space<hbm>> -> memref<10000x128xf32, #tpu.memory_space<hbm>>
      tpu.enqueue_indirect_dma source(%dma_start3A_688 : memref<10000x128xf32, #tpu.memory_space<hbm>>) target(%dma_start3A_682 : memref<80x128xf32, #tpu.memory_space<vmem>>) offsets(%dma_start3A_685 : memref<80xi32, #tpu.memory_space<vmem>>) semaphore(%arg13 : memref<!tpu.dma_semaphore, #tpu.memory_space<semaphore_mem>>)
    }
    %scan3A_223 = arith.constant 9 : i32
    %dma_wait3A_224 = arith.constant 27 : i32
    %dma_wait3A_225 = arith.constant 0 : i32
    %dma_wait3A_226 = arith.constant 0 : i32
    %dma_wait3A_227 = arith.constant 0 : i32
    %dma_wait3A_228 = tpu.memref_slice %arg9[%dma_wait3A_225, %dma_wait3A_226, %dma_wait3A_227] : memref<3x80x128xf32, #tpu.memory_space<vmem>> -> memref<1x80x128xf32, #tpu.memory_space<vmem>>
    %dma_wait3A_229 = tpu.memref_squeeze %dma_wait3A_228 : memref<1x80x128xf32, #tpu.memory_space<vmem>> -> memref<80x128xf32, #tpu.memory_space<vmem>>
    %dma_wait3A_230 = arith.constant 0 : i32
    %dma_wait3A_231 = tpu.memref_slice %arg7[%dma_wait3A_224, %dma_wait3A_230] : memref<32x80xi32, #tpu.memory_space<vmem>> -> memref<1x80xi32, #tpu.memory_space<vmem>>
    %dma_wait3A_232 = tpu.memref_squeeze %dma_wait3A_231 : memref<1x80xi32, #tpu.memory_space<vmem>> -> memref<80xi32, #tpu.memory_space<vmem>>
    %dma_wait3A_233 = arith.constant 0 : i32
    %dma_wait3A_234 = arith.constant 0 : i32
    %dma_wait3A_235 = tpu.memref_slice %arg2[%dma_wait3A_233, %dma_wait3A_234] : memref<10000x128xf32, #tpu.memory_space<hbm>> -> memref<10000x128xf32, #tpu.memory_space<hbm>>
    tpu.wait_indirect_dma semaphore(%arg11 : memref<!tpu.dma_semaphore, #tpu.memory_space<semaphore_mem>>) src(%dma_wait3A_235 : memref<10000x128xf32, #tpu.memory_space<hbm>>) dst(%dma_wait3A_229 : memref<80x128xf32, #tpu.memory_space<vmem>>)
    %run_scoped3A_236 = arith.constant 0 : i32
    %run_scoped3A_237 = arith.constant 27 : i32
    "tpu.region"() ({
      %run_scoped3A_597 = tpu.sem_alloc : memref<!tpu.dma_semaphore, #tpu.memory_space<semaphore_mem>>
      %dma_start3A_598 = arith.constant 0 : i32
      %dma_start3A_599 = arith.constant 0 : i32
      %dma_start3A_600 = tpu.memref_slice %arg9[%run_scoped3A_236, %dma_start3A_598, %dma_start3A_599] : memref<3x80x128xf32, #tpu.memory_space<vmem>> -> memref<1x80x128xf32, #tpu.memory_space<vmem>>
      %dma_start3A_601 = tpu.memref_squeeze %dma_start3A_600 : memref<1x80x128xf32, #tpu.memory_space<vmem>> -> memref<80x128xf32, #tpu.memory_space<vmem>>
      %dma_start3A_602 = arith.constant 0 : i32
      %dma_start3A_603 = tpu.memref_slice %arg8[%run_scoped3A_237, %dma_start3A_602] : memref<32x80xi32, #tpu.memory_space<vmem>> -> memref<1x80xi32, #tpu.memory_space<vmem>>
      %dma_start3A_604 = tpu.memref_squeeze %dma_start3A_603 : memref<1x80xi32, #tpu.memory_space<vmem>> -> memref<80xi32, #tpu.memory_space<vmem>>
      %dma_start3A_605 = arith.constant 0 : i32
      %dma_start3A_606 = arith.constant 0 : i32
      %dma_start3A_607 = tpu.memref_slice %arg10[%dma_start3A_605, %dma_start3A_606] : memref<10240x128xf32, #tpu.memory_space<vmem_shared>> -> memref<10240x128xf32, #tpu.memory_space<vmem_shared>>
      tpu.enqueue_indirect_dma source(%dma_start3A_601 : memref<80x128xf32, #tpu.memory_space<vmem>>) target(%dma_start3A_607 : memref<10240x128xf32, #tpu.memory_space<vmem_shared>>) offsets(%dma_start3A_604 : memref<80xi32, #tpu.memory_space<vmem>>) semaphore(%run_scoped3A_597 : memref<!tpu.dma_semaphore, #tpu.memory_space<semaphore_mem>>) {add = true}
      %dma_wait3A_608 = arith.constant 0 : i32
      %dma_wait3A_609 = arith.constant 0 : i32
      %dma_wait3A_610 = tpu.memref_slice %arg9[%run_scoped3A_236, %dma_wait3A_608, %dma_wait3A_609] : memref<3x80x128xf32, #tpu.memory_space<vmem>> -> memref<1x80x128xf32, #tpu.memory_space<vmem>>
      %dma_wait3A_611 = tpu.memref_squeeze %dma_wait3A_610 : memref<1x80x128xf32, #tpu.memory_space<vmem>> -> memref<80x128xf32, #tpu.memory_space<vmem>>
      %dma_wait3A_612 = arith.constant 0 : i32
      %dma_wait3A_613 = tpu.memref_slice %arg8[%run_scoped3A_237, %dma_wait3A_612] : memref<32x80xi32, #tpu.memory_space<vmem>> -> memref<1x80xi32, #tpu.memory_space<vmem>>
      %dma_wait3A_614 = tpu.memref_squeeze %dma_wait3A_613 : memref<1x80xi32, #tpu.memory_space<vmem>> -> memref<80xi32, #tpu.memory_space<vmem>>
      %dma_wait3A_615 = arith.constant 0 : i32
      %dma_wait3A_616 = arith.constant 0 : i32
      %dma_wait3A_617 = tpu.memref_slice %arg10[%dma_wait3A_615, %dma_wait3A_616] : memref<10240x128xf32, #tpu.memory_space<vmem_shared>> -> memref<10240x128xf32, #tpu.memory_space<vmem_shared>>
      tpu.wait_indirect_dma semaphore(%run_scoped3A_597 : memref<!tpu.dma_semaphore, #tpu.memory_space<semaphore_mem>>) src(%dma_wait3A_611 : memref<80x128xf32, #tpu.memory_space<vmem>>) dst(%dma_wait3A_617 : memref<10240x128xf32, #tpu.memory_space<vmem_shared>>)
      tpu.yield
    }) : () -> ()
    %dma_start3A_238 = arith.constant 30 : i32
    %dma_start3A_239 = arith.constant 0 : i32
    %dma_start3A_240 = arith.constant 0 : i32
    %dma_start3A_241 = arith.constant 0 : i32
    %dma_start3A_242 = tpu.memref_slice %arg9[%dma_start3A_239, %dma_start3A_240, %dma_start3A_241] : memref<3x80x128xf32, #tpu.memory_space<vmem>> -> memref<1x80x128xf32, #tpu.memory_space<vmem>>
    %dma_start3A_243 = tpu.memref_squeeze %dma_start3A_242 : memref<1x80x128xf32, #tpu.memory_space<vmem>> -> memref<80x128xf32, #tpu.memory_space<vmem>>
    %dma_start3A_244 = arith.constant 0 : i32
    %dma_start3A_245 = tpu.memref_slice %arg7[%dma_start3A_238, %dma_start3A_244] : memref<32x80xi32, #tpu.memory_space<vmem>> -> memref<1x80xi32, #tpu.memory_space<vmem>>
    %dma_start3A_246 = tpu.memref_squeeze %dma_start3A_245 : memref<1x80xi32, #tpu.memory_space<vmem>> -> memref<80xi32, #tpu.memory_space<vmem>>
    %dma_start3A_247 = arith.constant 0 : i32
    %dma_start3A_248 = arith.constant 0 : i32
    %dma_start3A_249 = tpu.memref_slice %arg2[%dma_start3A_247, %dma_start3A_248] : memref<10000x128xf32, #tpu.memory_space<hbm>> -> memref<10000x128xf32, #tpu.memory_space<hbm>>
    tpu.enqueue_indirect_dma source(%dma_start3A_249 : memref<10000x128xf32, #tpu.memory_space<hbm>>) target(%dma_start3A_243 : memref<80x128xf32, #tpu.memory_space<vmem>>) offsets(%dma_start3A_246 : memref<80xi32, #tpu.memory_space<vmem>>) semaphore(%arg11 : memref<!tpu.dma_semaphore, #tpu.memory_space<semaphore_mem>>)
    %dma_wait3A_250 = arith.constant 28 : i32
    %dma_wait3A_251 = arith.constant 1 : i32
    %dma_wait3A_252 = arith.constant 0 : i32
    %dma_wait3A_253 = arith.constant 0 : i32
    %dma_wait3A_254 = tpu.memref_slice %arg9[%dma_wait3A_251, %dma_wait3A_252, %dma_wait3A_253] : memref<3x80x128xf32, #tpu.memory_space<vmem>> -> memref<1x80x128xf32, #tpu.memory_space<vmem>>
    %dma_wait3A_255 = tpu.memref_squeeze %dma_wait3A_254 : memref<1x80x128xf32, #tpu.memory_space<vmem>> -> memref<80x128xf32, #tpu.memory_space<vmem>>
    %dma_wait3A_256 = arith.constant 0 : i32
    %dma_wait3A_257 = tpu.memref_slice %arg7[%dma_wait3A_250, %dma_wait3A_256] : memref<32x80xi32, #tpu.memory_space<vmem>> -> memref<1x80xi32, #tpu.memory_space<vmem>>
    %dma_wait3A_258 = tpu.memref_squeeze %dma_wait3A_257 : memref<1x80xi32, #tpu.memory_space<vmem>> -> memref<80xi32, #tpu.memory_space<vmem>>
    %dma_wait3A_259 = arith.constant 0 : i32
    %dma_wait3A_260 = arith.constant 0 : i32
    %dma_wait3A_261 = tpu.memref_slice %arg2[%dma_wait3A_259, %dma_wait3A_260] : memref<10000x128xf32, #tpu.memory_space<hbm>> -> memref<10000x128xf32, #tpu.memory_space<hbm>>
    tpu.wait_indirect_dma semaphore(%arg12 : memref<!tpu.dma_semaphore, #tpu.memory_space<semaphore_mem>>) src(%dma_wait3A_261 : memref<10000x128xf32, #tpu.memory_space<hbm>>) dst(%dma_wait3A_255 : memref<80x128xf32, #tpu.memory_space<vmem>>)
    %run_scoped3A_262 = arith.constant 1 : i32
    %run_scoped3A_263 = arith.constant 28 : i32
    "tpu.region"() ({
      %run_scoped3A_597 = tpu.sem_alloc : memref<!tpu.dma_semaphore, #tpu.memory_space<semaphore_mem>>
      %dma_start3A_598 = arith.constant 0 : i32
      %dma_start3A_599 = arith.constant 0 : i32
      %dma_start3A_600 = tpu.memref_slice %arg9[%run_scoped3A_262, %dma_start3A_598, %dma_start3A_599] : memref<3x80x128xf32, #tpu.memory_space<vmem>> -> memref<1x80x128xf32, #tpu.memory_space<vmem>>
      %dma_start3A_601 = tpu.memref_squeeze %dma_start3A_600 : memref<1x80x128xf32, #tpu.memory_space<vmem>> -> memref<80x128xf32, #tpu.memory_space<vmem>>
      %dma_start3A_602 = arith.constant 0 : i32
      %dma_start3A_603 = tpu.memref_slice %arg8[%run_scoped3A_263, %dma_start3A_602] : memref<32x80xi32, #tpu.memory_space<vmem>> -> memref<1x80xi32, #tpu.memory_space<vmem>>
      %dma_start3A_604 = tpu.memref_squeeze %dma_start3A_603 : memref<1x80xi32, #tpu.memory_space<vmem>> -> memref<80xi32, #tpu.memory_space<vmem>>
      %dma_start3A_605 = arith.constant 0 : i32
      %dma_start3A_606 = arith.constant 0 : i32
      %dma_start3A_607 = tpu.memref_slice %arg10[%dma_start3A_605, %dma_start3A_606] : memref<10240x128xf32, #tpu.memory_space<vmem_shared>> -> memref<10240x128xf32, #tpu.memory_space<vmem_shared>>
      tpu.enqueue_indirect_dma source(%dma_start3A_601 : memref<80x128xf32, #tpu.memory_space<vmem>>) target(%dma_start3A_607 : memref<10240x128xf32, #tpu.memory_space<vmem_shared>>) offsets(%dma_start3A_604 : memref<80xi32, #tpu.memory_space<vmem>>) semaphore(%run_scoped3A_597 : memref<!tpu.dma_semaphore, #tpu.memory_space<semaphore_mem>>) {add = true}
      %dma_wait3A_608 = arith.constant 0 : i32
      %dma_wait3A_609 = arith.constant 0 : i32
      %dma_wait3A_610 = tpu.memref_slice %arg9[%run_scoped3A_262, %dma_wait3A_608, %dma_wait3A_609] : memref<3x80x128xf32, #tpu.memory_space<vmem>> -> memref<1x80x128xf32, #tpu.memory_space<vmem>>
      %dma_wait3A_611 = tpu.memref_squeeze %dma_wait3A_610 : memref<1x80x128xf32, #tpu.memory_space<vmem>> -> memref<80x128xf32, #tpu.memory_space<vmem>>
      %dma_wait3A_612 = arith.constant 0 : i32
      %dma_wait3A_613 = tpu.memref_slice %arg8[%run_scoped3A_263, %dma_wait3A_612] : memref<32x80xi32, #tpu.memory_space<vmem>> -> memref<1x80xi32, #tpu.memory_space<vmem>>
      %dma_wait3A_614 = tpu.memref_squeeze %dma_wait3A_613 : memref<1x80xi32, #tpu.memory_space<vmem>> -> memref<80xi32, #tpu.memory_space<vmem>>
      %dma_wait3A_615 = arith.constant 0 : i32
      %dma_wait3A_616 = arith.constant 0 : i32
      %dma_wait3A_617 = tpu.memref_slice %arg10[%dma_wait3A_615, %dma_wait3A_616] : memref<10240x128xf32, #tpu.memory_space<vmem_shared>> -> memref<10240x128xf32, #tpu.memory_space<vmem_shared>>
      tpu.wait_indirect_dma semaphore(%run_scoped3A_597 : memref<!tpu.dma_semaphore, #tpu.memory_space<semaphore_mem>>) src(%dma_wait3A_611 : memref<80x128xf32, #tpu.memory_space<vmem>>) dst(%dma_wait3A_617 : memref<10240x128xf32, #tpu.memory_space<vmem_shared>>)
      tpu.yield
    }) : () -> ()
    %dma_start3A_264 = arith.constant 31 : i32
    %dma_start3A_265 = arith.constant 1 : i32
    %dma_start3A_266 = arith.constant 0 : i32
    %dma_start3A_267 = arith.constant 0 : i32
    %dma_start3A_268 = tpu.memref_slice %arg9[%dma_start3A_265, %dma_start3A_266, %dma_start3A_267] : memref<3x80x128xf32, #tpu.memory_space<vmem>> -> memref<1x80x128xf32, #tpu.memory_space<vmem>>
    %dma_start3A_269 = tpu.memref_squeeze %dma_start3A_268 : memref<1x80x128xf32, #tpu.memory_space<vmem>> -> memref<80x128xf32, #tpu.memory_space<vmem>>
    %dma_start3A_270 = arith.constant 0 : i32
    %dma_start3A_271 = tpu.memref_slice %arg7[%dma_start3A_264, %dma_start3A_270] : memref<32x80xi32, #tpu.memory_space<vmem>> -> memref<1x80xi32, #tpu.memory_space<vmem>>
    %dma_start3A_272 = tpu.memref_squeeze %dma_start3A_271 : memref<1x80xi32, #tpu.memory_space<vmem>> -> memref<80xi32, #tpu.memory_space<vmem>>
    %dma_start3A_273 = arith.constant 0 : i32
    %dma_start3A_274 = arith.constant 0 : i32
    %dma_start3A_275 = tpu.memref_slice %arg2[%dma_start3A_273, %dma_start3A_274] : memref<10000x128xf32, #tpu.memory_space<hbm>> -> memref<10000x128xf32, #tpu.memory_space<hbm>>
    tpu.enqueue_indirect_dma source(%dma_start3A_275 : memref<10000x128xf32, #tpu.memory_space<hbm>>) target(%dma_start3A_269 : memref<80x128xf32, #tpu.memory_space<vmem>>) offsets(%dma_start3A_272 : memref<80xi32, #tpu.memory_space<vmem>>) semaphore(%arg12 : memref<!tpu.dma_semaphore, #tpu.memory_space<semaphore_mem>>)
    %dma_wait3A_276 = arith.constant 29 : i32
    %dma_wait3A_277 = arith.constant 2 : i32
    %dma_wait3A_278 = arith.constant 0 : i32
    %dma_wait3A_279 = arith.constant 0 : i32
    %dma_wait3A_280 = tpu.memref_slice %arg9[%dma_wait3A_277, %dma_wait3A_278, %dma_wait3A_279] : memref<3x80x128xf32, #tpu.memory_space<vmem>> -> memref<1x80x128xf32, #tpu.memory_space<vmem>>
    %dma_wait3A_281 = tpu.memref_squeeze %dma_wait3A_280 : memref<1x80x128xf32, #tpu.memory_space<vmem>> -> memref<80x128xf32, #tpu.memory_space<vmem>>
    %dma_wait3A_282 = arith.constant 0 : i32
    %dma_wait3A_283 = tpu.memref_slice %arg7[%dma_wait3A_276, %dma_wait3A_282] : memref<32x80xi32, #tpu.memory_space<vmem>> -> memref<1x80xi32, #tpu.memory_space<vmem>>
    %dma_wait3A_284 = tpu.memref_squeeze %dma_wait3A_283 : memref<1x80xi32, #tpu.memory_space<vmem>> -> memref<80xi32, #tpu.memory_space<vmem>>
    %dma_wait3A_285 = arith.constant 0 : i32
    %dma_wait3A_286 = arith.constant 0 : i32
    %dma_wait3A_287 = tpu.memref_slice %arg2[%dma_wait3A_285, %dma_wait3A_286] : memref<10000x128xf32, #tpu.memory_space<hbm>> -> memref<10000x128xf32, #tpu.memory_space<hbm>>
    tpu.wait_indirect_dma semaphore(%arg13 : memref<!tpu.dma_semaphore, #tpu.memory_space<semaphore_mem>>) src(%dma_wait3A_287 : memref<10000x128xf32, #tpu.memory_space<hbm>>) dst(%dma_wait3A_281 : memref<80x128xf32, #tpu.memory_space<vmem>>)
    %run_scoped3A_288 = arith.constant 2 : i32
    %run_scoped3A_289 = arith.constant 29 : i32
    "tpu.region"() ({
      %run_scoped3A_597 = tpu.sem_alloc : memref<!tpu.dma_semaphore, #tpu.memory_space<semaphore_mem>>
      %dma_start3A_598 = arith.constant 0 : i32
      %dma_start3A_599 = arith.constant 0 : i32
      %dma_start3A_600 = tpu.memref_slice %arg9[%run_scoped3A_288, %dma_start3A_598, %dma_start3A_599] : memref<3x80x128xf32, #tpu.memory_space<vmem>> -> memref<1x80x128xf32, #tpu.memory_space<vmem>>
      %dma_start3A_601 = tpu.memref_squeeze %dma_start3A_600 : memref<1x80x128xf32, #tpu.memory_space<vmem>> -> memref<80x128xf32, #tpu.memory_space<vmem>>
      %dma_start3A_602 = arith.constant 0 : i32
      %dma_start3A_603 = tpu.memref_slice %arg8[%run_scoped3A_289, %dma_start3A_602] : memref<32x80xi32, #tpu.memory_space<vmem>> -> memref<1x80xi32, #tpu.memory_space<vmem>>
      %dma_start3A_604 = tpu.memref_squeeze %dma_start3A_603 : memref<1x80xi32, #tpu.memory_space<vmem>> -> memref<80xi32, #tpu.memory_space<vmem>>
      %dma_start3A_605 = arith.constant 0 : i32
      %dma_start3A_606 = arith.constant 0 : i32
      %dma_start3A_607 = tpu.memref_slice %arg10[%dma_start3A_605, %dma_start3A_606] : memref<10240x128xf32, #tpu.memory_space<vmem_shared>> -> memref<10240x128xf32, #tpu.memory_space<vmem_shared>>
      tpu.enqueue_indirect_dma source(%dma_start3A_601 : memref<80x128xf32, #tpu.memory_space<vmem>>) target(%dma_start3A_607 : memref<10240x128xf32, #tpu.memory_space<vmem_shared>>) offsets(%dma_start3A_604 : memref<80xi32, #tpu.memory_space<vmem>>) semaphore(%run_scoped3A_597 : memref<!tpu.dma_semaphore, #tpu.memory_space<semaphore_mem>>) {add = true}
      %dma_wait3A_608 = arith.constant 0 : i32
      %dma_wait3A_609 = arith.constant 0 : i32
      %dma_wait3A_610 = tpu.memref_slice %arg9[%run_scoped3A_288, %dma_wait3A_608, %dma_wait3A_609] : memref<3x80x128xf32, #tpu.memory_space<vmem>> -> memref<1x80x128xf32, #tpu.memory_space<vmem>>
      %dma_wait3A_611 = tpu.memref_squeeze %dma_wait3A_610 : memref<1x80x128xf32, #tpu.memory_space<vmem>> -> memref<80x128xf32, #tpu.memory_space<vmem>>
      %dma_wait3A_612 = arith.constant 0 : i32
      %dma_wait3A_613 = tpu.memref_slice %arg8[%run_scoped3A_289, %dma_wait3A_612] : memref<32x80xi32, #tpu.memory_space<vmem>> -> memref<1x80xi32, #tpu.memory_space<vmem>>
      %dma_wait3A_614 = tpu.memref_squeeze %dma_wait3A_613 : memref<1x80xi32, #tpu.memory_space<vmem>> -> memref<80xi32, #tpu.memory_space<vmem>>
      %dma_wait3A_615 = arith.constant 0 : i32
      %dma_wait3A_616 = arith.constant 0 : i32
      %dma_wait3A_617 = tpu.memref_slice %arg10[%dma_wait3A_615, %dma_wait3A_616] : memref<10240x128xf32, #tpu.memory_space<vmem_shared>> -> memref<10240x128xf32, #tpu.memory_space<vmem_shared>>
      tpu.wait_indirect_dma semaphore(%run_scoped3A_597 : memref<!tpu.dma_semaphore, #tpu.memory_space<semaphore_mem>>) src(%dma_wait3A_611 : memref<80x128xf32, #tpu.memory_space<vmem>>) dst(%dma_wait3A_617 : memref<10240x128xf32, #tpu.memory_space<vmem_shared>>)
      tpu.yield
    }) : () -> ()
    %dma_wait3A_290 = arith.constant 30 : i32
    %dma_wait3A_291 = arith.constant 0 : i32
    %dma_wait3A_292 = arith.constant 0 : i32
    %dma_wait3A_293 = arith.constant 0 : i32
    %dma_wait3A_294 = tpu.memref_slice %arg9[%dma_wait3A_291, %dma_wait3A_292, %dma_wait3A_293] : memref<3x80x128xf32, #tpu.memory_space<vmem>> -> memref<1x80x128xf32, #tpu.memory_space<vmem>>
    %dma_wait3A_295 = tpu.memref_squeeze %dma_wait3A_294 : memref<1x80x128xf32, #tpu.memory_space<vmem>> -> memref<80x128xf32, #tpu.memory_space<vmem>>
    %dma_wait3A_296 = arith.constant 0 : i32
    %dma_wait3A_297 = tpu.memref_slice %arg7[%dma_wait3A_290, %dma_wait3A_296] : memref<32x80xi32, #tpu.memory_space<vmem>> -> memref<1x80xi32, #tpu.memory_space<vmem>>
    %dma_wait3A_298 = tpu.memref_squeeze %dma_wait3A_297 : memref<1x80xi32, #tpu.memory_space<vmem>> -> memref<80xi32, #tpu.memory_space<vmem>>
    %dma_wait3A_299 = arith.constant 0 : i32
    %dma_wait3A_300 = arith.constant 0 : i32
    %dma_wait3A_301 = tpu.memref_slice %arg2[%dma_wait3A_299, %dma_wait3A_300] : memref<10000x128xf32, #tpu.memory_space<hbm>> -> memref<10000x128xf32, #tpu.memory_space<hbm>>
    tpu.wait_indirect_dma semaphore(%arg11 : memref<!tpu.dma_semaphore, #tpu.memory_space<semaphore_mem>>) src(%dma_wait3A_301 : memref<10000x128xf32, #tpu.memory_space<hbm>>) dst(%dma_wait3A_295 : memref<80x128xf32, #tpu.memory_space<vmem>>)
    %run_scoped3A_302 = arith.constant 0 : i32
    %run_scoped3A_303 = arith.constant 30 : i32
    "tpu.region"() ({
      %run_scoped3A_597 = tpu.sem_alloc : memref<!tpu.dma_semaphore, #tpu.memory_space<semaphore_mem>>
      %dma_start3A_598 = arith.constant 0 : i32
      %dma_start3A_599 = arith.constant 0 : i32
      %dma_start3A_600 = tpu.memref_slice %arg9[%run_scoped3A_302, %dma_start3A_598, %dma_start3A_599] : memref<3x80x128xf32, #tpu.memory_space<vmem>> -> memref<1x80x128xf32, #tpu.memory_space<vmem>>
      %dma_start3A_601 = tpu.memref_squeeze %dma_start3A_600 : memref<1x80x128xf32, #tpu.memory_space<vmem>> -> memref<80x128xf32, #tpu.memory_space<vmem>>
      %dma_start3A_602 = arith.constant 0 : i32
      %dma_start3A_603 = tpu.memref_slice %arg8[%run_scoped3A_303, %dma_start3A_602] : memref<32x80xi32, #tpu.memory_space<vmem>> -> memref<1x80xi32, #tpu.memory_space<vmem>>
      %dma_start3A_604 = tpu.memref_squeeze %dma_start3A_603 : memref<1x80xi32, #tpu.memory_space<vmem>> -> memref<80xi32, #tpu.memory_space<vmem>>
      %dma_start3A_605 = arith.constant 0 : i32
      %dma_start3A_606 = arith.constant 0 : i32
      %dma_start3A_607 = tpu.memref_slice %arg10[%dma_start3A_605, %dma_start3A_606] : memref<10240x128xf32, #tpu.memory_space<vmem_shared>> -> memref<10240x128xf32, #tpu.memory_space<vmem_shared>>
      tpu.enqueue_indirect_dma source(%dma_start3A_601 : memref<80x128xf32, #tpu.memory_space<vmem>>) target(%dma_start3A_607 : memref<10240x128xf32, #tpu.memory_space<vmem_shared>>) offsets(%dma_start3A_604 : memref<80xi32, #tpu.memory_space<vmem>>) semaphore(%run_scoped3A_597 : memref<!tpu.dma_semaphore, #tpu.memory_space<semaphore_mem>>) {add = true}
      %dma_wait3A_608 = arith.constant 0 : i32
      %dma_wait3A_609 = arith.constant 0 : i32
      %dma_wait3A_610 = tpu.memref_slice %arg9[%run_scoped3A_302, %dma_wait3A_608, %dma_wait3A_609] : memref<3x80x128xf32, #tpu.memory_space<vmem>> -> memref<1x80x128xf32, #tpu.memory_space<vmem>>
      %dma_wait3A_611 = tpu.memref_squeeze %dma_wait3A_610 : memref<1x80x128xf32, #tpu.memory_space<vmem>> -> memref<80x128xf32, #tpu.memory_space<vmem>>
      %dma_wait3A_612 = arith.constant 0 : i32
      %dma_wait3A_613 = tpu.memref_slice %arg8[%run_scoped3A_303, %dma_wait3A_612] : memref<32x80xi32, #tpu.memory_space<vmem>> -> memref<1x80xi32, #tpu.memory_space<vmem>>
      %dma_wait3A_614 = tpu.memref_squeeze %dma_wait3A_613 : memref<1x80xi32, #tpu.memory_space<vmem>> -> memref<80xi32, #tpu.memory_space<vmem>>
      %dma_wait3A_615 = arith.constant 0 : i32
      %dma_wait3A_616 = arith.constant 0 : i32
      %dma_wait3A_617 = tpu.memref_slice %arg10[%dma_wait3A_615, %dma_wait3A_616] : memref<10240x128xf32, #tpu.memory_space<vmem_shared>> -> memref<10240x128xf32, #tpu.memory_space<vmem_shared>>
      tpu.wait_indirect_dma semaphore(%run_scoped3A_597 : memref<!tpu.dma_semaphore, #tpu.memory_space<semaphore_mem>>) src(%dma_wait3A_611 : memref<80x128xf32, #tpu.memory_space<vmem>>) dst(%dma_wait3A_617 : memref<10240x128xf32, #tpu.memory_space<vmem_shared>>)
      tpu.yield
    }) : () -> ()
    %dma_wait3A_304 = arith.constant 31 : i32
    %dma_wait3A_305 = arith.constant 1 : i32
    %dma_wait3A_306 = arith.constant 0 : i32
    %dma_wait3A_307 = arith.constant 0 : i32
    %dma_wait3A_308 = tpu.memref_slice %arg9[%dma_wait3A_305, %dma_wait3A_306, %dma_wait3A_307] : memref<3x80x128xf32, #tpu.memory_space<vmem>> -> memref<1x80x128xf32, #tpu.memory_space<vmem>>
    %dma_wait3A_309 = tpu.memref_squeeze %dma_wait3A_308 : memref<1x80x128xf32, #tpu.memory_space<vmem>> -> memref<80x128xf32, #tpu.memory_space<vmem>>
    %dma_wait3A_310 = arith.constant 0 : i32
    %dma_wait3A_311 = tpu.memref_slice %arg7[%dma_wait3A_304, %dma_wait3A_310] : memref<32x80xi32, #tpu.memory_space<vmem>> -> memref<1x80xi32, #tpu.memory_space<vmem>>
    %dma_wait3A_312 = tpu.memref_squeeze %dma_wait3A_311 : memref<1x80xi32, #tpu.memory_space<vmem>> -> memref<80xi32, #tpu.memory_space<vmem>>
    %dma_wait3A_313 = arith.constant 0 : i32
    %dma_wait3A_314 = arith.constant 0 : i32
    %dma_wait3A_315 = tpu.memref_slice %arg2[%dma_wait3A_313, %dma_wait3A_314] : memref<10000x128xf32, #tpu.memory_space<hbm>> -> memref<10000x128xf32, #tpu.memory_space<hbm>>
    tpu.wait_indirect_dma semaphore(%arg12 : memref<!tpu.dma_semaphore, #tpu.memory_space<semaphore_mem>>) src(%dma_wait3A_315 : memref<10000x128xf32, #tpu.memory_space<hbm>>) dst(%dma_wait3A_309 : memref<80x128xf32, #tpu.memory_space<vmem>>)
    %run_scoped3A_316 = arith.constant 1 : i32
    %run_scoped3A_317 = arith.constant 31 : i32
    "tpu.region"() ({
      %run_scoped3A_597 = tpu.sem_alloc : memref<!tpu.dma_semaphore, #tpu.memory_space<semaphore_mem>>
      %dma_start3A_598 = arith.constant 0 : i32
      %dma_start3A_599 = arith.constant 0 : i32
      %dma_start3A_600 = tpu.memref_slice %arg9[%run_scoped3A_316, %dma_start3A_598, %dma_start3A_599] : memref<3x80x128xf32, #tpu.memory_space<vmem>> -> memref<1x80x128xf32, #tpu.memory_space<vmem>>
      %dma_start3A_601 = tpu.memref_squeeze %dma_start3A_600 : memref<1x80x128xf32, #tpu.memory_space<vmem>> -> memref<80x128xf32, #tpu.memory_space<vmem>>
      %dma_start3A_602 = arith.constant 0 : i32
      %dma_start3A_603 = tpu.memref_slice %arg8[%run_scoped3A_317, %dma_start3A_602] : memref<32x80xi32, #tpu.memory_space<vmem>> -> memref<1x80xi32, #tpu.memory_space<vmem>>
      %dma_start3A_604 = tpu.memref_squeeze %dma_start3A_603 : memref<1x80xi32, #tpu.memory_space<vmem>> -> memref<80xi32, #tpu.memory_space<vmem>>
      %dma_start3A_605 = arith.constant 0 : i32
      %dma_start3A_606 = arith.constant 0 : i32
      %dma_start3A_607 = tpu.memref_slice %arg10[%dma_start3A_605, %dma_start3A_606] : memref<10240x128xf32, #tpu.memory_space<vmem_shared>> -> memref<10240x128xf32, #tpu.memory_space<vmem_shared>>
      tpu.enqueue_indirect_dma source(%dma_start3A_601 : memref<80x128xf32, #tpu.memory_space<vmem>>) target(%dma_start3A_607 : memref<10240x128xf32, #tpu.memory_space<vmem_shared>>) offsets(%dma_start3A_604 : memref<80xi32, #tpu.memory_space<vmem>>) semaphore(%run_scoped3A_597 : memref<!tpu.dma_semaphore, #tpu.memory_space<semaphore_mem>>) {add = true}
      %dma_wait3A_608 = arith.constant 0 : i32
      %dma_wait3A_609 = arith.constant 0 : i32
      %dma_wait3A_610 = tpu.memref_slice %arg9[%run_scoped3A_316, %dma_wait3A_608, %dma_wait3A_609] : memref<3x80x128xf32, #tpu.memory_space<vmem>> -> memref<1x80x128xf32, #tpu.memory_space<vmem>>
      %dma_wait3A_611 = tpu.memref_squeeze %dma_wait3A_610 : memref<1x80x128xf32, #tpu.memory_space<vmem>> -> memref<80x128xf32, #tpu.memory_space<vmem>>
      %dma_wait3A_612 = arith.constant 0 : i32
      %dma_wait3A_613 = tpu.memref_slice %arg8[%run_scoped3A_317, %dma_wait3A_612] : memref<32x80xi32, #tpu.memory_space<vmem>> -> memref<1x80xi32, #tpu.memory_space<vmem>>
      %dma_wait3A_614 = tpu.memref_squeeze %dma_wait3A_613 : memref<1x80xi32, #tpu.memory_space<vmem>> -> memref<80xi32, #tpu.memory_space<vmem>>
      %dma_wait3A_615 = arith.constant 0 : i32
      %dma_wait3A_616 = arith.constant 0 : i32
      %dma_wait3A_617 = tpu.memref_slice %arg10[%dma_wait3A_615, %dma_wait3A_616] : memref<10240x128xf32, #tpu.memory_space<vmem_shared>> -> memref<10240x128xf32, #tpu.memory_space<vmem_shared>>
      tpu.wait_indirect_dma semaphore(%run_scoped3A_597 : memref<!tpu.dma_semaphore, #tpu.memory_space<semaphore_mem>>) src(%dma_wait3A_611 : memref<80x128xf32, #tpu.memory_space<vmem>>) dst(%dma_wait3A_617 : memref<10240x128xf32, #tpu.memory_space<vmem_shared>>)
      tpu.yield
    }) : () -> ()
    %mul3A_318 = arith.constant 128 : i32
    %mul3A_319 = arith.muli %add3A, %mul3A_318 : i32
    %add3A_320 = arith.constant 64 : i32
    %add3A_321 = arith.addi %mul3A_319, %add3A_320 : i32
    "tpu.region"() ({
      %run_scoped3A_597 = tpu.sem_alloc : memref<!tpu.dma_semaphore, #tpu.memory_space<semaphore_mem>>
      %dma_start3A_598 = arith.constant 0 : i32
      %dma_start3A_599 = tpu.memref_slice %arg3[%add3A_321, %dma_start3A_598] : memref<4096x80xi32, #tpu.memory_space<hbm>> -> memref<32x80xi32, #tpu.memory_space<hbm>>
      %dma_start3A_600 = arith.constant 0 : i32
      %dma_start3A_601 = tpu.memref_slice %arg3[%add3A_321, %dma_start3A_600] : memref<4096x80xi32, #tpu.memory_space<hbm>> -> memref<32x80xi32, #tpu.memory_space<hbm>>
      tpu.enqueue_dma source(%dma_start3A_601 : memref<32x80xi32, #tpu.memory_space<hbm>>) target(%arg7 : memref<32x80xi32, #tpu.memory_space<vmem>>) target_semaphore(%run_scoped3A_597 : memref<!tpu.dma_semaphore, #tpu.memory_space<semaphore_mem>>)
      %dma_wait3A_602 = arith.constant 0 : i32
      %dma_wait3A_603 = tpu.memref_slice %arg3[%add3A_321, %dma_wait3A_602] : memref<4096x80xi32, #tpu.memory_space<hbm>> -> memref<32x80xi32, #tpu.memory_space<hbm>>
      %dma_wait3A_604 = arith.constant 0 : i32
      %dma_wait3A_605 = tpu.memref_slice %arg3[%add3A_321, %dma_wait3A_604] : memref<4096x80xi32, #tpu.memory_space<hbm>> -> memref<32x80xi32, #tpu.memory_space<hbm>>
      tpu.wait_dma2 semaphore(%run_scoped3A_597 : memref<!tpu.dma_semaphore, #tpu.memory_space<semaphore_mem>>) src(%dma_wait3A_605 : memref<32x80xi32, #tpu.memory_space<hbm>>) dst(%arg7 : memref<32x80xi32, #tpu.memory_space<vmem>>)
      tpu.yield
    }) : () -> ()
    "tpu.region"() ({
      %run_scoped3A_597 = tpu.sem_alloc : memref<!tpu.dma_semaphore, #tpu.memory_space<semaphore_mem>>
      %dma_start3A_598 = arith.constant 0 : i32
      %dma_start3A_599 = tpu.memref_slice %arg4[%add3A_321, %dma_start3A_598] : memref<4096x80xi32, #tpu.memory_space<hbm>> -> memref<32x80xi32, #tpu.memory_space<hbm>>
      %dma_start3A_600 = arith.constant 0 : i32
      %dma_start3A_601 = tpu.memref_slice %arg4[%add3A_321, %dma_start3A_600] : memref<4096x80xi32, #tpu.memory_space<hbm>> -> memref<32x80xi32, #tpu.memory_space<hbm>>
      tpu.enqueue_dma source(%dma_start3A_601 : memref<32x80xi32, #tpu.memory_space<hbm>>) target(%arg8 : memref<32x80xi32, #tpu.memory_space<vmem>>) target_semaphore(%run_scoped3A_597 : memref<!tpu.dma_semaphore, #tpu.memory_space<semaphore_mem>>)
      %dma_wait3A_602 = arith.constant 0 : i32
      %dma_wait3A_603 = tpu.memref_slice %arg4[%add3A_321, %dma_wait3A_602] : memref<4096x80xi32, #tpu.memory_space<hbm>> -> memref<32x80xi32, #tpu.memory_space<hbm>>
      %dma_wait3A_604 = arith.constant 0 : i32
      %dma_wait3A_605 = tpu.memref_slice %arg4[%add3A_321, %dma_wait3A_604] : memref<4096x80xi32, #tpu.memory_space<hbm>> -> memref<32x80xi32, #tpu.memory_space<hbm>>
      tpu.wait_dma2 semaphore(%run_scoped3A_597 : memref<!tpu.dma_semaphore, #tpu.memory_space<semaphore_mem>>) src(%dma_wait3A_605 : memref<32x80xi32, #tpu.memory_space<hbm>>) dst(%arg8 : memref<32x80xi32, #tpu.memory_space<vmem>>)
      tpu.yield
    }) : () -> ()
    %dma_start3A_322 = arith.constant 0 : i32
    %dma_start3A_323 = arith.constant 0 : i32
    %dma_start3A_324 = arith.constant 0 : i32
    %dma_start3A_325 = arith.constant 0 : i32
    %dma_start3A_326 = tpu.memref_slice %arg9[%dma_start3A_323, %dma_start3A_324, %dma_start3A_325] : memref<3x80x128xf32, #tpu.memory_space<vmem>> -> memref<1x80x128xf32, #tpu.memory_space<vmem>>
    %dma_start3A_327 = tpu.memref_squeeze %dma_start3A_326 : memref<1x80x128xf32, #tpu.memory_space<vmem>> -> memref<80x128xf32, #tpu.memory_space<vmem>>
    %dma_start3A_328 = arith.constant 0 : i32
    %dma_start3A_329 = tpu.memref_slice %arg7[%dma_start3A_322, %dma_start3A_328] : memref<32x80xi32, #tpu.memory_space<vmem>> -> memref<1x80xi32, #tpu.memory_space<vmem>>
    %dma_start3A_330 = tpu.memref_squeeze %dma_start3A_329 : memref<1x80xi32, #tpu.memory_space<vmem>> -> memref<80xi32, #tpu.memory_space<vmem>>
    %dma_start3A_331 = arith.constant 0 : i32
    %dma_start3A_332 = arith.constant 0 : i32
    %dma_start3A_333 = tpu.memref_slice %arg2[%dma_start3A_331, %dma_start3A_332] : memref<10000x128xf32, #tpu.memory_space<hbm>> -> memref<10000x128xf32, #tpu.memory_space<hbm>>
    tpu.enqueue_indirect_dma source(%dma_start3A_333 : memref<10000x128xf32, #tpu.memory_space<hbm>>) target(%dma_start3A_327 : memref<80x128xf32, #tpu.memory_space<vmem>>) offsets(%dma_start3A_330 : memref<80xi32, #tpu.memory_space<vmem>>) semaphore(%arg11 : memref<!tpu.dma_semaphore, #tpu.memory_space<semaphore_mem>>)
    %dma_start3A_334 = arith.constant 1 : i32
    %dma_start3A_335 = arith.constant 1 : i32
    %dma_start3A_336 = arith.constant 0 : i32
    %dma_start3A_337 = arith.constant 0 : i32
    %dma_start3A_338 = tpu.memref_slice %arg9[%dma_start3A_335, %dma_start3A_336, %dma_start3A_337] : memref<3x80x128xf32, #tpu.memory_space<vmem>> -> memref<1x80x128xf32, #tpu.memory_space<vmem>>
    %dma_start3A_339 = tpu.memref_squeeze %dma_start3A_338 : memref<1x80x128xf32, #tpu.memory_space<vmem>> -> memref<80x128xf32, #tpu.memory_space<vmem>>
    %dma_start3A_340 = arith.constant 0 : i32
    %dma_start3A_341 = tpu.memref_slice %arg7[%dma_start3A_334, %dma_start3A_340] : memref<32x80xi32, #tpu.memory_space<vmem>> -> memref<1x80xi32, #tpu.memory_space<vmem>>
    %dma_start3A_342 = tpu.memref_squeeze %dma_start3A_341 : memref<1x80xi32, #tpu.memory_space<vmem>> -> memref<80xi32, #tpu.memory_space<vmem>>
    %dma_start3A_343 = arith.constant 0 : i32
    %dma_start3A_344 = arith.constant 0 : i32
    %dma_start3A_345 = tpu.memref_slice %arg2[%dma_start3A_343, %dma_start3A_344] : memref<10000x128xf32, #tpu.memory_space<hbm>> -> memref<10000x128xf32, #tpu.memory_space<hbm>>
    tpu.enqueue_indirect_dma source(%dma_start3A_345 : memref<10000x128xf32, #tpu.memory_space<hbm>>) target(%dma_start3A_339 : memref<80x128xf32, #tpu.memory_space<vmem>>) offsets(%dma_start3A_342 : memref<80xi32, #tpu.memory_space<vmem>>) semaphore(%arg12 : memref<!tpu.dma_semaphore, #tpu.memory_space<semaphore_mem>>)
    %dma_start3A_346 = arith.constant 2 : i32
    %dma_start3A_347 = arith.constant 2 : i32
    %dma_start3A_348 = arith.constant 0 : i32
    %dma_start3A_349 = arith.constant 0 : i32
    %dma_start3A_350 = tpu.memref_slice %arg9[%dma_start3A_347, %dma_start3A_348, %dma_start3A_349] : memref<3x80x128xf32, #tpu.memory_space<vmem>> -> memref<1x80x128xf32, #tpu.memory_space<vmem>>
    %dma_start3A_351 = tpu.memref_squeeze %dma_start3A_350 : memref<1x80x128xf32, #tpu.memory_space<vmem>> -> memref<80x128xf32, #tpu.memory_space<vmem>>
    %dma_start3A_352 = arith.constant 0 : i32
    %dma_start3A_353 = tpu.memref_slice %arg7[%dma_start3A_346, %dma_start3A_352] : memref<32x80xi32, #tpu.memory_space<vmem>> -> memref<1x80xi32, #tpu.memory_space<vmem>>
    %dma_start3A_354 = tpu.memref_squeeze %dma_start3A_353 : memref<1x80xi32, #tpu.memory_space<vmem>> -> memref<80xi32, #tpu.memory_space<vmem>>
    %dma_start3A_355 = arith.constant 0 : i32
    %dma_start3A_356 = arith.constant 0 : i32
    %dma_start3A_357 = tpu.memref_slice %arg2[%dma_start3A_355, %dma_start3A_356] : memref<10000x128xf32, #tpu.memory_space<hbm>> -> memref<10000x128xf32, #tpu.memory_space<hbm>>
    tpu.enqueue_indirect_dma source(%dma_start3A_357 : memref<10000x128xf32, #tpu.memory_space<hbm>>) target(%dma_start3A_351 : memref<80x128xf32, #tpu.memory_space<vmem>>) offsets(%dma_start3A_354 : memref<80xi32, #tpu.memory_space<vmem>>) semaphore(%arg13 : memref<!tpu.dma_semaphore, #tpu.memory_space<semaphore_mem>>)
    %scan3A_358 = arith.constant 0 : i32
    %scan3A_359 = arith.constant 9 : i32
    %scan3A_360 = arith.addi %scan3A_358, %scan3A_359 : i32
    %scan3A_361 = arith.constant 1 : i32
    scf.for %scan3A_597 = %scan3A_358 to %scan3A_360 step %scan3A_361  : i32 {
      %mul3A_598 = arith.constant 1 : i32
      %mul3A_599 = arith.muli %scan3A_597, %mul3A_598 : i32
      %add3A_600 = arith.constant 0 : i32
      %add3A_601 = arith.addi %add3A_600, %mul3A_599 : i32
      %mul3A_602 = arith.constant 3 : i32
      %mul3A_603 = arith.muli %add3A_601, %mul3A_602 : i32
      %add3A_604 = arith.constant 0 : i32
      %add3A_605 = arith.addi %mul3A_603, %add3A_604 : i32
      %dma_wait3A_606 = arith.constant 0 : i32
      %dma_wait3A_607 = arith.constant 0 : i32
      %dma_wait3A_608 = arith.constant 0 : i32
      %dma_wait3A_609 = tpu.memref_slice %arg9[%dma_wait3A_606, %dma_wait3A_607, %dma_wait3A_608] : memref<3x80x128xf32, #tpu.memory_space<vmem>> -> memref<1x80x128xf32, #tpu.memory_space<vmem>>
      %dma_wait3A_610 = tpu.memref_squeeze %dma_wait3A_609 : memref<1x80x128xf32, #tpu.memory_space<vmem>> -> memref<80x128xf32, #tpu.memory_space<vmem>>
      %dma_wait3A_611 = arith.constant 0 : i32
      %dma_wait3A_612 = tpu.memref_slice %arg7[%add3A_605, %dma_wait3A_611] : memref<32x80xi32, #tpu.memory_space<vmem>> -> memref<1x80xi32, #tpu.memory_space<vmem>>
      %dma_wait3A_613 = tpu.memref_squeeze %dma_wait3A_612 : memref<1x80xi32, #tpu.memory_space<vmem>> -> memref<80xi32, #tpu.memory_space<vmem>>
      %dma_wait3A_614 = arith.constant 0 : i32
      %dma_wait3A_615 = arith.constant 0 : i32
      %dma_wait3A_616 = tpu.memref_slice %arg2[%dma_wait3A_614, %dma_wait3A_615] : memref<10000x128xf32, #tpu.memory_space<hbm>> -> memref<10000x128xf32, #tpu.memory_space<hbm>>
      tpu.wait_indirect_dma semaphore(%arg11 : memref<!tpu.dma_semaphore, #tpu.memory_space<semaphore_mem>>) src(%dma_wait3A_616 : memref<10000x128xf32, #tpu.memory_space<hbm>>) dst(%dma_wait3A_610 : memref<80x128xf32, #tpu.memory_space<vmem>>)
      %run_scoped3A_617 = arith.constant 0 : i32
      "tpu.region"() ({
        %run_scoped3A_689 = tpu.sem_alloc : memref<!tpu.dma_semaphore, #tpu.memory_space<semaphore_mem>>
        %dma_start3A_690 = arith.constant 0 : i32
        %dma_start3A_691 = arith.constant 0 : i32
        %dma_start3A_692 = tpu.memref_slice %arg9[%run_scoped3A_617, %dma_start3A_690, %dma_start3A_691] : memref<3x80x128xf32, #tpu.memory_space<vmem>> -> memref<1x80x128xf32, #tpu.memory_space<vmem>>
        %dma_start3A_693 = tpu.memref_squeeze %dma_start3A_692 : memref<1x80x128xf32, #tpu.memory_space<vmem>> -> memref<80x128xf32, #tpu.memory_space<vmem>>
        %dma_start3A_694 = arith.constant 0 : i32
        %dma_start3A_695 = tpu.memref_slice %arg8[%add3A_605, %dma_start3A_694] : memref<32x80xi32, #tpu.memory_space<vmem>> -> memref<1x80xi32, #tpu.memory_space<vmem>>
        %dma_start3A_696 = tpu.memref_squeeze %dma_start3A_695 : memref<1x80xi32, #tpu.memory_space<vmem>> -> memref<80xi32, #tpu.memory_space<vmem>>
        %dma_start3A_697 = arith.constant 0 : i32
        %dma_start3A_698 = arith.constant 0 : i32
        %dma_start3A_699 = tpu.memref_slice %arg10[%dma_start3A_697, %dma_start3A_698] : memref<10240x128xf32, #tpu.memory_space<vmem_shared>> -> memref<10240x128xf32, #tpu.memory_space<vmem_shared>>
        tpu.enqueue_indirect_dma source(%dma_start3A_693 : memref<80x128xf32, #tpu.memory_space<vmem>>) target(%dma_start3A_699 : memref<10240x128xf32, #tpu.memory_space<vmem_shared>>) offsets(%dma_start3A_696 : memref<80xi32, #tpu.memory_space<vmem>>) semaphore(%run_scoped3A_689 : memref<!tpu.dma_semaphore, #tpu.memory_space<semaphore_mem>>) {add = true}
        %dma_wait3A_700 = arith.constant 0 : i32
        %dma_wait3A_701 = arith.constant 0 : i32
        %dma_wait3A_702 = tpu.memref_slice %arg9[%run_scoped3A_617, %dma_wait3A_700, %dma_wait3A_701] : memref<3x80x128xf32, #tpu.memory_space<vmem>> -> memref<1x80x128xf32, #tpu.memory_space<vmem>>
        %dma_wait3A_703 = tpu.memref_squeeze %dma_wait3A_702 : memref<1x80x128xf32, #tpu.memory_space<vmem>> -> memref<80x128xf32, #tpu.memory_space<vmem>>
        %dma_wait3A_704 = arith.constant 0 : i32
        %dma_wait3A_705 = tpu.memref_slice %arg8[%add3A_605, %dma_wait3A_704] : memref<32x80xi32, #tpu.memory_space<vmem>> -> memref<1x80xi32, #tpu.memory_space<vmem>>
        %dma_wait3A_706 = tpu.memref_squeeze %dma_wait3A_705 : memref<1x80xi32, #tpu.memory_space<vmem>> -> memref<80xi32, #tpu.memory_space<vmem>>
        %dma_wait3A_707 = arith.constant 0 : i32
        %dma_wait3A_708 = arith.constant 0 : i32
        %dma_wait3A_709 = tpu.memref_slice %arg10[%dma_wait3A_707, %dma_wait3A_708] : memref<10240x128xf32, #tpu.memory_space<vmem_shared>> -> memref<10240x128xf32, #tpu.memory_space<vmem_shared>>
        tpu.wait_indirect_dma semaphore(%run_scoped3A_689 : memref<!tpu.dma_semaphore, #tpu.memory_space<semaphore_mem>>) src(%dma_wait3A_703 : memref<80x128xf32, #tpu.memory_space<vmem>>) dst(%dma_wait3A_709 : memref<10240x128xf32, #tpu.memory_space<vmem_shared>>)
        tpu.yield
      }) : () -> ()
      %add3A_618 = arith.constant 3 : i32
      %add3A_619 = arith.addi %add3A_605, %add3A_618 : i32
      %dma_start3A_620 = arith.constant 0 : i32
      %dma_start3A_621 = arith.constant 0 : i32
      %dma_start3A_622 = arith.constant 0 : i32
      %dma_start3A_623 = tpu.memref_slice %arg9[%dma_start3A_620, %dma_start3A_621, %dma_start3A_622] : memref<3x80x128xf32, #tpu.memory_space<vmem>> -> memref<1x80x128xf32, #tpu.memory_space<vmem>>
      %dma_start3A_624 = tpu.memref_squeeze %dma_start3A_623 : memref<1x80x128xf32, #tpu.memory_space<vmem>> -> memref<80x128xf32, #tpu.memory_space<vmem>>
      %dma_start3A_625 = arith.constant 0 : i32
      %dma_start3A_626 = tpu.memref_slice %arg7[%add3A_619, %dma_start3A_625] : memref<32x80xi32, #tpu.memory_space<vmem>> -> memref<1x80xi32, #tpu.memory_space<vmem>>
      %dma_start3A_627 = tpu.memref_squeeze %dma_start3A_626 : memref<1x80xi32, #tpu.memory_space<vmem>> -> memref<80xi32, #tpu.memory_space<vmem>>
      %dma_start3A_628 = arith.constant 0 : i32
      %dma_start3A_629 = arith.constant 0 : i32
      %dma_start3A_630 = tpu.memref_slice %arg2[%dma_start3A_628, %dma_start3A_629] : memref<10000x128xf32, #tpu.memory_space<hbm>> -> memref<10000x128xf32, #tpu.memory_space<hbm>>
      tpu.enqueue_indirect_dma source(%dma_start3A_630 : memref<10000x128xf32, #tpu.memory_space<hbm>>) target(%dma_start3A_624 : memref<80x128xf32, #tpu.memory_space<vmem>>) offsets(%dma_start3A_627 : memref<80xi32, #tpu.memory_space<vmem>>) semaphore(%arg11 : memref<!tpu.dma_semaphore, #tpu.memory_space<semaphore_mem>>)
      %mul3A_631 = arith.constant 3 : i32
      %mul3A_632 = arith.muli %add3A_601, %mul3A_631 : i32
      %add3A_633 = arith.constant 1 : i32
      %add3A_634 = arith.addi %mul3A_632, %add3A_633 : i32
      %dma_wait3A_635 = arith.constant 1 : i32
      %dma_wait3A_636 = arith.constant 0 : i32
      %dma_wait3A_637 = arith.constant 0 : i32
      %dma_wait3A_638 = tpu.memref_slice %arg9[%dma_wait3A_635, %dma_wait3A_636, %dma_wait3A_637] : memref<3x80x128xf32, #tpu.memory_space<vmem>> -> memref<1x80x128xf32, #tpu.memory_space<vmem>>
      %dma_wait3A_639 = tpu.memref_squeeze %dma_wait3A_638 : memref<1x80x128xf32, #tpu.memory_space<vmem>> -> memref<80x128xf32, #tpu.memory_space<vmem>>
      %dma_wait3A_640 = arith.constant 0 : i32
      %dma_wait3A_641 = tpu.memref_slice %arg7[%add3A_634, %dma_wait3A_640] : memref<32x80xi32, #tpu.memory_space<vmem>> -> memref<1x80xi32, #tpu.memory_space<vmem>>
      %dma_wait3A_642 = tpu.memref_squeeze %dma_wait3A_641 : memref<1x80xi32, #tpu.memory_space<vmem>> -> memref<80xi32, #tpu.memory_space<vmem>>
      %dma_wait3A_643 = arith.constant 0 : i32
      %dma_wait3A_644 = arith.constant 0 : i32
      %dma_wait3A_645 = tpu.memref_slice %arg2[%dma_wait3A_643, %dma_wait3A_644] : memref<10000x128xf32, #tpu.memory_space<hbm>> -> memref<10000x128xf32, #tpu.memory_space<hbm>>
      tpu.wait_indirect_dma semaphore(%arg12 : memref<!tpu.dma_semaphore, #tpu.memory_space<semaphore_mem>>) src(%dma_wait3A_645 : memref<10000x128xf32, #tpu.memory_space<hbm>>) dst(%dma_wait3A_639 : memref<80x128xf32, #tpu.memory_space<vmem>>)
      %run_scoped3A_646 = arith.constant 1 : i32
      "tpu.region"() ({
        %run_scoped3A_689 = tpu.sem_alloc : memref<!tpu.dma_semaphore, #tpu.memory_space<semaphore_mem>>
        %dma_start3A_690 = arith.constant 0 : i32
        %dma_start3A_691 = arith.constant 0 : i32
        %dma_start3A_692 = tpu.memref_slice %arg9[%run_scoped3A_646, %dma_start3A_690, %dma_start3A_691] : memref<3x80x128xf32, #tpu.memory_space<vmem>> -> memref<1x80x128xf32, #tpu.memory_space<vmem>>
        %dma_start3A_693 = tpu.memref_squeeze %dma_start3A_692 : memref<1x80x128xf32, #tpu.memory_space<vmem>> -> memref<80x128xf32, #tpu.memory_space<vmem>>
        %dma_start3A_694 = arith.constant 0 : i32
        %dma_start3A_695 = tpu.memref_slice %arg8[%add3A_634, %dma_start3A_694] : memref<32x80xi32, #tpu.memory_space<vmem>> -> memref<1x80xi32, #tpu.memory_space<vmem>>
        %dma_start3A_696 = tpu.memref_squeeze %dma_start3A_695 : memref<1x80xi32, #tpu.memory_space<vmem>> -> memref<80xi32, #tpu.memory_space<vmem>>
        %dma_start3A_697 = arith.constant 0 : i32
        %dma_start3A_698 = arith.constant 0 : i32
        %dma_start3A_699 = tpu.memref_slice %arg10[%dma_start3A_697, %dma_start3A_698] : memref<10240x128xf32, #tpu.memory_space<vmem_shared>> -> memref<10240x128xf32, #tpu.memory_space<vmem_shared>>
        tpu.enqueue_indirect_dma source(%dma_start3A_693 : memref<80x128xf32, #tpu.memory_space<vmem>>) target(%dma_start3A_699 : memref<10240x128xf32, #tpu.memory_space<vmem_shared>>) offsets(%dma_start3A_696 : memref<80xi32, #tpu.memory_space<vmem>>) semaphore(%run_scoped3A_689 : memref<!tpu.dma_semaphore, #tpu.memory_space<semaphore_mem>>) {add = true}
        %dma_wait3A_700 = arith.constant 0 : i32
        %dma_wait3A_701 = arith.constant 0 : i32
        %dma_wait3A_702 = tpu.memref_slice %arg9[%run_scoped3A_646, %dma_wait3A_700, %dma_wait3A_701] : memref<3x80x128xf32, #tpu.memory_space<vmem>> -> memref<1x80x128xf32, #tpu.memory_space<vmem>>
        %dma_wait3A_703 = tpu.memref_squeeze %dma_wait3A_702 : memref<1x80x128xf32, #tpu.memory_space<vmem>> -> memref<80x128xf32, #tpu.memory_space<vmem>>
        %dma_wait3A_704 = arith.constant 0 : i32
        %dma_wait3A_705 = tpu.memref_slice %arg8[%add3A_634, %dma_wait3A_704] : memref<32x80xi32, #tpu.memory_space<vmem>> -> memref<1x80xi32, #tpu.memory_space<vmem>>
        %dma_wait3A_706 = tpu.memref_squeeze %dma_wait3A_705 : memref<1x80xi32, #tpu.memory_space<vmem>> -> memref<80xi32, #tpu.memory_space<vmem>>
        %dma_wait3A_707 = arith.constant 0 : i32
        %dma_wait3A_708 = arith.constant 0 : i32
        %dma_wait3A_709 = tpu.memref_slice %arg10[%dma_wait3A_707, %dma_wait3A_708] : memref<10240x128xf32, #tpu.memory_space<vmem_shared>> -> memref<10240x128xf32, #tpu.memory_space<vmem_shared>>
        tpu.wait_indirect_dma semaphore(%run_scoped3A_689 : memref<!tpu.dma_semaphore, #tpu.memory_space<semaphore_mem>>) src(%dma_wait3A_703 : memref<80x128xf32, #tpu.memory_space<vmem>>) dst(%dma_wait3A_709 : memref<10240x128xf32, #tpu.memory_space<vmem_shared>>)
        tpu.yield
      }) : () -> ()
      %add3A_647 = arith.constant 3 : i32
      %add3A_648 = arith.addi %add3A_634, %add3A_647 : i32
      %dma_start3A_649 = arith.constant 1 : i32
      %dma_start3A_650 = arith.constant 0 : i32
      %dma_start3A_651 = arith.constant 0 : i32
      %dma_start3A_652 = tpu.memref_slice %arg9[%dma_start3A_649, %dma_start3A_650, %dma_start3A_651] : memref<3x80x128xf32, #tpu.memory_space<vmem>> -> memref<1x80x128xf32, #tpu.memory_space<vmem>>
      %dma_start3A_653 = tpu.memref_squeeze %dma_start3A_652 : memref<1x80x128xf32, #tpu.memory_space<vmem>> -> memref<80x128xf32, #tpu.memory_space<vmem>>
      %dma_start3A_654 = arith.constant 0 : i32
      %dma_start3A_655 = tpu.memref_slice %arg7[%add3A_648, %dma_start3A_654] : memref<32x80xi32, #tpu.memory_space<vmem>> -> memref<1x80xi32, #tpu.memory_space<vmem>>
      %dma_start3A_656 = tpu.memref_squeeze %dma_start3A_655 : memref<1x80xi32, #tpu.memory_space<vmem>> -> memref<80xi32, #tpu.memory_space<vmem>>
      %dma_start3A_657 = arith.constant 0 : i32
      %dma_start3A_658 = arith.constant 0 : i32
      %dma_start3A_659 = tpu.memref_slice %arg2[%dma_start3A_657, %dma_start3A_658] : memref<10000x128xf32, #tpu.memory_space<hbm>> -> memref<10000x128xf32, #tpu.memory_space<hbm>>
      tpu.enqueue_indirect_dma source(%dma_start3A_659 : memref<10000x128xf32, #tpu.memory_space<hbm>>) target(%dma_start3A_653 : memref<80x128xf32, #tpu.memory_space<vmem>>) offsets(%dma_start3A_656 : memref<80xi32, #tpu.memory_space<vmem>>) semaphore(%arg12 : memref<!tpu.dma_semaphore, #tpu.memory_space<semaphore_mem>>)
      %mul3A_660 = arith.constant 3 : i32
      %mul3A_661 = arith.muli %add3A_601, %mul3A_660 : i32
      %add3A_662 = arith.constant 2 : i32
      %add3A_663 = arith.addi %mul3A_661, %add3A_662 : i32
      %dma_wait3A_664 = arith.constant 2 : i32
      %dma_wait3A_665 = arith.constant 0 : i32
      %dma_wait3A_666 = arith.constant 0 : i32
      %dma_wait3A_667 = tpu.memref_slice %arg9[%dma_wait3A_664, %dma_wait3A_665, %dma_wait3A_666] : memref<3x80x128xf32, #tpu.memory_space<vmem>> -> memref<1x80x128xf32, #tpu.memory_space<vmem>>
      %dma_wait3A_668 = tpu.memref_squeeze %dma_wait3A_667 : memref<1x80x128xf32, #tpu.memory_space<vmem>> -> memref<80x128xf32, #tpu.memory_space<vmem>>
      %dma_wait3A_669 = arith.constant 0 : i32
      %dma_wait3A_670 = tpu.memref_slice %arg7[%add3A_663, %dma_wait3A_669] : memref<32x80xi32, #tpu.memory_space<vmem>> -> memref<1x80xi32, #tpu.memory_space<vmem>>
      %dma_wait3A_671 = tpu.memref_squeeze %dma_wait3A_670 : memref<1x80xi32, #tpu.memory_space<vmem>> -> memref<80xi32, #tpu.memory_space<vmem>>
      %dma_wait3A_672 = arith.constant 0 : i32
      %dma_wait3A_673 = arith.constant 0 : i32
      %dma_wait3A_674 = tpu.memref_slice %arg2[%dma_wait3A_672, %dma_wait3A_673] : memref<10000x128xf32, #tpu.memory_space<hbm>> -> memref<10000x128xf32, #tpu.memory_space<hbm>>
      tpu.wait_indirect_dma semaphore(%arg13 : memref<!tpu.dma_semaphore, #tpu.memory_space<semaphore_mem>>) src(%dma_wait3A_674 : memref<10000x128xf32, #tpu.memory_space<hbm>>) dst(%dma_wait3A_668 : memref<80x128xf32, #tpu.memory_space<vmem>>)
      %run_scoped3A_675 = arith.constant 2 : i32
      "tpu.region"() ({
        %run_scoped3A_689 = tpu.sem_alloc : memref<!tpu.dma_semaphore, #tpu.memory_space<semaphore_mem>>
        %dma_start3A_690 = arith.constant 0 : i32
        %dma_start3A_691 = arith.constant 0 : i32
        %dma_start3A_692 = tpu.memref_slice %arg9[%run_scoped3A_675, %dma_start3A_690, %dma_start3A_691] : memref<3x80x128xf32, #tpu.memory_space<vmem>> -> memref<1x80x128xf32, #tpu.memory_space<vmem>>
        %dma_start3A_693 = tpu.memref_squeeze %dma_start3A_692 : memref<1x80x128xf32, #tpu.memory_space<vmem>> -> memref<80x128xf32, #tpu.memory_space<vmem>>
        %dma_start3A_694 = arith.constant 0 : i32
        %dma_start3A_695 = tpu.memref_slice %arg8[%add3A_663, %dma_start3A_694] : memref<32x80xi32, #tpu.memory_space<vmem>> -> memref<1x80xi32, #tpu.memory_space<vmem>>
        %dma_start3A_696 = tpu.memref_squeeze %dma_start3A_695 : memref<1x80xi32, #tpu.memory_space<vmem>> -> memref<80xi32, #tpu.memory_space<vmem>>
        %dma_start3A_697 = arith.constant 0 : i32
        %dma_start3A_698 = arith.constant 0 : i32
        %dma_start3A_699 = tpu.memref_slice %arg10[%dma_start3A_697, %dma_start3A_698] : memref<10240x128xf32, #tpu.memory_space<vmem_shared>> -> memref<10240x128xf32, #tpu.memory_space<vmem_shared>>
        tpu.enqueue_indirect_dma source(%dma_start3A_693 : memref<80x128xf32, #tpu.memory_space<vmem>>) target(%dma_start3A_699 : memref<10240x128xf32, #tpu.memory_space<vmem_shared>>) offsets(%dma_start3A_696 : memref<80xi32, #tpu.memory_space<vmem>>) semaphore(%run_scoped3A_689 : memref<!tpu.dma_semaphore, #tpu.memory_space<semaphore_mem>>) {add = true}
        %dma_wait3A_700 = arith.constant 0 : i32
        %dma_wait3A_701 = arith.constant 0 : i32
        %dma_wait3A_702 = tpu.memref_slice %arg9[%run_scoped3A_675, %dma_wait3A_700, %dma_wait3A_701] : memref<3x80x128xf32, #tpu.memory_space<vmem>> -> memref<1x80x128xf32, #tpu.memory_space<vmem>>
        %dma_wait3A_703 = tpu.memref_squeeze %dma_wait3A_702 : memref<1x80x128xf32, #tpu.memory_space<vmem>> -> memref<80x128xf32, #tpu.memory_space<vmem>>
        %dma_wait3A_704 = arith.constant 0 : i32
        %dma_wait3A_705 = tpu.memref_slice %arg8[%add3A_663, %dma_wait3A_704] : memref<32x80xi32, #tpu.memory_space<vmem>> -> memref<1x80xi32, #tpu.memory_space<vmem>>
        %dma_wait3A_706 = tpu.memref_squeeze %dma_wait3A_705 : memref<1x80xi32, #tpu.memory_space<vmem>> -> memref<80xi32, #tpu.memory_space<vmem>>
        %dma_wait3A_707 = arith.constant 0 : i32
        %dma_wait3A_708 = arith.constant 0 : i32
        %dma_wait3A_709 = tpu.memref_slice %arg10[%dma_wait3A_707, %dma_wait3A_708] : memref<10240x128xf32, #tpu.memory_space<vmem_shared>> -> memref<10240x128xf32, #tpu.memory_space<vmem_shared>>
        tpu.wait_indirect_dma semaphore(%run_scoped3A_689 : memref<!tpu.dma_semaphore, #tpu.memory_space<semaphore_mem>>) src(%dma_wait3A_703 : memref<80x128xf32, #tpu.memory_space<vmem>>) dst(%dma_wait3A_709 : memref<10240x128xf32, #tpu.memory_space<vmem_shared>>)
        tpu.yield
      }) : () -> ()
      %add3A_676 = arith.constant 3 : i32
      %add3A_677 = arith.addi %add3A_663, %add3A_676 : i32
      %dma_start3A_678 = arith.constant 2 : i32
      %dma_start3A_679 = arith.constant 0 : i32
      %dma_start3A_680 = arith.constant 0 : i32
      %dma_start3A_681 = tpu.memref_slice %arg9[%dma_start3A_678, %dma_start3A_679, %dma_start3A_680] : memref<3x80x128xf32, #tpu.memory_space<vmem>> -> memref<1x80x128xf32, #tpu.memory_space<vmem>>
      %dma_start3A_682 = tpu.memref_squeeze %dma_start3A_681 : memref<1x80x128xf32, #tpu.memory_space<vmem>> -> memref<80x128xf32, #tpu.memory_space<vmem>>
      %dma_start3A_683 = arith.constant 0 : i32
      %dma_start3A_684 = tpu.memref_slice %arg7[%add3A_677, %dma_start3A_683] : memref<32x80xi32, #tpu.memory_space<vmem>> -> memref<1x80xi32, #tpu.memory_space<vmem>>
      %dma_start3A_685 = tpu.memref_squeeze %dma_start3A_684 : memref<1x80xi32, #tpu.memory_space<vmem>> -> memref<80xi32, #tpu.memory_space<vmem>>
      %dma_start3A_686 = arith.constant 0 : i32
      %dma_start3A_687 = arith.constant 0 : i32
      %dma_start3A_688 = tpu.memref_slice %arg2[%dma_start3A_686, %dma_start3A_687] : memref<10000x128xf32, #tpu.memory_space<hbm>> -> memref<10000x128xf32, #tpu.memory_space<hbm>>
      tpu.enqueue_indirect_dma source(%dma_start3A_688 : memref<10000x128xf32, #tpu.memory_space<hbm>>) target(%dma_start3A_682 : memref<80x128xf32, #tpu.memory_space<vmem>>) offsets(%dma_start3A_685 : memref<80xi32, #tpu.memory_space<vmem>>) semaphore(%arg13 : memref<!tpu.dma_semaphore, #tpu.memory_space<semaphore_mem>>)
    }
    %scan3A_362 = arith.constant 9 : i32
    %dma_wait3A_363 = arith.constant 27 : i32
    %dma_wait3A_364 = arith.constant 0 : i32
    %dma_wait3A_365 = arith.constant 0 : i32
    %dma_wait3A_366 = arith.constant 0 : i32
    %dma_wait3A_367 = tpu.memref_slice %arg9[%dma_wait3A_364, %dma_wait3A_365, %dma_wait3A_366] : memref<3x80x128xf32, #tpu.memory_space<vmem>> -> memref<1x80x128xf32, #tpu.memory_space<vmem>>
    %dma_wait3A_368 = tpu.memref_squeeze %dma_wait3A_367 : memref<1x80x128xf32, #tpu.memory_space<vmem>> -> memref<80x128xf32, #tpu.memory_space<vmem>>
    %dma_wait3A_369 = arith.constant 0 : i32
    %dma_wait3A_370 = tpu.memref_slice %arg7[%dma_wait3A_363, %dma_wait3A_369] : memref<32x80xi32, #tpu.memory_space<vmem>> -> memref<1x80xi32, #tpu.memory_space<vmem>>
    %dma_wait3A_371 = tpu.memref_squeeze %dma_wait3A_370 : memref<1x80xi32, #tpu.memory_space<vmem>> -> memref<80xi32, #tpu.memory_space<vmem>>
    %dma_wait3A_372 = arith.constant 0 : i32
    %dma_wait3A_373 = arith.constant 0 : i32
    %dma_wait3A_374 = tpu.memref_slice %arg2[%dma_wait3A_372, %dma_wait3A_373] : memref<10000x128xf32, #tpu.memory_space<hbm>> -> memref<10000x128xf32, #tpu.memory_space<hbm>>
    tpu.wait_indirect_dma semaphore(%arg11 : memref<!tpu.dma_semaphore, #tpu.memory_space<semaphore_mem>>) src(%dma_wait3A_374 : memref<10000x128xf32, #tpu.memory_space<hbm>>) dst(%dma_wait3A_368 : memref<80x128xf32, #tpu.memory_space<vmem>>)
    %run_scoped3A_375 = arith.constant 0 : i32
    %run_scoped3A_376 = arith.constant 27 : i32
    "tpu.region"() ({
      %run_scoped3A_597 = tpu.sem_alloc : memref<!tpu.dma_semaphore, #tpu.memory_space<semaphore_mem>>
      %dma_start3A_598 = arith.constant 0 : i32
      %dma_start3A_599 = arith.constant 0 : i32
      %dma_start3A_600 = tpu.memref_slice %arg9[%run_scoped3A_375, %dma_start3A_598, %dma_start3A_599] : memref<3x80x128xf32, #tpu.memory_space<vmem>> -> memref<1x80x128xf32, #tpu.memory_space<vmem>>
      %dma_start3A_601 = tpu.memref_squeeze %dma_start3A_600 : memref<1x80x128xf32, #tpu.memory_space<vmem>> -> memref<80x128xf32, #tpu.memory_space<vmem>>
      %dma_start3A_602 = arith.constant 0 : i32
      %dma_start3A_603 = tpu.memref_slice %arg8[%run_scoped3A_376, %dma_start3A_602] : memref<32x80xi32, #tpu.memory_space<vmem>> -> memref<1x80xi32, #tpu.memory_space<vmem>>
      %dma_start3A_604 = tpu.memref_squeeze %dma_start3A_603 : memref<1x80xi32, #tpu.memory_space<vmem>> -> memref<80xi32, #tpu.memory_space<vmem>>
      %dma_start3A_605 = arith.constant 0 : i32
      %dma_start3A_606 = arith.constant 0 : i32
      %dma_start3A_607 = tpu.memref_slice %arg10[%dma_start3A_605, %dma_start3A_606] : memref<10240x128xf32, #tpu.memory_space<vmem_shared>> -> memref<10240x128xf32, #tpu.memory_space<vmem_shared>>
      tpu.enqueue_indirect_dma source(%dma_start3A_601 : memref<80x128xf32, #tpu.memory_space<vmem>>) target(%dma_start3A_607 : memref<10240x128xf32, #tpu.memory_space<vmem_shared>>) offsets(%dma_start3A_604 : memref<80xi32, #tpu.memory_space<vmem>>) semaphore(%run_scoped3A_597 : memref<!tpu.dma_semaphore, #tpu.memory_space<semaphore_mem>>) {add = true}
      %dma_wait3A_608 = arith.constant 0 : i32
      %dma_wait3A_609 = arith.constant 0 : i32
      %dma_wait3A_610 = tpu.memref_slice %arg9[%run_scoped3A_375, %dma_wait3A_608, %dma_wait3A_609] : memref<3x80x128xf32, #tpu.memory_space<vmem>> -> memref<1x80x128xf32, #tpu.memory_space<vmem>>
      %dma_wait3A_611 = tpu.memref_squeeze %dma_wait3A_610 : memref<1x80x128xf32, #tpu.memory_space<vmem>> -> memref<80x128xf32, #tpu.memory_space<vmem>>
      %dma_wait3A_612 = arith.constant 0 : i32
      %dma_wait3A_613 = tpu.memref_slice %arg8[%run_scoped3A_376, %dma_wait3A_612] : memref<32x80xi32, #tpu.memory_space<vmem>> -> memref<1x80xi32, #tpu.memory_space<vmem>>
      %dma_wait3A_614 = tpu.memref_squeeze %dma_wait3A_613 : memref<1x80xi32, #tpu.memory_space<vmem>> -> memref<80xi32, #tpu.memory_space<vmem>>
      %dma_wait3A_615 = arith.constant 0 : i32
      %dma_wait3A_616 = arith.constant 0 : i32
      %dma_wait3A_617 = tpu.memref_slice %arg10[%dma_wait3A_615, %dma_wait3A_616] : memref<10240x128xf32, #tpu.memory_space<vmem_shared>> -> memref<10240x128xf32, #tpu.memory_space<vmem_shared>>
      tpu.wait_indirect_dma semaphore(%run_scoped3A_597 : memref<!tpu.dma_semaphore, #tpu.memory_space<semaphore_mem>>) src(%dma_wait3A_611 : memref<80x128xf32, #tpu.memory_space<vmem>>) dst(%dma_wait3A_617 : memref<10240x128xf32, #tpu.memory_space<vmem_shared>>)
      tpu.yield
    }) : () -> ()
    %dma_start3A_377 = arith.constant 30 : i32
    %dma_start3A_378 = arith.constant 0 : i32
    %dma_start3A_379 = arith.constant 0 : i32
    %dma_start3A_380 = arith.constant 0 : i32
    %dma_start3A_381 = tpu.memref_slice %arg9[%dma_start3A_378, %dma_start3A_379, %dma_start3A_380] : memref<3x80x128xf32, #tpu.memory_space<vmem>> -> memref<1x80x128xf32, #tpu.memory_space<vmem>>
    %dma_start3A_382 = tpu.memref_squeeze %dma_start3A_381 : memref<1x80x128xf32, #tpu.memory_space<vmem>> -> memref<80x128xf32, #tpu.memory_space<vmem>>
    %dma_start3A_383 = arith.constant 0 : i32
    %dma_start3A_384 = tpu.memref_slice %arg7[%dma_start3A_377, %dma_start3A_383] : memref<32x80xi32, #tpu.memory_space<vmem>> -> memref<1x80xi32, #tpu.memory_space<vmem>>
    %dma_start3A_385 = tpu.memref_squeeze %dma_start3A_384 : memref<1x80xi32, #tpu.memory_space<vmem>> -> memref<80xi32, #tpu.memory_space<vmem>>
    %dma_start3A_386 = arith.constant 0 : i32
    %dma_start3A_387 = arith.constant 0 : i32
    %dma_start3A_388 = tpu.memref_slice %arg2[%dma_start3A_386, %dma_start3A_387] : memref<10000x128xf32, #tpu.memory_space<hbm>> -> memref<10000x128xf32, #tpu.memory_space<hbm>>
    tpu.enqueue_indirect_dma source(%dma_start3A_388 : memref<10000x128xf32, #tpu.memory_space<hbm>>) target(%dma_start3A_382 : memref<80x128xf32, #tpu.memory_space<vmem>>) offsets(%dma_start3A_385 : memref<80xi32, #tpu.memory_space<vmem>>) semaphore(%arg11 : memref<!tpu.dma_semaphore, #tpu.memory_space<semaphore_mem>>)
    %dma_wait3A_389 = arith.constant 28 : i32
    %dma_wait3A_390 = arith.constant 1 : i32
    %dma_wait3A_391 = arith.constant 0 : i32
    %dma_wait3A_392 = arith.constant 0 : i32
    %dma_wait3A_393 = tpu.memref_slice %arg9[%dma_wait3A_390, %dma_wait3A_391, %dma_wait3A_392] : memref<3x80x128xf32, #tpu.memory_space<vmem>> -> memref<1x80x128xf32, #tpu.memory_space<vmem>>
    %dma_wait3A_394 = tpu.memref_squeeze %dma_wait3A_393 : memref<1x80x128xf32, #tpu.memory_space<vmem>> -> memref<80x128xf32, #tpu.memory_space<vmem>>
    %dma_wait3A_395 = arith.constant 0 : i32
    %dma_wait3A_396 = tpu.memref_slice %arg7[%dma_wait3A_389, %dma_wait3A_395] : memref<32x80xi32, #tpu.memory_space<vmem>> -> memref<1x80xi32, #tpu.memory_space<vmem>>
    %dma_wait3A_397 = tpu.memref_squeeze %dma_wait3A_396 : memref<1x80xi32, #tpu.memory_space<vmem>> -> memref<80xi32, #tpu.memory_space<vmem>>
    %dma_wait3A_398 = arith.constant 0 : i32
    %dma_wait3A_399 = arith.constant 0 : i32
    %dma_wait3A_400 = tpu.memref_slice %arg2[%dma_wait3A_398, %dma_wait3A_399] : memref<10000x128xf32, #tpu.memory_space<hbm>> -> memref<10000x128xf32, #tpu.memory_space<hbm>>
    tpu.wait_indirect_dma semaphore(%arg12 : memref<!tpu.dma_semaphore, #tpu.memory_space<semaphore_mem>>) src(%dma_wait3A_400 : memref<10000x128xf32, #tpu.memory_space<hbm>>) dst(%dma_wait3A_394 : memref<80x128xf32, #tpu.memory_space<vmem>>)
    %run_scoped3A_401 = arith.constant 1 : i32
    %run_scoped3A_402 = arith.constant 28 : i32
    "tpu.region"() ({
      %run_scoped3A_597 = tpu.sem_alloc : memref<!tpu.dma_semaphore, #tpu.memory_space<semaphore_mem>>
      %dma_start3A_598 = arith.constant 0 : i32
      %dma_start3A_599 = arith.constant 0 : i32
      %dma_start3A_600 = tpu.memref_slice %arg9[%run_scoped3A_401, %dma_start3A_598, %dma_start3A_599] : memref<3x80x128xf32, #tpu.memory_space<vmem>> -> memref<1x80x128xf32, #tpu.memory_space<vmem>>
      %dma_start3A_601 = tpu.memref_squeeze %dma_start3A_600 : memref<1x80x128xf32, #tpu.memory_space<vmem>> -> memref<80x128xf32, #tpu.memory_space<vmem>>
      %dma_start3A_602 = arith.constant 0 : i32
      %dma_start3A_603 = tpu.memref_slice %arg8[%run_scoped3A_402, %dma_start3A_602] : memref<32x80xi32, #tpu.memory_space<vmem>> -> memref<1x80xi32, #tpu.memory_space<vmem>>
      %dma_start3A_604 = tpu.memref_squeeze %dma_start3A_603 : memref<1x80xi32, #tpu.memory_space<vmem>> -> memref<80xi32, #tpu.memory_space<vmem>>
      %dma_start3A_605 = arith.constant 0 : i32
      %dma_start3A_606 = arith.constant 0 : i32
      %dma_start3A_607 = tpu.memref_slice %arg10[%dma_start3A_605, %dma_start3A_606] : memref<10240x128xf32, #tpu.memory_space<vmem_shared>> -> memref<10240x128xf32, #tpu.memory_space<vmem_shared>>
      tpu.enqueue_indirect_dma source(%dma_start3A_601 : memref<80x128xf32, #tpu.memory_space<vmem>>) target(%dma_start3A_607 : memref<10240x128xf32, #tpu.memory_space<vmem_shared>>) offsets(%dma_start3A_604 : memref<80xi32, #tpu.memory_space<vmem>>) semaphore(%run_scoped3A_597 : memref<!tpu.dma_semaphore, #tpu.memory_space<semaphore_mem>>) {add = true}
      %dma_wait3A_608 = arith.constant 0 : i32
      %dma_wait3A_609 = arith.constant 0 : i32
      %dma_wait3A_610 = tpu.memref_slice %arg9[%run_scoped3A_401, %dma_wait3A_608, %dma_wait3A_609] : memref<3x80x128xf32, #tpu.memory_space<vmem>> -> memref<1x80x128xf32, #tpu.memory_space<vmem>>
      %dma_wait3A_611 = tpu.memref_squeeze %dma_wait3A_610 : memref<1x80x128xf32, #tpu.memory_space<vmem>> -> memref<80x128xf32, #tpu.memory_space<vmem>>
      %dma_wait3A_612 = arith.constant 0 : i32
      %dma_wait3A_613 = tpu.memref_slice %arg8[%run_scoped3A_402, %dma_wait3A_612] : memref<32x80xi32, #tpu.memory_space<vmem>> -> memref<1x80xi32, #tpu.memory_space<vmem>>
      %dma_wait3A_614 = tpu.memref_squeeze %dma_wait3A_613 : memref<1x80xi32, #tpu.memory_space<vmem>> -> memref<80xi32, #tpu.memory_space<vmem>>
      %dma_wait3A_615 = arith.constant 0 : i32
      %dma_wait3A_616 = arith.constant 0 : i32
      %dma_wait3A_617 = tpu.memref_slice %arg10[%dma_wait3A_615, %dma_wait3A_616] : memref<10240x128xf32, #tpu.memory_space<vmem_shared>> -> memref<10240x128xf32, #tpu.memory_space<vmem_shared>>
      tpu.wait_indirect_dma semaphore(%run_scoped3A_597 : memref<!tpu.dma_semaphore, #tpu.memory_space<semaphore_mem>>) src(%dma_wait3A_611 : memref<80x128xf32, #tpu.memory_space<vmem>>) dst(%dma_wait3A_617 : memref<10240x128xf32, #tpu.memory_space<vmem_shared>>)
      tpu.yield
    }) : () -> ()
    %dma_start3A_403 = arith.constant 31 : i32
    %dma_start3A_404 = arith.constant 1 : i32
    %dma_start3A_405 = arith.constant 0 : i32
    %dma_start3A_406 = arith.constant 0 : i32
    %dma_start3A_407 = tpu.memref_slice %arg9[%dma_start3A_404, %dma_start3A_405, %dma_start3A_406] : memref<3x80x128xf32, #tpu.memory_space<vmem>> -> memref<1x80x128xf32, #tpu.memory_space<vmem>>
    %dma_start3A_408 = tpu.memref_squeeze %dma_start3A_407 : memref<1x80x128xf32, #tpu.memory_space<vmem>> -> memref<80x128xf32, #tpu.memory_space<vmem>>
    %dma_start3A_409 = arith.constant 0 : i32
    %dma_start3A_410 = tpu.memref_slice %arg7[%dma_start3A_403, %dma_start3A_409] : memref<32x80xi32, #tpu.memory_space<vmem>> -> memref<1x80xi32, #tpu.memory_space<vmem>>
    %dma_start3A_411 = tpu.memref_squeeze %dma_start3A_410 : memref<1x80xi32, #tpu.memory_space<vmem>> -> memref<80xi32, #tpu.memory_space<vmem>>
    %dma_start3A_412 = arith.constant 0 : i32
    %dma_start3A_413 = arith.constant 0 : i32
    %dma_start3A_414 = tpu.memref_slice %arg2[%dma_start3A_412, %dma_start3A_413] : memref<10000x128xf32, #tpu.memory_space<hbm>> -> memref<10000x128xf32, #tpu.memory_space<hbm>>
    tpu.enqueue_indirect_dma source(%dma_start3A_414 : memref<10000x128xf32, #tpu.memory_space<hbm>>) target(%dma_start3A_408 : memref<80x128xf32, #tpu.memory_space<vmem>>) offsets(%dma_start3A_411 : memref<80xi32, #tpu.memory_space<vmem>>) semaphore(%arg12 : memref<!tpu.dma_semaphore, #tpu.memory_space<semaphore_mem>>)
    %dma_wait3A_415 = arith.constant 29 : i32
    %dma_wait3A_416 = arith.constant 2 : i32
    %dma_wait3A_417 = arith.constant 0 : i32
    %dma_wait3A_418 = arith.constant 0 : i32
    %dma_wait3A_419 = tpu.memref_slice %arg9[%dma_wait3A_416, %dma_wait3A_417, %dma_wait3A_418] : memref<3x80x128xf32, #tpu.memory_space<vmem>> -> memref<1x80x128xf32, #tpu.memory_space<vmem>>
    %dma_wait3A_420 = tpu.memref_squeeze %dma_wait3A_419 : memref<1x80x128xf32, #tpu.memory_space<vmem>> -> memref<80x128xf32, #tpu.memory_space<vmem>>
    %dma_wait3A_421 = arith.constant 0 : i32
    %dma_wait3A_422 = tpu.memref_slice %arg7[%dma_wait3A_415, %dma_wait3A_421] : memref<32x80xi32, #tpu.memory_space<vmem>> -> memref<1x80xi32, #tpu.memory_space<vmem>>
    %dma_wait3A_423 = tpu.memref_squeeze %dma_wait3A_422 : memref<1x80xi32, #tpu.memory_space<vmem>> -> memref<80xi32, #tpu.memory_space<vmem>>
    %dma_wait3A_424 = arith.constant 0 : i32
    %dma_wait3A_425 = arith.constant 0 : i32
    %dma_wait3A_426 = tpu.memref_slice %arg2[%dma_wait3A_424, %dma_wait3A_425] : memref<10000x128xf32, #tpu.memory_space<hbm>> -> memref<10000x128xf32, #tpu.memory_space<hbm>>
    tpu.wait_indirect_dma semaphore(%arg13 : memref<!tpu.dma_semaphore, #tpu.memory_space<semaphore_mem>>) src(%dma_wait3A_426 : memref<10000x128xf32, #tpu.memory_space<hbm>>) dst(%dma_wait3A_420 : memref<80x128xf32, #tpu.memory_space<vmem>>)
    %run_scoped3A_427 = arith.constant 2 : i32
    %run_scoped3A_428 = arith.constant 29 : i32
    "tpu.region"() ({
      %run_scoped3A_597 = tpu.sem_alloc : memref<!tpu.dma_semaphore, #tpu.memory_space<semaphore_mem>>
      %dma_start3A_598 = arith.constant 0 : i32
      %dma_start3A_599 = arith.constant 0 : i32
      %dma_start3A_600 = tpu.memref_slice %arg9[%run_scoped3A_427, %dma_start3A_598, %dma_start3A_599] : memref<3x80x128xf32, #tpu.memory_space<vmem>> -> memref<1x80x128xf32, #tpu.memory_space<vmem>>
      %dma_start3A_601 = tpu.memref_squeeze %dma_start3A_600 : memref<1x80x128xf32, #tpu.memory_space<vmem>> -> memref<80x128xf32, #tpu.memory_space<vmem>>
      %dma_start3A_602 = arith.constant 0 : i32
      %dma_start3A_603 = tpu.memref_slice %arg8[%run_scoped3A_428, %dma_start3A_602] : memref<32x80xi32, #tpu.memory_space<vmem>> -> memref<1x80xi32, #tpu.memory_space<vmem>>
      %dma_start3A_604 = tpu.memref_squeeze %dma_start3A_603 : memref<1x80xi32, #tpu.memory_space<vmem>> -> memref<80xi32, #tpu.memory_space<vmem>>
      %dma_start3A_605 = arith.constant 0 : i32
      %dma_start3A_606 = arith.constant 0 : i32
      %dma_start3A_607 = tpu.memref_slice %arg10[%dma_start3A_605, %dma_start3A_606] : memref<10240x128xf32, #tpu.memory_space<vmem_shared>> -> memref<10240x128xf32, #tpu.memory_space<vmem_shared>>
      tpu.enqueue_indirect_dma source(%dma_start3A_601 : memref<80x128xf32, #tpu.memory_space<vmem>>) target(%dma_start3A_607 : memref<10240x128xf32, #tpu.memory_space<vmem_shared>>) offsets(%dma_start3A_604 : memref<80xi32, #tpu.memory_space<vmem>>) semaphore(%run_scoped3A_597 : memref<!tpu.dma_semaphore, #tpu.memory_space<semaphore_mem>>) {add = true}
      %dma_wait3A_608 = arith.constant 0 : i32
      %dma_wait3A_609 = arith.constant 0 : i32
      %dma_wait3A_610 = tpu.memref_slice %arg9[%run_scoped3A_427, %dma_wait3A_608, %dma_wait3A_609] : memref<3x80x128xf32, #tpu.memory_space<vmem>> -> memref<1x80x128xf32, #tpu.memory_space<vmem>>
      %dma_wait3A_611 = tpu.memref_squeeze %dma_wait3A_610 : memref<1x80x128xf32, #tpu.memory_space<vmem>> -> memref<80x128xf32, #tpu.memory_space<vmem>>
      %dma_wait3A_612 = arith.constant 0 : i32
      %dma_wait3A_613 = tpu.memref_slice %arg8[%run_scoped3A_428, %dma_wait3A_612] : memref<32x80xi32, #tpu.memory_space<vmem>> -> memref<1x80xi32, #tpu.memory_space<vmem>>
      %dma_wait3A_614 = tpu.memref_squeeze %dma_wait3A_613 : memref<1x80xi32, #tpu.memory_space<vmem>> -> memref<80xi32, #tpu.memory_space<vmem>>
      %dma_wait3A_615 = arith.constant 0 : i32
      %dma_wait3A_616 = arith.constant 0 : i32
      %dma_wait3A_617 = tpu.memref_slice %arg10[%dma_wait3A_615, %dma_wait3A_616] : memref<10240x128xf32, #tpu.memory_space<vmem_shared>> -> memref<10240x128xf32, #tpu.memory_space<vmem_shared>>
      tpu.wait_indirect_dma semaphore(%run_scoped3A_597 : memref<!tpu.dma_semaphore, #tpu.memory_space<semaphore_mem>>) src(%dma_wait3A_611 : memref<80x128xf32, #tpu.memory_space<vmem>>) dst(%dma_wait3A_617 : memref<10240x128xf32, #tpu.memory_space<vmem_shared>>)
      tpu.yield
    }) : () -> ()
    %dma_wait3A_429 = arith.constant 30 : i32
    %dma_wait3A_430 = arith.constant 0 : i32
    %dma_wait3A_431 = arith.constant 0 : i32
    %dma_wait3A_432 = arith.constant 0 : i32
    %dma_wait3A_433 = tpu.memref_slice %arg9[%dma_wait3A_430, %dma_wait3A_431, %dma_wait3A_432] : memref<3x80x128xf32, #tpu.memory_space<vmem>> -> memref<1x80x128xf32, #tpu.memory_space<vmem>>
    %dma_wait3A_434 = tpu.memref_squeeze %dma_wait3A_433 : memref<1x80x128xf32, #tpu.memory_space<vmem>> -> memref<80x128xf32, #tpu.memory_space<vmem>>
    %dma_wait3A_435 = arith.constant 0 : i32
    %dma_wait3A_436 = tpu.memref_slice %arg7[%dma_wait3A_429, %dma_wait3A_435] : memref<32x80xi32, #tpu.memory_space<vmem>> -> memref<1x80xi32, #tpu.memory_space<vmem>>
    %dma_wait3A_437 = tpu.memref_squeeze %dma_wait3A_436 : memref<1x80xi32, #tpu.memory_space<vmem>> -> memref<80xi32, #tpu.memory_space<vmem>>
    %dma_wait3A_438 = arith.constant 0 : i32
    %dma_wait3A_439 = arith.constant 0 : i32
    %dma_wait3A_440 = tpu.memref_slice %arg2[%dma_wait3A_438, %dma_wait3A_439] : memref<10000x128xf32, #tpu.memory_space<hbm>> -> memref<10000x128xf32, #tpu.memory_space<hbm>>
    tpu.wait_indirect_dma semaphore(%arg11 : memref<!tpu.dma_semaphore, #tpu.memory_space<semaphore_mem>>) src(%dma_wait3A_440 : memref<10000x128xf32, #tpu.memory_space<hbm>>) dst(%dma_wait3A_434 : memref<80x128xf32, #tpu.memory_space<vmem>>)
    %run_scoped3A_441 = arith.constant 0 : i32
    %run_scoped3A_442 = arith.constant 30 : i32
    "tpu.region"() ({
      %run_scoped3A_597 = tpu.sem_alloc : memref<!tpu.dma_semaphore, #tpu.memory_space<semaphore_mem>>
      %dma_start3A_598 = arith.constant 0 : i32
      %dma_start3A_599 = arith.constant 0 : i32
      %dma_start3A_600 = tpu.memref_slice %arg9[%run_scoped3A_441, %dma_start3A_598, %dma_start3A_599] : memref<3x80x128xf32, #tpu.memory_space<vmem>> -> memref<1x80x128xf32, #tpu.memory_space<vmem>>
      %dma_start3A_601 = tpu.memref_squeeze %dma_start3A_600 : memref<1x80x128xf32, #tpu.memory_space<vmem>> -> memref<80x128xf32, #tpu.memory_space<vmem>>
      %dma_start3A_602 = arith.constant 0 : i32
      %dma_start3A_603 = tpu.memref_slice %arg8[%run_scoped3A_442, %dma_start3A_602] : memref<32x80xi32, #tpu.memory_space<vmem>> -> memref<1x80xi32, #tpu.memory_space<vmem>>
      %dma_start3A_604 = tpu.memref_squeeze %dma_start3A_603 : memref<1x80xi32, #tpu.memory_space<vmem>> -> memref<80xi32, #tpu.memory_space<vmem>>
      %dma_start3A_605 = arith.constant 0 : i32
      %dma_start3A_606 = arith.constant 0 : i32
      %dma_start3A_607 = tpu.memref_slice %arg10[%dma_start3A_605, %dma_start3A_606] : memref<10240x128xf32, #tpu.memory_space<vmem_shared>> -> memref<10240x128xf32, #tpu.memory_space<vmem_shared>>
      tpu.enqueue_indirect_dma source(%dma_start3A_601 : memref<80x128xf32, #tpu.memory_space<vmem>>) target(%dma_start3A_607 : memref<10240x128xf32, #tpu.memory_space<vmem_shared>>) offsets(%dma_start3A_604 : memref<80xi32, #tpu.memory_space<vmem>>) semaphore(%run_scoped3A_597 : memref<!tpu.dma_semaphore, #tpu.memory_space<semaphore_mem>>) {add = true}
      %dma_wait3A_608 = arith.constant 0 : i32
      %dma_wait3A_609 = arith.constant 0 : i32
      %dma_wait3A_610 = tpu.memref_slice %arg9[%run_scoped3A_441, %dma_wait3A_608, %dma_wait3A_609] : memref<3x80x128xf32, #tpu.memory_space<vmem>> -> memref<1x80x128xf32, #tpu.memory_space<vmem>>
      %dma_wait3A_611 = tpu.memref_squeeze %dma_wait3A_610 : memref<1x80x128xf32, #tpu.memory_space<vmem>> -> memref<80x128xf32, #tpu.memory_space<vmem>>
      %dma_wait3A_612 = arith.constant 0 : i32
      %dma_wait3A_613 = tpu.memref_slice %arg8[%run_scoped3A_442, %dma_wait3A_612] : memref<32x80xi32, #tpu.memory_space<vmem>> -> memref<1x80xi32, #tpu.memory_space<vmem>>
      %dma_wait3A_614 = tpu.memref_squeeze %dma_wait3A_613 : memref<1x80xi32, #tpu.memory_space<vmem>> -> memref<80xi32, #tpu.memory_space<vmem>>
      %dma_wait3A_615 = arith.constant 0 : i32
      %dma_wait3A_616 = arith.constant 0 : i32
      %dma_wait3A_617 = tpu.memref_slice %arg10[%dma_wait3A_615, %dma_wait3A_616] : memref<10240x128xf32, #tpu.memory_space<vmem_shared>> -> memref<10240x128xf32, #tpu.memory_space<vmem_shared>>
      tpu.wait_indirect_dma semaphore(%run_scoped3A_597 : memref<!tpu.dma_semaphore, #tpu.memory_space<semaphore_mem>>) src(%dma_wait3A_611 : memref<80x128xf32, #tpu.memory_space<vmem>>) dst(%dma_wait3A_617 : memref<10240x128xf32, #tpu.memory_space<vmem_shared>>)
      tpu.yield
    }) : () -> ()
    %dma_wait3A_443 = arith.constant 31 : i32
    %dma_wait3A_444 = arith.constant 1 : i32
    %dma_wait3A_445 = arith.constant 0 : i32
    %dma_wait3A_446 = arith.constant 0 : i32
    %dma_wait3A_447 = tpu.memref_slice %arg9[%dma_wait3A_444, %dma_wait3A_445, %dma_wait3A_446] : memref<3x80x128xf32, #tpu.memory_space<vmem>> -> memref<1x80x128xf32, #tpu.memory_space<vmem>>
    %dma_wait3A_448 = tpu.memref_squeeze %dma_wait3A_447 : memref<1x80x128xf32, #tpu.memory_space<vmem>> -> memref<80x128xf32, #tpu.memory_space<vmem>>
    %dma_wait3A_449 = arith.constant 0 : i32
    %dma_wait3A_450 = tpu.memref_slice %arg7[%dma_wait3A_443, %dma_wait3A_449] : memref<32x80xi32, #tpu.memory_space<vmem>> -> memref<1x80xi32, #tpu.memory_space<vmem>>
    %dma_wait3A_451 = tpu.memref_squeeze %dma_wait3A_450 : memref<1x80xi32, #tpu.memory_space<vmem>> -> memref<80xi32, #tpu.memory_space<vmem>>
    %dma_wait3A_452 = arith.constant 0 : i32
    %dma_wait3A_453 = arith.constant 0 : i32
    %dma_wait3A_454 = tpu.memref_slice %arg2[%dma_wait3A_452, %dma_wait3A_453] : memref<10000x128xf32, #tpu.memory_space<hbm>> -> memref<10000x128xf32, #tpu.memory_space<hbm>>
    tpu.wait_indirect_dma semaphore(%arg12 : memref<!tpu.dma_semaphore, #tpu.memory_space<semaphore_mem>>) src(%dma_wait3A_454 : memref<10000x128xf32, #tpu.memory_space<hbm>>) dst(%dma_wait3A_448 : memref<80x128xf32, #tpu.memory_space<vmem>>)
    %run_scoped3A_455 = arith.constant 1 : i32
    %run_scoped3A_456 = arith.constant 31 : i32
    "tpu.region"() ({
      %run_scoped3A_597 = tpu.sem_alloc : memref<!tpu.dma_semaphore, #tpu.memory_space<semaphore_mem>>
      %dma_start3A_598 = arith.constant 0 : i32
      %dma_start3A_599 = arith.constant 0 : i32
      %dma_start3A_600 = tpu.memref_slice %arg9[%run_scoped3A_455, %dma_start3A_598, %dma_start3A_599] : memref<3x80x128xf32, #tpu.memory_space<vmem>> -> memref<1x80x128xf32, #tpu.memory_space<vmem>>
      %dma_start3A_601 = tpu.memref_squeeze %dma_start3A_600 : memref<1x80x128xf32, #tpu.memory_space<vmem>> -> memref<80x128xf32, #tpu.memory_space<vmem>>
      %dma_start3A_602 = arith.constant 0 : i32
      %dma_start3A_603 = tpu.memref_slice %arg8[%run_scoped3A_456, %dma_start3A_602] : memref<32x80xi32, #tpu.memory_space<vmem>> -> memref<1x80xi32, #tpu.memory_space<vmem>>
      %dma_start3A_604 = tpu.memref_squeeze %dma_start3A_603 : memref<1x80xi32, #tpu.memory_space<vmem>> -> memref<80xi32, #tpu.memory_space<vmem>>
      %dma_start3A_605 = arith.constant 0 : i32
      %dma_start3A_606 = arith.constant 0 : i32
      %dma_start3A_607 = tpu.memref_slice %arg10[%dma_start3A_605, %dma_start3A_606] : memref<10240x128xf32, #tpu.memory_space<vmem_shared>> -> memref<10240x128xf32, #tpu.memory_space<vmem_shared>>
      tpu.enqueue_indirect_dma source(%dma_start3A_601 : memref<80x128xf32, #tpu.memory_space<vmem>>) target(%dma_start3A_607 : memref<10240x128xf32, #tpu.memory_space<vmem_shared>>) offsets(%dma_start3A_604 : memref<80xi32, #tpu.memory_space<vmem>>) semaphore(%run_scoped3A_597 : memref<!tpu.dma_semaphore, #tpu.memory_space<semaphore_mem>>) {add = true}
      %dma_wait3A_608 = arith.constant 0 : i32
      %dma_wait3A_609 = arith.constant 0 : i32
      %dma_wait3A_610 = tpu.memref_slice %arg9[%run_scoped3A_455, %dma_wait3A_608, %dma_wait3A_609] : memref<3x80x128xf32, #tpu.memory_space<vmem>> -> memref<1x80x128xf32, #tpu.memory_space<vmem>>
      %dma_wait3A_611 = tpu.memref_squeeze %dma_wait3A_610 : memref<1x80x128xf32, #tpu.memory_space<vmem>> -> memref<80x128xf32, #tpu.memory_space<vmem>>
      %dma_wait3A_612 = arith.constant 0 : i32
      %dma_wait3A_613 = tpu.memref_slice %arg8[%run_scoped3A_456, %dma_wait3A_612] : memref<32x80xi32, #tpu.memory_space<vmem>> -> memref<1x80xi32, #tpu.memory_space<vmem>>
      %dma_wait3A_614 = tpu.memref_squeeze %dma_wait3A_613 : memref<1x80xi32, #tpu.memory_space<vmem>> -> memref<80xi32, #tpu.memory_space<vmem>>
      %dma_wait3A_615 = arith.constant 0 : i32
      %dma_wait3A_616 = arith.constant 0 : i32
      %dma_wait3A_617 = tpu.memref_slice %arg10[%dma_wait3A_615, %dma_wait3A_616] : memref<10240x128xf32, #tpu.memory_space<vmem_shared>> -> memref<10240x128xf32, #tpu.memory_space<vmem_shared>>
      tpu.wait_indirect_dma semaphore(%run_scoped3A_597 : memref<!tpu.dma_semaphore, #tpu.memory_space<semaphore_mem>>) src(%dma_wait3A_611 : memref<80x128xf32, #tpu.memory_space<vmem>>) dst(%dma_wait3A_617 : memref<10240x128xf32, #tpu.memory_space<vmem_shared>>)
      tpu.yield
    }) : () -> ()
    %mul3A_457 = arith.constant 128 : i32
    %mul3A_458 = arith.muli %add3A, %mul3A_457 : i32
    %add3A_459 = arith.constant 96 : i32
    %add3A_460 = arith.addi %mul3A_458, %add3A_459 : i32
    "tpu.region"() ({
      %run_scoped3A_597 = tpu.sem_alloc : memref<!tpu.dma_semaphore, #tpu.memory_space<semaphore_mem>>
      %dma_start3A_598 = arith.constant 0 : i32
      %dma_start3A_599 = tpu.memref_slice %arg3[%add3A_460, %dma_start3A_598] : memref<4096x80xi32, #tpu.memory_space<hbm>> -> memref<32x80xi32, #tpu.memory_space<hbm>>
      %dma_start3A_600 = arith.constant 0 : i32
      %dma_start3A_601 = tpu.memref_slice %arg3[%add3A_460, %dma_start3A_600] : memref<4096x80xi32, #tpu.memory_space<hbm>> -> memref<32x80xi32, #tpu.memory_space<hbm>>
      tpu.enqueue_dma source(%dma_start3A_601 : memref<32x80xi32, #tpu.memory_space<hbm>>) target(%arg7 : memref<32x80xi32, #tpu.memory_space<vmem>>) target_semaphore(%run_scoped3A_597 : memref<!tpu.dma_semaphore, #tpu.memory_space<semaphore_mem>>)
      %dma_wait3A_602 = arith.constant 0 : i32
      %dma_wait3A_603 = tpu.memref_slice %arg3[%add3A_460, %dma_wait3A_602] : memref<4096x80xi32, #tpu.memory_space<hbm>> -> memref<32x80xi32, #tpu.memory_space<hbm>>
      %dma_wait3A_604 = arith.constant 0 : i32
      %dma_wait3A_605 = tpu.memref_slice %arg3[%add3A_460, %dma_wait3A_604] : memref<4096x80xi32, #tpu.memory_space<hbm>> -> memref<32x80xi32, #tpu.memory_space<hbm>>
      tpu.wait_dma2 semaphore(%run_scoped3A_597 : memref<!tpu.dma_semaphore, #tpu.memory_space<semaphore_mem>>) src(%dma_wait3A_605 : memref<32x80xi32, #tpu.memory_space<hbm>>) dst(%arg7 : memref<32x80xi32, #tpu.memory_space<vmem>>)
      tpu.yield
    }) : () -> ()
    "tpu.region"() ({
      %run_scoped3A_597 = tpu.sem_alloc : memref<!tpu.dma_semaphore, #tpu.memory_space<semaphore_mem>>
      %dma_start3A_598 = arith.constant 0 : i32
      %dma_start3A_599 = tpu.memref_slice %arg4[%add3A_460, %dma_start3A_598] : memref<4096x80xi32, #tpu.memory_space<hbm>> -> memref<32x80xi32, #tpu.memory_space<hbm>>
      %dma_start3A_600 = arith.constant 0 : i32
      %dma_start3A_601 = tpu.memref_slice %arg4[%add3A_460, %dma_start3A_600] : memref<4096x80xi32, #tpu.memory_space<hbm>> -> memref<32x80xi32, #tpu.memory_space<hbm>>
      tpu.enqueue_dma source(%dma_start3A_601 : memref<32x80xi32, #tpu.memory_space<hbm>>) target(%arg8 : memref<32x80xi32, #tpu.memory_space<vmem>>) target_semaphore(%run_scoped3A_597 : memref<!tpu.dma_semaphore, #tpu.memory_space<semaphore_mem>>)
      %dma_wait3A_602 = arith.constant 0 : i32
      %dma_wait3A_603 = tpu.memref_slice %arg4[%add3A_460, %dma_wait3A_602] : memref<4096x80xi32, #tpu.memory_space<hbm>> -> memref<32x80xi32, #tpu.memory_space<hbm>>
      %dma_wait3A_604 = arith.constant 0 : i32
      %dma_wait3A_605 = tpu.memref_slice %arg4[%add3A_460, %dma_wait3A_604] : memref<4096x80xi32, #tpu.memory_space<hbm>> -> memref<32x80xi32, #tpu.memory_space<hbm>>
      tpu.wait_dma2 semaphore(%run_scoped3A_597 : memref<!tpu.dma_semaphore, #tpu.memory_space<semaphore_mem>>) src(%dma_wait3A_605 : memref<32x80xi32, #tpu.memory_space<hbm>>) dst(%arg8 : memref<32x80xi32, #tpu.memory_space<vmem>>)
      tpu.yield
    }) : () -> ()
    %dma_start3A_461 = arith.constant 0 : i32
    %dma_start3A_462 = arith.constant 0 : i32
    %dma_start3A_463 = arith.constant 0 : i32
    %dma_start3A_464 = arith.constant 0 : i32
    %dma_start3A_465 = tpu.memref_slice %arg9[%dma_start3A_462, %dma_start3A_463, %dma_start3A_464] : memref<3x80x128xf32, #tpu.memory_space<vmem>> -> memref<1x80x128xf32, #tpu.memory_space<vmem>>
    %dma_start3A_466 = tpu.memref_squeeze %dma_start3A_465 : memref<1x80x128xf32, #tpu.memory_space<vmem>> -> memref<80x128xf32, #tpu.memory_space<vmem>>
    %dma_start3A_467 = arith.constant 0 : i32
    %dma_start3A_468 = tpu.memref_slice %arg7[%dma_start3A_461, %dma_start3A_467] : memref<32x80xi32, #tpu.memory_space<vmem>> -> memref<1x80xi32, #tpu.memory_space<vmem>>
    %dma_start3A_469 = tpu.memref_squeeze %dma_start3A_468 : memref<1x80xi32, #tpu.memory_space<vmem>> -> memref<80xi32, #tpu.memory_space<vmem>>
    %dma_start3A_470 = arith.constant 0 : i32
    %dma_start3A_471 = arith.constant 0 : i32
    %dma_start3A_472 = tpu.memref_slice %arg2[%dma_start3A_470, %dma_start3A_471] : memref<10000x128xf32, #tpu.memory_space<hbm>> -> memref<10000x128xf32, #tpu.memory_space<hbm>>
    tpu.enqueue_indirect_dma source(%dma_start3A_472 : memref<10000x128xf32, #tpu.memory_space<hbm>>) target(%dma_start3A_466 : memref<80x128xf32, #tpu.memory_space<vmem>>) offsets(%dma_start3A_469 : memref<80xi32, #tpu.memory_space<vmem>>) semaphore(%arg11 : memref<!tpu.dma_semaphore, #tpu.memory_space<semaphore_mem>>)
    %dma_start3A_473 = arith.constant 1 : i32
    %dma_start3A_474 = arith.constant 1 : i32
    %dma_start3A_475 = arith.constant 0 : i32
    %dma_start3A_476 = arith.constant 0 : i32
    %dma_start3A_477 = tpu.memref_slice %arg9[%dma_start3A_474, %dma_start3A_475, %dma_start3A_476] : memref<3x80x128xf32, #tpu.memory_space<vmem>> -> memref<1x80x128xf32, #tpu.memory_space<vmem>>
    %dma_start3A_478 = tpu.memref_squeeze %dma_start3A_477 : memref<1x80x128xf32, #tpu.memory_space<vmem>> -> memref<80x128xf32, #tpu.memory_space<vmem>>
    %dma_start3A_479 = arith.constant 0 : i32
    %dma_start3A_480 = tpu.memref_slice %arg7[%dma_start3A_473, %dma_start3A_479] : memref<32x80xi32, #tpu.memory_space<vmem>> -> memref<1x80xi32, #tpu.memory_space<vmem>>
    %dma_start3A_481 = tpu.memref_squeeze %dma_start3A_480 : memref<1x80xi32, #tpu.memory_space<vmem>> -> memref<80xi32, #tpu.memory_space<vmem>>
    %dma_start3A_482 = arith.constant 0 : i32
    %dma_start3A_483 = arith.constant 0 : i32
    %dma_start3A_484 = tpu.memref_slice %arg2[%dma_start3A_482, %dma_start3A_483] : memref<10000x128xf32, #tpu.memory_space<hbm>> -> memref<10000x128xf32, #tpu.memory_space<hbm>>
    tpu.enqueue_indirect_dma source(%dma_start3A_484 : memref<10000x128xf32, #tpu.memory_space<hbm>>) target(%dma_start3A_478 : memref<80x128xf32, #tpu.memory_space<vmem>>) offsets(%dma_start3A_481 : memref<80xi32, #tpu.memory_space<vmem>>) semaphore(%arg12 : memref<!tpu.dma_semaphore, #tpu.memory_space<semaphore_mem>>)
    %dma_start3A_485 = arith.constant 2 : i32
    %dma_start3A_486 = arith.constant 2 : i32
    %dma_start3A_487 = arith.constant 0 : i32
    %dma_start3A_488 = arith.constant 0 : i32
    %dma_start3A_489 = tpu.memref_slice %arg9[%dma_start3A_486, %dma_start3A_487, %dma_start3A_488] : memref<3x80x128xf32, #tpu.memory_space<vmem>> -> memref<1x80x128xf32, #tpu.memory_space<vmem>>
    %dma_start3A_490 = tpu.memref_squeeze %dma_start3A_489 : memref<1x80x128xf32, #tpu.memory_space<vmem>> -> memref<80x128xf32, #tpu.memory_space<vmem>>
    %dma_start3A_491 = arith.constant 0 : i32
    %dma_start3A_492 = tpu.memref_slice %arg7[%dma_start3A_485, %dma_start3A_491] : memref<32x80xi32, #tpu.memory_space<vmem>> -> memref<1x80xi32, #tpu.memory_space<vmem>>
    %dma_start3A_493 = tpu.memref_squeeze %dma_start3A_492 : memref<1x80xi32, #tpu.memory_space<vmem>> -> memref<80xi32, #tpu.memory_space<vmem>>
    %dma_start3A_494 = arith.constant 0 : i32
    %dma_start3A_495 = arith.constant 0 : i32
    %dma_start3A_496 = tpu.memref_slice %arg2[%dma_start3A_494, %dma_start3A_495] : memref<10000x128xf32, #tpu.memory_space<hbm>> -> memref<10000x128xf32, #tpu.memory_space<hbm>>
    tpu.enqueue_indirect_dma source(%dma_start3A_496 : memref<10000x128xf32, #tpu.memory_space<hbm>>) target(%dma_start3A_490 : memref<80x128xf32, #tpu.memory_space<vmem>>) offsets(%dma_start3A_493 : memref<80xi32, #tpu.memory_space<vmem>>) semaphore(%arg13 : memref<!tpu.dma_semaphore, #tpu.memory_space<semaphore_mem>>)
    %scan3A_497 = arith.constant 0 : i32
    %scan3A_498 = arith.constant 9 : i32
    %scan3A_499 = arith.addi %scan3A_497, %scan3A_498 : i32
    %scan3A_500 = arith.constant 1 : i32
    scf.for %scan3A_597 = %scan3A_497 to %scan3A_499 step %scan3A_500  : i32 {
      %mul3A_598 = arith.constant 1 : i32
      %mul3A_599 = arith.muli %scan3A_597, %mul3A_598 : i32
      %add3A_600 = arith.constant 0 : i32
      %add3A_601 = arith.addi %add3A_600, %mul3A_599 : i32
      %mul3A_602 = arith.constant 3 : i32
      %mul3A_603 = arith.muli %add3A_601, %mul3A_602 : i32
      %add3A_604 = arith.constant 0 : i32
      %add3A_605 = arith.addi %mul3A_603, %add3A_604 : i32
      %dma_wait3A_606 = arith.constant 0 : i32
      %dma_wait3A_607 = arith.constant 0 : i32
      %dma_wait3A_608 = arith.constant 0 : i32
      %dma_wait3A_609 = tpu.memref_slice %arg9[%dma_wait3A_606, %dma_wait3A_607, %dma_wait3A_608] : memref<3x80x128xf32, #tpu.memory_space<vmem>> -> memref<1x80x128xf32, #tpu.memory_space<vmem>>
      %dma_wait3A_610 = tpu.memref_squeeze %dma_wait3A_609 : memref<1x80x128xf32, #tpu.memory_space<vmem>> -> memref<80x128xf32, #tpu.memory_space<vmem>>
      %dma_wait3A_611 = arith.constant 0 : i32
      %dma_wait3A_612 = tpu.memref_slice %arg7[%add3A_605, %dma_wait3A_611] : memref<32x80xi32, #tpu.memory_space<vmem>> -> memref<1x80xi32, #tpu.memory_space<vmem>>
      %dma_wait3A_613 = tpu.memref_squeeze %dma_wait3A_612 : memref<1x80xi32, #tpu.memory_space<vmem>> -> memref<80xi32, #tpu.memory_space<vmem>>
      %dma_wait3A_614 = arith.constant 0 : i32
      %dma_wait3A_615 = arith.constant 0 : i32
      %dma_wait3A_616 = tpu.memref_slice %arg2[%dma_wait3A_614, %dma_wait3A_615] : memref<10000x128xf32, #tpu.memory_space<hbm>> -> memref<10000x128xf32, #tpu.memory_space<hbm>>
      tpu.wait_indirect_dma semaphore(%arg11 : memref<!tpu.dma_semaphore, #tpu.memory_space<semaphore_mem>>) src(%dma_wait3A_616 : memref<10000x128xf32, #tpu.memory_space<hbm>>) dst(%dma_wait3A_610 : memref<80x128xf32, #tpu.memory_space<vmem>>)
      %run_scoped3A_617 = arith.constant 0 : i32
      "tpu.region"() ({
        %run_scoped3A_689 = tpu.sem_alloc : memref<!tpu.dma_semaphore, #tpu.memory_space<semaphore_mem>>
        %dma_start3A_690 = arith.constant 0 : i32
        %dma_start3A_691 = arith.constant 0 : i32
        %dma_start3A_692 = tpu.memref_slice %arg9[%run_scoped3A_617, %dma_start3A_690, %dma_start3A_691] : memref<3x80x128xf32, #tpu.memory_space<vmem>> -> memref<1x80x128xf32, #tpu.memory_space<vmem>>
        %dma_start3A_693 = tpu.memref_squeeze %dma_start3A_692 : memref<1x80x128xf32, #tpu.memory_space<vmem>> -> memref<80x128xf32, #tpu.memory_space<vmem>>
        %dma_start3A_694 = arith.constant 0 : i32
        %dma_start3A_695 = tpu.memref_slice %arg8[%add3A_605, %dma_start3A_694] : memref<32x80xi32, #tpu.memory_space<vmem>> -> memref<1x80xi32, #tpu.memory_space<vmem>>
        %dma_start3A_696 = tpu.memref_squeeze %dma_start3A_695 : memref<1x80xi32, #tpu.memory_space<vmem>> -> memref<80xi32, #tpu.memory_space<vmem>>
        %dma_start3A_697 = arith.constant 0 : i32
        %dma_start3A_698 = arith.constant 0 : i32
        %dma_start3A_699 = tpu.memref_slice %arg10[%dma_start3A_697, %dma_start3A_698] : memref<10240x128xf32, #tpu.memory_space<vmem_shared>> -> memref<10240x128xf32, #tpu.memory_space<vmem_shared>>
        tpu.enqueue_indirect_dma source(%dma_start3A_693 : memref<80x128xf32, #tpu.memory_space<vmem>>) target(%dma_start3A_699 : memref<10240x128xf32, #tpu.memory_space<vmem_shared>>) offsets(%dma_start3A_696 : memref<80xi32, #tpu.memory_space<vmem>>) semaphore(%run_scoped3A_689 : memref<!tpu.dma_semaphore, #tpu.memory_space<semaphore_mem>>) {add = true}
        %dma_wait3A_700 = arith.constant 0 : i32
        %dma_wait3A_701 = arith.constant 0 : i32
        %dma_wait3A_702 = tpu.memref_slice %arg9[%run_scoped3A_617, %dma_wait3A_700, %dma_wait3A_701] : memref<3x80x128xf32, #tpu.memory_space<vmem>> -> memref<1x80x128xf32, #tpu.memory_space<vmem>>
        %dma_wait3A_703 = tpu.memref_squeeze %dma_wait3A_702 : memref<1x80x128xf32, #tpu.memory_space<vmem>> -> memref<80x128xf32, #tpu.memory_space<vmem>>
        %dma_wait3A_704 = arith.constant 0 : i32
        %dma_wait3A_705 = tpu.memref_slice %arg8[%add3A_605, %dma_wait3A_704] : memref<32x80xi32, #tpu.memory_space<vmem>> -> memref<1x80xi32, #tpu.memory_space<vmem>>
        %dma_wait3A_706 = tpu.memref_squeeze %dma_wait3A_705 : memref<1x80xi32, #tpu.memory_space<vmem>> -> memref<80xi32, #tpu.memory_space<vmem>>
        %dma_wait3A_707 = arith.constant 0 : i32
        %dma_wait3A_708 = arith.constant 0 : i32
        %dma_wait3A_709 = tpu.memref_slice %arg10[%dma_wait3A_707, %dma_wait3A_708] : memref<10240x128xf32, #tpu.memory_space<vmem_shared>> -> memref<10240x128xf32, #tpu.memory_space<vmem_shared>>
        tpu.wait_indirect_dma semaphore(%run_scoped3A_689 : memref<!tpu.dma_semaphore, #tpu.memory_space<semaphore_mem>>) src(%dma_wait3A_703 : memref<80x128xf32, #tpu.memory_space<vmem>>) dst(%dma_wait3A_709 : memref<10240x128xf32, #tpu.memory_space<vmem_shared>>)
        tpu.yield
      }) : () -> ()
      %add3A_618 = arith.constant 3 : i32
      %add3A_619 = arith.addi %add3A_605, %add3A_618 : i32
      %dma_start3A_620 = arith.constant 0 : i32
      %dma_start3A_621 = arith.constant 0 : i32
      %dma_start3A_622 = arith.constant 0 : i32
      %dma_start3A_623 = tpu.memref_slice %arg9[%dma_start3A_620, %dma_start3A_621, %dma_start3A_622] : memref<3x80x128xf32, #tpu.memory_space<vmem>> -> memref<1x80x128xf32, #tpu.memory_space<vmem>>
      %dma_start3A_624 = tpu.memref_squeeze %dma_start3A_623 : memref<1x80x128xf32, #tpu.memory_space<vmem>> -> memref<80x128xf32, #tpu.memory_space<vmem>>
      %dma_start3A_625 = arith.constant 0 : i32
      %dma_start3A_626 = tpu.memref_slice %arg7[%add3A_619, %dma_start3A_625] : memref<32x80xi32, #tpu.memory_space<vmem>> -> memref<1x80xi32, #tpu.memory_space<vmem>>
      %dma_start3A_627 = tpu.memref_squeeze %dma_start3A_626 : memref<1x80xi32, #tpu.memory_space<vmem>> -> memref<80xi32, #tpu.memory_space<vmem>>
      %dma_start3A_628 = arith.constant 0 : i32
      %dma_start3A_629 = arith.constant 0 : i32
      %dma_start3A_630 = tpu.memref_slice %arg2[%dma_start3A_628, %dma_start3A_629] : memref<10000x128xf32, #tpu.memory_space<hbm>> -> memref<10000x128xf32, #tpu.memory_space<hbm>>
      tpu.enqueue_indirect_dma source(%dma_start3A_630 : memref<10000x128xf32, #tpu.memory_space<hbm>>) target(%dma_start3A_624 : memref<80x128xf32, #tpu.memory_space<vmem>>) offsets(%dma_start3A_627 : memref<80xi32, #tpu.memory_space<vmem>>) semaphore(%arg11 : memref<!tpu.dma_semaphore, #tpu.memory_space<semaphore_mem>>)
      %mul3A_631 = arith.constant 3 : i32
      %mul3A_632 = arith.muli %add3A_601, %mul3A_631 : i32
      %add3A_633 = arith.constant 1 : i32
      %add3A_634 = arith.addi %mul3A_632, %add3A_633 : i32
      %dma_wait3A_635 = arith.constant 1 : i32
      %dma_wait3A_636 = arith.constant 0 : i32
      %dma_wait3A_637 = arith.constant 0 : i32
      %dma_wait3A_638 = tpu.memref_slice %arg9[%dma_wait3A_635, %dma_wait3A_636, %dma_wait3A_637] : memref<3x80x128xf32, #tpu.memory_space<vmem>> -> memref<1x80x128xf32, #tpu.memory_space<vmem>>
      %dma_wait3A_639 = tpu.memref_squeeze %dma_wait3A_638 : memref<1x80x128xf32, #tpu.memory_space<vmem>> -> memref<80x128xf32, #tpu.memory_space<vmem>>
      %dma_wait3A_640 = arith.constant 0 : i32
      %dma_wait3A_641 = tpu.memref_slice %arg7[%add3A_634, %dma_wait3A_640] : memref<32x80xi32, #tpu.memory_space<vmem>> -> memref<1x80xi32, #tpu.memory_space<vmem>>
      %dma_wait3A_642 = tpu.memref_squeeze %dma_wait3A_641 : memref<1x80xi32, #tpu.memory_space<vmem>> -> memref<80xi32, #tpu.memory_space<vmem>>
      %dma_wait3A_643 = arith.constant 0 : i32
      %dma_wait3A_644 = arith.constant 0 : i32
      %dma_wait3A_645 = tpu.memref_slice %arg2[%dma_wait3A_643, %dma_wait3A_644] : memref<10000x128xf32, #tpu.memory_space<hbm>> -> memref<10000x128xf32, #tpu.memory_space<hbm>>
      tpu.wait_indirect_dma semaphore(%arg12 : memref<!tpu.dma_semaphore, #tpu.memory_space<semaphore_mem>>) src(%dma_wait3A_645 : memref<10000x128xf32, #tpu.memory_space<hbm>>) dst(%dma_wait3A_639 : memref<80x128xf32, #tpu.memory_space<vmem>>)
      %run_scoped3A_646 = arith.constant 1 : i32
      "tpu.region"() ({
        %run_scoped3A_689 = tpu.sem_alloc : memref<!tpu.dma_semaphore, #tpu.memory_space<semaphore_mem>>
        %dma_start3A_690 = arith.constant 0 : i32
        %dma_start3A_691 = arith.constant 0 : i32
        %dma_start3A_692 = tpu.memref_slice %arg9[%run_scoped3A_646, %dma_start3A_690, %dma_start3A_691] : memref<3x80x128xf32, #tpu.memory_space<vmem>> -> memref<1x80x128xf32, #tpu.memory_space<vmem>>
        %dma_start3A_693 = tpu.memref_squeeze %dma_start3A_692 : memref<1x80x128xf32, #tpu.memory_space<vmem>> -> memref<80x128xf32, #tpu.memory_space<vmem>>
        %dma_start3A_694 = arith.constant 0 : i32
        %dma_start3A_695 = tpu.memref_slice %arg8[%add3A_634, %dma_start3A_694] : memref<32x80xi32, #tpu.memory_space<vmem>> -> memref<1x80xi32, #tpu.memory_space<vmem>>
        %dma_start3A_696 = tpu.memref_squeeze %dma_start3A_695 : memref<1x80xi32, #tpu.memory_space<vmem>> -> memref<80xi32, #tpu.memory_space<vmem>>
        %dma_start3A_697 = arith.constant 0 : i32
        %dma_start3A_698 = arith.constant 0 : i32
        %dma_start3A_699 = tpu.memref_slice %arg10[%dma_start3A_697, %dma_start3A_698] : memref<10240x128xf32, #tpu.memory_space<vmem_shared>> -> memref<10240x128xf32, #tpu.memory_space<vmem_shared>>
        tpu.enqueue_indirect_dma source(%dma_start3A_693 : memref<80x128xf32, #tpu.memory_space<vmem>>) target(%dma_start3A_699 : memref<10240x128xf32, #tpu.memory_space<vmem_shared>>) offsets(%dma_start3A_696 : memref<80xi32, #tpu.memory_space<vmem>>) semaphore(%run_scoped3A_689 : memref<!tpu.dma_semaphore, #tpu.memory_space<semaphore_mem>>) {add = true}
        %dma_wait3A_700 = arith.constant 0 : i32
        %dma_wait3A_701 = arith.constant 0 : i32
        %dma_wait3A_702 = tpu.memref_slice %arg9[%run_scoped3A_646, %dma_wait3A_700, %dma_wait3A_701] : memref<3x80x128xf32, #tpu.memory_space<vmem>> -> memref<1x80x128xf32, #tpu.memory_space<vmem>>
        %dma_wait3A_703 = tpu.memref_squeeze %dma_wait3A_702 : memref<1x80x128xf32, #tpu.memory_space<vmem>> -> memref<80x128xf32, #tpu.memory_space<vmem>>
        %dma_wait3A_704 = arith.constant 0 : i32
        %dma_wait3A_705 = tpu.memref_slice %arg8[%add3A_634, %dma_wait3A_704] : memref<32x80xi32, #tpu.memory_space<vmem>> -> memref<1x80xi32, #tpu.memory_space<vmem>>
        %dma_wait3A_706 = tpu.memref_squeeze %dma_wait3A_705 : memref<1x80xi32, #tpu.memory_space<vmem>> -> memref<80xi32, #tpu.memory_space<vmem>>
        %dma_wait3A_707 = arith.constant 0 : i32
        %dma_wait3A_708 = arith.constant 0 : i32
        %dma_wait3A_709 = tpu.memref_slice %arg10[%dma_wait3A_707, %dma_wait3A_708] : memref<10240x128xf32, #tpu.memory_space<vmem_shared>> -> memref<10240x128xf32, #tpu.memory_space<vmem_shared>>
        tpu.wait_indirect_dma semaphore(%run_scoped3A_689 : memref<!tpu.dma_semaphore, #tpu.memory_space<semaphore_mem>>) src(%dma_wait3A_703 : memref<80x128xf32, #tpu.memory_space<vmem>>) dst(%dma_wait3A_709 : memref<10240x128xf32, #tpu.memory_space<vmem_shared>>)
        tpu.yield
      }) : () -> ()
      %add3A_647 = arith.constant 3 : i32
      %add3A_648 = arith.addi %add3A_634, %add3A_647 : i32
      %dma_start3A_649 = arith.constant 1 : i32
      %dma_start3A_650 = arith.constant 0 : i32
      %dma_start3A_651 = arith.constant 0 : i32
      %dma_start3A_652 = tpu.memref_slice %arg9[%dma_start3A_649, %dma_start3A_650, %dma_start3A_651] : memref<3x80x128xf32, #tpu.memory_space<vmem>> -> memref<1x80x128xf32, #tpu.memory_space<vmem>>
      %dma_start3A_653 = tpu.memref_squeeze %dma_start3A_652 : memref<1x80x128xf32, #tpu.memory_space<vmem>> -> memref<80x128xf32, #tpu.memory_space<vmem>>
      %dma_start3A_654 = arith.constant 0 : i32
      %dma_start3A_655 = tpu.memref_slice %arg7[%add3A_648, %dma_start3A_654] : memref<32x80xi32, #tpu.memory_space<vmem>> -> memref<1x80xi32, #tpu.memory_space<vmem>>
      %dma_start3A_656 = tpu.memref_squeeze %dma_start3A_655 : memref<1x80xi32, #tpu.memory_space<vmem>> -> memref<80xi32, #tpu.memory_space<vmem>>
      %dma_start3A_657 = arith.constant 0 : i32
      %dma_start3A_658 = arith.constant 0 : i32
      %dma_start3A_659 = tpu.memref_slice %arg2[%dma_start3A_657, %dma_start3A_658] : memref<10000x128xf32, #tpu.memory_space<hbm>> -> memref<10000x128xf32, #tpu.memory_space<hbm>>
      tpu.enqueue_indirect_dma source(%dma_start3A_659 : memref<10000x128xf32, #tpu.memory_space<hbm>>) target(%dma_start3A_653 : memref<80x128xf32, #tpu.memory_space<vmem>>) offsets(%dma_start3A_656 : memref<80xi32, #tpu.memory_space<vmem>>) semaphore(%arg12 : memref<!tpu.dma_semaphore, #tpu.memory_space<semaphore_mem>>)
      %mul3A_660 = arith.constant 3 : i32
      %mul3A_661 = arith.muli %add3A_601, %mul3A_660 : i32
      %add3A_662 = arith.constant 2 : i32
      %add3A_663 = arith.addi %mul3A_661, %add3A_662 : i32
      %dma_wait3A_664 = arith.constant 2 : i32
      %dma_wait3A_665 = arith.constant 0 : i32
      %dma_wait3A_666 = arith.constant 0 : i32
      %dma_wait3A_667 = tpu.memref_slice %arg9[%dma_wait3A_664, %dma_wait3A_665, %dma_wait3A_666] : memref<3x80x128xf32, #tpu.memory_space<vmem>> -> memref<1x80x128xf32, #tpu.memory_space<vmem>>
      %dma_wait3A_668 = tpu.memref_squeeze %dma_wait3A_667 : memref<1x80x128xf32, #tpu.memory_space<vmem>> -> memref<80x128xf32, #tpu.memory_space<vmem>>
      %dma_wait3A_669 = arith.constant 0 : i32
      %dma_wait3A_670 = tpu.memref_slice %arg7[%add3A_663, %dma_wait3A_669] : memref<32x80xi32, #tpu.memory_space<vmem>> -> memref<1x80xi32, #tpu.memory_space<vmem>>
      %dma_wait3A_671 = tpu.memref_squeeze %dma_wait3A_670 : memref<1x80xi32, #tpu.memory_space<vmem>> -> memref<80xi32, #tpu.memory_space<vmem>>
      %dma_wait3A_672 = arith.constant 0 : i32
      %dma_wait3A_673 = arith.constant 0 : i32
      %dma_wait3A_674 = tpu.memref_slice %arg2[%dma_wait3A_672, %dma_wait3A_673] : memref<10000x128xf32, #tpu.memory_space<hbm>> -> memref<10000x128xf32, #tpu.memory_space<hbm>>
      tpu.wait_indirect_dma semaphore(%arg13 : memref<!tpu.dma_semaphore, #tpu.memory_space<semaphore_mem>>) src(%dma_wait3A_674 : memref<10000x128xf32, #tpu.memory_space<hbm>>) dst(%dma_wait3A_668 : memref<80x128xf32, #tpu.memory_space<vmem>>)
      %run_scoped3A_675 = arith.constant 2 : i32
      "tpu.region"() ({
        %run_scoped3A_689 = tpu.sem_alloc : memref<!tpu.dma_semaphore, #tpu.memory_space<semaphore_mem>>
        %dma_start3A_690 = arith.constant 0 : i32
        %dma_start3A_691 = arith.constant 0 : i32
        %dma_start3A_692 = tpu.memref_slice %arg9[%run_scoped3A_675, %dma_start3A_690, %dma_start3A_691] : memref<3x80x128xf32, #tpu.memory_space<vmem>> -> memref<1x80x128xf32, #tpu.memory_space<vmem>>
        %dma_start3A_693 = tpu.memref_squeeze %dma_start3A_692 : memref<1x80x128xf32, #tpu.memory_space<vmem>> -> memref<80x128xf32, #tpu.memory_space<vmem>>
        %dma_start3A_694 = arith.constant 0 : i32
        %dma_start3A_695 = tpu.memref_slice %arg8[%add3A_663, %dma_start3A_694] : memref<32x80xi32, #tpu.memory_space<vmem>> -> memref<1x80xi32, #tpu.memory_space<vmem>>
        %dma_start3A_696 = tpu.memref_squeeze %dma_start3A_695 : memref<1x80xi32, #tpu.memory_space<vmem>> -> memref<80xi32, #tpu.memory_space<vmem>>
        %dma_start3A_697 = arith.constant 0 : i32
        %dma_start3A_698 = arith.constant 0 : i32
        %dma_start3A_699 = tpu.memref_slice %arg10[%dma_start3A_697, %dma_start3A_698] : memref<10240x128xf32, #tpu.memory_space<vmem_shared>> -> memref<10240x128xf32, #tpu.memory_space<vmem_shared>>
        tpu.enqueue_indirect_dma source(%dma_start3A_693 : memref<80x128xf32, #tpu.memory_space<vmem>>) target(%dma_start3A_699 : memref<10240x128xf32, #tpu.memory_space<vmem_shared>>) offsets(%dma_start3A_696 : memref<80xi32, #tpu.memory_space<vmem>>) semaphore(%run_scoped3A_689 : memref<!tpu.dma_semaphore, #tpu.memory_space<semaphore_mem>>) {add = true}
        %dma_wait3A_700 = arith.constant 0 : i32
        %dma_wait3A_701 = arith.constant 0 : i32
        %dma_wait3A_702 = tpu.memref_slice %arg9[%run_scoped3A_675, %dma_wait3A_700, %dma_wait3A_701] : memref<3x80x128xf32, #tpu.memory_space<vmem>> -> memref<1x80x128xf32, #tpu.memory_space<vmem>>
        %dma_wait3A_703 = tpu.memref_squeeze %dma_wait3A_702 : memref<1x80x128xf32, #tpu.memory_space<vmem>> -> memref<80x128xf32, #tpu.memory_space<vmem>>
        %dma_wait3A_704 = arith.constant 0 : i32
        %dma_wait3A_705 = tpu.memref_slice %arg8[%add3A_663, %dma_wait3A_704] : memref<32x80xi32, #tpu.memory_space<vmem>> -> memref<1x80xi32, #tpu.memory_space<vmem>>
        %dma_wait3A_706 = tpu.memref_squeeze %dma_wait3A_705 : memref<1x80xi32, #tpu.memory_space<vmem>> -> memref<80xi32, #tpu.memory_space<vmem>>
        %dma_wait3A_707 = arith.constant 0 : i32
        %dma_wait3A_708 = arith.constant 0 : i32
        %dma_wait3A_709 = tpu.memref_slice %arg10[%dma_wait3A_707, %dma_wait3A_708] : memref<10240x128xf32, #tpu.memory_space<vmem_shared>> -> memref<10240x128xf32, #tpu.memory_space<vmem_shared>>
        tpu.wait_indirect_dma semaphore(%run_scoped3A_689 : memref<!tpu.dma_semaphore, #tpu.memory_space<semaphore_mem>>) src(%dma_wait3A_703 : memref<80x128xf32, #tpu.memory_space<vmem>>) dst(%dma_wait3A_709 : memref<10240x128xf32, #tpu.memory_space<vmem_shared>>)
        tpu.yield
      }) : () -> ()
      %add3A_676 = arith.constant 3 : i32
      %add3A_677 = arith.addi %add3A_663, %add3A_676 : i32
      %dma_start3A_678 = arith.constant 2 : i32
      %dma_start3A_679 = arith.constant 0 : i32
      %dma_start3A_680 = arith.constant 0 : i32
      %dma_start3A_681 = tpu.memref_slice %arg9[%dma_start3A_678, %dma_start3A_679, %dma_start3A_680] : memref<3x80x128xf32, #tpu.memory_space<vmem>> -> memref<1x80x128xf32, #tpu.memory_space<vmem>>
      %dma_start3A_682 = tpu.memref_squeeze %dma_start3A_681 : memref<1x80x128xf32, #tpu.memory_space<vmem>> -> memref<80x128xf32, #tpu.memory_space<vmem>>
      %dma_start3A_683 = arith.constant 0 : i32
      %dma_start3A_684 = tpu.memref_slice %arg7[%add3A_677, %dma_start3A_683] : memref<32x80xi32, #tpu.memory_space<vmem>> -> memref<1x80xi32, #tpu.memory_space<vmem>>
      %dma_start3A_685 = tpu.memref_squeeze %dma_start3A_684 : memref<1x80xi32, #tpu.memory_space<vmem>> -> memref<80xi32, #tpu.memory_space<vmem>>
      %dma_start3A_686 = arith.constant 0 : i32
      %dma_start3A_687 = arith.constant 0 : i32
      %dma_start3A_688 = tpu.memref_slice %arg2[%dma_start3A_686, %dma_start3A_687] : memref<10000x128xf32, #tpu.memory_space<hbm>> -> memref<10000x128xf32, #tpu.memory_space<hbm>>
      tpu.enqueue_indirect_dma source(%dma_start3A_688 : memref<10000x128xf32, #tpu.memory_space<hbm>>) target(%dma_start3A_682 : memref<80x128xf32, #tpu.memory_space<vmem>>) offsets(%dma_start3A_685 : memref<80xi32, #tpu.memory_space<vmem>>) semaphore(%arg13 : memref<!tpu.dma_semaphore, #tpu.memory_space<semaphore_mem>>)
    }
    %scan3A_501 = arith.constant 9 : i32
    %dma_wait3A_502 = arith.constant 27 : i32
    %dma_wait3A_503 = arith.constant 0 : i32
    %dma_wait3A_504 = arith.constant 0 : i32
    %dma_wait3A_505 = arith.constant 0 : i32
    %dma_wait3A_506 = tpu.memref_slice %arg9[%dma_wait3A_503, %dma_wait3A_504, %dma_wait3A_505] : memref<3x80x128xf32, #tpu.memory_space<vmem>> -> memref<1x80x128xf32, #tpu.memory_space<vmem>>
    %dma_wait3A_507 = tpu.memref_squeeze %dma_wait3A_506 : memref<1x80x128xf32, #tpu.memory_space<vmem>> -> memref<80x128xf32, #tpu.memory_space<vmem>>
    %dma_wait3A_508 = arith.constant 0 : i32
    %dma_wait3A_509 = tpu.memref_slice %arg7[%dma_wait3A_502, %dma_wait3A_508] : memref<32x80xi32, #tpu.memory_space<vmem>> -> memref<1x80xi32, #tpu.memory_space<vmem>>
    %dma_wait3A_510 = tpu.memref_squeeze %dma_wait3A_509 : memref<1x80xi32, #tpu.memory_space<vmem>> -> memref<80xi32, #tpu.memory_space<vmem>>
    %dma_wait3A_511 = arith.constant 0 : i32
    %dma_wait3A_512 = arith.constant 0 : i32
    %dma_wait3A_513 = tpu.memref_slice %arg2[%dma_wait3A_511, %dma_wait3A_512] : memref<10000x128xf32, #tpu.memory_space<hbm>> -> memref<10000x128xf32, #tpu.memory_space<hbm>>
    tpu.wait_indirect_dma semaphore(%arg11 : memref<!tpu.dma_semaphore, #tpu.memory_space<semaphore_mem>>) src(%dma_wait3A_513 : memref<10000x128xf32, #tpu.memory_space<hbm>>) dst(%dma_wait3A_507 : memref<80x128xf32, #tpu.memory_space<vmem>>)
    %run_scoped3A_514 = arith.constant 0 : i32
    %run_scoped3A_515 = arith.constant 27 : i32
    "tpu.region"() ({
      %run_scoped3A_597 = tpu.sem_alloc : memref<!tpu.dma_semaphore, #tpu.memory_space<semaphore_mem>>
      %dma_start3A_598 = arith.constant 0 : i32
      %dma_start3A_599 = arith.constant 0 : i32
      %dma_start3A_600 = tpu.memref_slice %arg9[%run_scoped3A_514, %dma_start3A_598, %dma_start3A_599] : memref<3x80x128xf32, #tpu.memory_space<vmem>> -> memref<1x80x128xf32, #tpu.memory_space<vmem>>
      %dma_start3A_601 = tpu.memref_squeeze %dma_start3A_600 : memref<1x80x128xf32, #tpu.memory_space<vmem>> -> memref<80x128xf32, #tpu.memory_space<vmem>>
      %dma_start3A_602 = arith.constant 0 : i32
      %dma_start3A_603 = tpu.memref_slice %arg8[%run_scoped3A_515, %dma_start3A_602] : memref<32x80xi32, #tpu.memory_space<vmem>> -> memref<1x80xi32, #tpu.memory_space<vmem>>
      %dma_start3A_604 = tpu.memref_squeeze %dma_start3A_603 : memref<1x80xi32, #tpu.memory_space<vmem>> -> memref<80xi32, #tpu.memory_space<vmem>>
      %dma_start3A_605 = arith.constant 0 : i32
      %dma_start3A_606 = arith.constant 0 : i32
      %dma_start3A_607 = tpu.memref_slice %arg10[%dma_start3A_605, %dma_start3A_606] : memref<10240x128xf32, #tpu.memory_space<vmem_shared>> -> memref<10240x128xf32, #tpu.memory_space<vmem_shared>>
      tpu.enqueue_indirect_dma source(%dma_start3A_601 : memref<80x128xf32, #tpu.memory_space<vmem>>) target(%dma_start3A_607 : memref<10240x128xf32, #tpu.memory_space<vmem_shared>>) offsets(%dma_start3A_604 : memref<80xi32, #tpu.memory_space<vmem>>) semaphore(%run_scoped3A_597 : memref<!tpu.dma_semaphore, #tpu.memory_space<semaphore_mem>>) {add = true}
      %dma_wait3A_608 = arith.constant 0 : i32
      %dma_wait3A_609 = arith.constant 0 : i32
      %dma_wait3A_610 = tpu.memref_slice %arg9[%run_scoped3A_514, %dma_wait3A_608, %dma_wait3A_609] : memref<3x80x128xf32, #tpu.memory_space<vmem>> -> memref<1x80x128xf32, #tpu.memory_space<vmem>>
      %dma_wait3A_611 = tpu.memref_squeeze %dma_wait3A_610 : memref<1x80x128xf32, #tpu.memory_space<vmem>> -> memref<80x128xf32, #tpu.memory_space<vmem>>
      %dma_wait3A_612 = arith.constant 0 : i32
      %dma_wait3A_613 = tpu.memref_slice %arg8[%run_scoped3A_515, %dma_wait3A_612] : memref<32x80xi32, #tpu.memory_space<vmem>> -> memref<1x80xi32, #tpu.memory_space<vmem>>
      %dma_wait3A_614 = tpu.memref_squeeze %dma_wait3A_613 : memref<1x80xi32, #tpu.memory_space<vmem>> -> memref<80xi32, #tpu.memory_space<vmem>>
      %dma_wait3A_615 = arith.constant 0 : i32
      %dma_wait3A_616 = arith.constant 0 : i32
      %dma_wait3A_617 = tpu.memref_slice %arg10[%dma_wait3A_615, %dma_wait3A_616] : memref<10240x128xf32, #tpu.memory_space<vmem_shared>> -> memref<10240x128xf32, #tpu.memory_space<vmem_shared>>
      tpu.wait_indirect_dma semaphore(%run_scoped3A_597 : memref<!tpu.dma_semaphore, #tpu.memory_space<semaphore_mem>>) src(%dma_wait3A_611 : memref<80x128xf32, #tpu.memory_space<vmem>>) dst(%dma_wait3A_617 : memref<10240x128xf32, #tpu.memory_space<vmem_shared>>)
      tpu.yield
    }) : () -> ()
    %dma_start3A_516 = arith.constant 30 : i32
    %dma_start3A_517 = arith.constant 0 : i32
    %dma_start3A_518 = arith.constant 0 : i32
    %dma_start3A_519 = arith.constant 0 : i32
    %dma_start3A_520 = tpu.memref_slice %arg9[%dma_start3A_517, %dma_start3A_518, %dma_start3A_519] : memref<3x80x128xf32, #tpu.memory_space<vmem>> -> memref<1x80x128xf32, #tpu.memory_space<vmem>>
    %dma_start3A_521 = tpu.memref_squeeze %dma_start3A_520 : memref<1x80x128xf32, #tpu.memory_space<vmem>> -> memref<80x128xf32, #tpu.memory_space<vmem>>
    %dma_start3A_522 = arith.constant 0 : i32
    %dma_start3A_523 = tpu.memref_slice %arg7[%dma_start3A_516, %dma_start3A_522] : memref<32x80xi32, #tpu.memory_space<vmem>> -> memref<1x80xi32, #tpu.memory_space<vmem>>
    %dma_start3A_524 = tpu.memref_squeeze %dma_start3A_523 : memref<1x80xi32, #tpu.memory_space<vmem>> -> memref<80xi32, #tpu.memory_space<vmem>>
    %dma_start3A_525 = arith.constant 0 : i32
    %dma_start3A_526 = arith.constant 0 : i32
    %dma_start3A_527 = tpu.memref_slice %arg2[%dma_start3A_525, %dma_start3A_526] : memref<10000x128xf32, #tpu.memory_space<hbm>> -> memref<10000x128xf32, #tpu.memory_space<hbm>>
    tpu.enqueue_indirect_dma source(%dma_start3A_527 : memref<10000x128xf32, #tpu.memory_space<hbm>>) target(%dma_start3A_521 : memref<80x128xf32, #tpu.memory_space<vmem>>) offsets(%dma_start3A_524 : memref<80xi32, #tpu.memory_space<vmem>>) semaphore(%arg11 : memref<!tpu.dma_semaphore, #tpu.memory_space<semaphore_mem>>)
    %dma_wait3A_528 = arith.constant 28 : i32
    %dma_wait3A_529 = arith.constant 1 : i32
    %dma_wait3A_530 = arith.constant 0 : i32
    %dma_wait3A_531 = arith.constant 0 : i32
    %dma_wait3A_532 = tpu.memref_slice %arg9[%dma_wait3A_529, %dma_wait3A_530, %dma_wait3A_531] : memref<3x80x128xf32, #tpu.memory_space<vmem>> -> memref<1x80x128xf32, #tpu.memory_space<vmem>>
    %dma_wait3A_533 = tpu.memref_squeeze %dma_wait3A_532 : memref<1x80x128xf32, #tpu.memory_space<vmem>> -> memref<80x128xf32, #tpu.memory_space<vmem>>
    %dma_wait3A_534 = arith.constant 0 : i32
    %dma_wait3A_535 = tpu.memref_slice %arg7[%dma_wait3A_528, %dma_wait3A_534] : memref<32x80xi32, #tpu.memory_space<vmem>> -> memref<1x80xi32, #tpu.memory_space<vmem>>
    %dma_wait3A_536 = tpu.memref_squeeze %dma_wait3A_535 : memref<1x80xi32, #tpu.memory_space<vmem>> -> memref<80xi32, #tpu.memory_space<vmem>>
    %dma_wait3A_537 = arith.constant 0 : i32
    %dma_wait3A_538 = arith.constant 0 : i32
    %dma_wait3A_539 = tpu.memref_slice %arg2[%dma_wait3A_537, %dma_wait3A_538] : memref<10000x128xf32, #tpu.memory_space<hbm>> -> memref<10000x128xf32, #tpu.memory_space<hbm>>
    tpu.wait_indirect_dma semaphore(%arg12 : memref<!tpu.dma_semaphore, #tpu.memory_space<semaphore_mem>>) src(%dma_wait3A_539 : memref<10000x128xf32, #tpu.memory_space<hbm>>) dst(%dma_wait3A_533 : memref<80x128xf32, #tpu.memory_space<vmem>>)
    %run_scoped3A_540 = arith.constant 1 : i32
    %run_scoped3A_541 = arith.constant 28 : i32
    "tpu.region"() ({
      %run_scoped3A_597 = tpu.sem_alloc : memref<!tpu.dma_semaphore, #tpu.memory_space<semaphore_mem>>
      %dma_start3A_598 = arith.constant 0 : i32
      %dma_start3A_599 = arith.constant 0 : i32
      %dma_start3A_600 = tpu.memref_slice %arg9[%run_scoped3A_540, %dma_start3A_598, %dma_start3A_599] : memref<3x80x128xf32, #tpu.memory_space<vmem>> -> memref<1x80x128xf32, #tpu.memory_space<vmem>>
      %dma_start3A_601 = tpu.memref_squeeze %dma_start3A_600 : memref<1x80x128xf32, #tpu.memory_space<vmem>> -> memref<80x128xf32, #tpu.memory_space<vmem>>
      %dma_start3A_602 = arith.constant 0 : i32
      %dma_start3A_603 = tpu.memref_slice %arg8[%run_scoped3A_541, %dma_start3A_602] : memref<32x80xi32, #tpu.memory_space<vmem>> -> memref<1x80xi32, #tpu.memory_space<vmem>>
      %dma_start3A_604 = tpu.memref_squeeze %dma_start3A_603 : memref<1x80xi32, #tpu.memory_space<vmem>> -> memref<80xi32, #tpu.memory_space<vmem>>
      %dma_start3A_605 = arith.constant 0 : i32
      %dma_start3A_606 = arith.constant 0 : i32
      %dma_start3A_607 = tpu.memref_slice %arg10[%dma_start3A_605, %dma_start3A_606] : memref<10240x128xf32, #tpu.memory_space<vmem_shared>> -> memref<10240x128xf32, #tpu.memory_space<vmem_shared>>
      tpu.enqueue_indirect_dma source(%dma_start3A_601 : memref<80x128xf32, #tpu.memory_space<vmem>>) target(%dma_start3A_607 : memref<10240x128xf32, #tpu.memory_space<vmem_shared>>) offsets(%dma_start3A_604 : memref<80xi32, #tpu.memory_space<vmem>>) semaphore(%run_scoped3A_597 : memref<!tpu.dma_semaphore, #tpu.memory_space<semaphore_mem>>) {add = true}
      %dma_wait3A_608 = arith.constant 0 : i32
      %dma_wait3A_609 = arith.constant 0 : i32
      %dma_wait3A_610 = tpu.memref_slice %arg9[%run_scoped3A_540, %dma_wait3A_608, %dma_wait3A_609] : memref<3x80x128xf32, #tpu.memory_space<vmem>> -> memref<1x80x128xf32, #tpu.memory_space<vmem>>
      %dma_wait3A_611 = tpu.memref_squeeze %dma_wait3A_610 : memref<1x80x128xf32, #tpu.memory_space<vmem>> -> memref<80x128xf32, #tpu.memory_space<vmem>>
      %dma_wait3A_612 = arith.constant 0 : i32
      %dma_wait3A_613 = tpu.memref_slice %arg8[%run_scoped3A_541, %dma_wait3A_612] : memref<32x80xi32, #tpu.memory_space<vmem>> -> memref<1x80xi32, #tpu.memory_space<vmem>>
      %dma_wait3A_614 = tpu.memref_squeeze %dma_wait3A_613 : memref<1x80xi32, #tpu.memory_space<vmem>> -> memref<80xi32, #tpu.memory_space<vmem>>
      %dma_wait3A_615 = arith.constant 0 : i32
      %dma_wait3A_616 = arith.constant 0 : i32
      %dma_wait3A_617 = tpu.memref_slice %arg10[%dma_wait3A_615, %dma_wait3A_616] : memref<10240x128xf32, #tpu.memory_space<vmem_shared>> -> memref<10240x128xf32, #tpu.memory_space<vmem_shared>>
      tpu.wait_indirect_dma semaphore(%run_scoped3A_597 : memref<!tpu.dma_semaphore, #tpu.memory_space<semaphore_mem>>) src(%dma_wait3A_611 : memref<80x128xf32, #tpu.memory_space<vmem>>) dst(%dma_wait3A_617 : memref<10240x128xf32, #tpu.memory_space<vmem_shared>>)
      tpu.yield
    }) : () -> ()
    %dma_start3A_542 = arith.constant 31 : i32
    %dma_start3A_543 = arith.constant 1 : i32
    %dma_start3A_544 = arith.constant 0 : i32
    %dma_start3A_545 = arith.constant 0 : i32
    %dma_start3A_546 = tpu.memref_slice %arg9[%dma_start3A_543, %dma_start3A_544, %dma_start3A_545] : memref<3x80x128xf32, #tpu.memory_space<vmem>> -> memref<1x80x128xf32, #tpu.memory_space<vmem>>
    %dma_start3A_547 = tpu.memref_squeeze %dma_start3A_546 : memref<1x80x128xf32, #tpu.memory_space<vmem>> -> memref<80x128xf32, #tpu.memory_space<vmem>>
    %dma_start3A_548 = arith.constant 0 : i32
    %dma_start3A_549 = tpu.memref_slice %arg7[%dma_start3A_542, %dma_start3A_548] : memref<32x80xi32, #tpu.memory_space<vmem>> -> memref<1x80xi32, #tpu.memory_space<vmem>>
    %dma_start3A_550 = tpu.memref_squeeze %dma_start3A_549 : memref<1x80xi32, #tpu.memory_space<vmem>> -> memref<80xi32, #tpu.memory_space<vmem>>
    %dma_start3A_551 = arith.constant 0 : i32
    %dma_start3A_552 = arith.constant 0 : i32
    %dma_start3A_553 = tpu.memref_slice %arg2[%dma_start3A_551, %dma_start3A_552] : memref<10000x128xf32, #tpu.memory_space<hbm>> -> memref<10000x128xf32, #tpu.memory_space<hbm>>
    tpu.enqueue_indirect_dma source(%dma_start3A_553 : memref<10000x128xf32, #tpu.memory_space<hbm>>) target(%dma_start3A_547 : memref<80x128xf32, #tpu.memory_space<vmem>>) offsets(%dma_start3A_550 : memref<80xi32, #tpu.memory_space<vmem>>) semaphore(%arg12 : memref<!tpu.dma_semaphore, #tpu.memory_space<semaphore_mem>>)
    %dma_wait3A_554 = arith.constant 29 : i32
    %dma_wait3A_555 = arith.constant 2 : i32
    %dma_wait3A_556 = arith.constant 0 : i32
    %dma_wait3A_557 = arith.constant 0 : i32
    %dma_wait3A_558 = tpu.memref_slice %arg9[%dma_wait3A_555, %dma_wait3A_556, %dma_wait3A_557] : memref<3x80x128xf32, #tpu.memory_space<vmem>> -> memref<1x80x128xf32, #tpu.memory_space<vmem>>
    %dma_wait3A_559 = tpu.memref_squeeze %dma_wait3A_558 : memref<1x80x128xf32, #tpu.memory_space<vmem>> -> memref<80x128xf32, #tpu.memory_space<vmem>>
    %dma_wait3A_560 = arith.constant 0 : i32
    %dma_wait3A_561 = tpu.memref_slice %arg7[%dma_wait3A_554, %dma_wait3A_560] : memref<32x80xi32, #tpu.memory_space<vmem>> -> memref<1x80xi32, #tpu.memory_space<vmem>>
    %dma_wait3A_562 = tpu.memref_squeeze %dma_wait3A_561 : memref<1x80xi32, #tpu.memory_space<vmem>> -> memref<80xi32, #tpu.memory_space<vmem>>
    %dma_wait3A_563 = arith.constant 0 : i32
    %dma_wait3A_564 = arith.constant 0 : i32
    %dma_wait3A_565 = tpu.memref_slice %arg2[%dma_wait3A_563, %dma_wait3A_564] : memref<10000x128xf32, #tpu.memory_space<hbm>> -> memref<10000x128xf32, #tpu.memory_space<hbm>>
    tpu.wait_indirect_dma semaphore(%arg13 : memref<!tpu.dma_semaphore, #tpu.memory_space<semaphore_mem>>) src(%dma_wait3A_565 : memref<10000x128xf32, #tpu.memory_space<hbm>>) dst(%dma_wait3A_559 : memref<80x128xf32, #tpu.memory_space<vmem>>)
    %run_scoped3A_566 = arith.constant 2 : i32
    %run_scoped3A_567 = arith.constant 29 : i32
    "tpu.region"() ({
      %run_scoped3A_597 = tpu.sem_alloc : memref<!tpu.dma_semaphore, #tpu.memory_space<semaphore_mem>>
      %dma_start3A_598 = arith.constant 0 : i32
      %dma_start3A_599 = arith.constant 0 : i32
      %dma_start3A_600 = tpu.memref_slice %arg9[%run_scoped3A_566, %dma_start3A_598, %dma_start3A_599] : memref<3x80x128xf32, #tpu.memory_space<vmem>> -> memref<1x80x128xf32, #tpu.memory_space<vmem>>
      %dma_start3A_601 = tpu.memref_squeeze %dma_start3A_600 : memref<1x80x128xf32, #tpu.memory_space<vmem>> -> memref<80x128xf32, #tpu.memory_space<vmem>>
      %dma_start3A_602 = arith.constant 0 : i32
      %dma_start3A_603 = tpu.memref_slice %arg8[%run_scoped3A_567, %dma_start3A_602] : memref<32x80xi32, #tpu.memory_space<vmem>> -> memref<1x80xi32, #tpu.memory_space<vmem>>
      %dma_start3A_604 = tpu.memref_squeeze %dma_start3A_603 : memref<1x80xi32, #tpu.memory_space<vmem>> -> memref<80xi32, #tpu.memory_space<vmem>>
      %dma_start3A_605 = arith.constant 0 : i32
      %dma_start3A_606 = arith.constant 0 : i32
      %dma_start3A_607 = tpu.memref_slice %arg10[%dma_start3A_605, %dma_start3A_606] : memref<10240x128xf32, #tpu.memory_space<vmem_shared>> -> memref<10240x128xf32, #tpu.memory_space<vmem_shared>>
      tpu.enqueue_indirect_dma source(%dma_start3A_601 : memref<80x128xf32, #tpu.memory_space<vmem>>) target(%dma_start3A_607 : memref<10240x128xf32, #tpu.memory_space<vmem_shared>>) offsets(%dma_start3A_604 : memref<80xi32, #tpu.memory_space<vmem>>) semaphore(%run_scoped3A_597 : memref<!tpu.dma_semaphore, #tpu.memory_space<semaphore_mem>>) {add = true}
      %dma_wait3A_608 = arith.constant 0 : i32
      %dma_wait3A_609 = arith.constant 0 : i32
      %dma_wait3A_610 = tpu.memref_slice %arg9[%run_scoped3A_566, %dma_wait3A_608, %dma_wait3A_609] : memref<3x80x128xf32, #tpu.memory_space<vmem>> -> memref<1x80x128xf32, #tpu.memory_space<vmem>>
      %dma_wait3A_611 = tpu.memref_squeeze %dma_wait3A_610 : memref<1x80x128xf32, #tpu.memory_space<vmem>> -> memref<80x128xf32, #tpu.memory_space<vmem>>
      %dma_wait3A_612 = arith.constant 0 : i32
      %dma_wait3A_613 = tpu.memref_slice %arg8[%run_scoped3A_567, %dma_wait3A_612] : memref<32x80xi32, #tpu.memory_space<vmem>> -> memref<1x80xi32, #tpu.memory_space<vmem>>
      %dma_wait3A_614 = tpu.memref_squeeze %dma_wait3A_613 : memref<1x80xi32, #tpu.memory_space<vmem>> -> memref<80xi32, #tpu.memory_space<vmem>>
      %dma_wait3A_615 = arith.constant 0 : i32
      %dma_wait3A_616 = arith.constant 0 : i32
      %dma_wait3A_617 = tpu.memref_slice %arg10[%dma_wait3A_615, %dma_wait3A_616] : memref<10240x128xf32, #tpu.memory_space<vmem_shared>> -> memref<10240x128xf32, #tpu.memory_space<vmem_shared>>
      tpu.wait_indirect_dma semaphore(%run_scoped3A_597 : memref<!tpu.dma_semaphore, #tpu.memory_space<semaphore_mem>>) src(%dma_wait3A_611 : memref<80x128xf32, #tpu.memory_space<vmem>>) dst(%dma_wait3A_617 : memref<10240x128xf32, #tpu.memory_space<vmem_shared>>)
      tpu.yield
    }) : () -> ()
    %dma_wait3A_568 = arith.constant 30 : i32
    %dma_wait3A_569 = arith.constant 0 : i32
    %dma_wait3A_570 = arith.constant 0 : i32
    %dma_wait3A_571 = arith.constant 0 : i32
    %dma_wait3A_572 = tpu.memref_slice %arg9[%dma_wait3A_569, %dma_wait3A_570, %dma_wait3A_571] : memref<3x80x128xf32, #tpu.memory_space<vmem>> -> memref<1x80x128xf32, #tpu.memory_space<vmem>>
    %dma_wait3A_573 = tpu.memref_squeeze %dma_wait3A_572 : memref<1x80x128xf32, #tpu.memory_space<vmem>> -> memref<80x128xf32, #tpu.memory_space<vmem>>
    %dma_wait3A_574 = arith.constant 0 : i32
    %dma_wait3A_575 = tpu.memref_slice %arg7[%dma_wait3A_568, %dma_wait3A_574] : memref<32x80xi32, #tpu.memory_space<vmem>> -> memref<1x80xi32, #tpu.memory_space<vmem>>
    %dma_wait3A_576 = tpu.memref_squeeze %dma_wait3A_575 : memref<1x80xi32, #tpu.memory_space<vmem>> -> memref<80xi32, #tpu.memory_space<vmem>>
    %dma_wait3A_577 = arith.constant 0 : i32
    %dma_wait3A_578 = arith.constant 0 : i32
    %dma_wait3A_579 = tpu.memref_slice %arg2[%dma_wait3A_577, %dma_wait3A_578] : memref<10000x128xf32, #tpu.memory_space<hbm>> -> memref<10000x128xf32, #tpu.memory_space<hbm>>
    tpu.wait_indirect_dma semaphore(%arg11 : memref<!tpu.dma_semaphore, #tpu.memory_space<semaphore_mem>>) src(%dma_wait3A_579 : memref<10000x128xf32, #tpu.memory_space<hbm>>) dst(%dma_wait3A_573 : memref<80x128xf32, #tpu.memory_space<vmem>>)
    %run_scoped3A_580 = arith.constant 0 : i32
    %run_scoped3A_581 = arith.constant 30 : i32
    "tpu.region"() ({
      %run_scoped3A_597 = tpu.sem_alloc : memref<!tpu.dma_semaphore, #tpu.memory_space<semaphore_mem>>
      %dma_start3A_598 = arith.constant 0 : i32
      %dma_start3A_599 = arith.constant 0 : i32
      %dma_start3A_600 = tpu.memref_slice %arg9[%run_scoped3A_580, %dma_start3A_598, %dma_start3A_599] : memref<3x80x128xf32, #tpu.memory_space<vmem>> -> memref<1x80x128xf32, #tpu.memory_space<vmem>>
      %dma_start3A_601 = tpu.memref_squeeze %dma_start3A_600 : memref<1x80x128xf32, #tpu.memory_space<vmem>> -> memref<80x128xf32, #tpu.memory_space<vmem>>
      %dma_start3A_602 = arith.constant 0 : i32
      %dma_start3A_603 = tpu.memref_slice %arg8[%run_scoped3A_581, %dma_start3A_602] : memref<32x80xi32, #tpu.memory_space<vmem>> -> memref<1x80xi32, #tpu.memory_space<vmem>>
      %dma_start3A_604 = tpu.memref_squeeze %dma_start3A_603 : memref<1x80xi32, #tpu.memory_space<vmem>> -> memref<80xi32, #tpu.memory_space<vmem>>
      %dma_start3A_605 = arith.constant 0 : i32
      %dma_start3A_606 = arith.constant 0 : i32
      %dma_start3A_607 = tpu.memref_slice %arg10[%dma_start3A_605, %dma_start3A_606] : memref<10240x128xf32, #tpu.memory_space<vmem_shared>> -> memref<10240x128xf32, #tpu.memory_space<vmem_shared>>
      tpu.enqueue_indirect_dma source(%dma_start3A_601 : memref<80x128xf32, #tpu.memory_space<vmem>>) target(%dma_start3A_607 : memref<10240x128xf32, #tpu.memory_space<vmem_shared>>) offsets(%dma_start3A_604 : memref<80xi32, #tpu.memory_space<vmem>>) semaphore(%run_scoped3A_597 : memref<!tpu.dma_semaphore, #tpu.memory_space<semaphore_mem>>) {add = true}
      %dma_wait3A_608 = arith.constant 0 : i32
      %dma_wait3A_609 = arith.constant 0 : i32
      %dma_wait3A_610 = tpu.memref_slice %arg9[%run_scoped3A_580, %dma_wait3A_608, %dma_wait3A_609] : memref<3x80x128xf32, #tpu.memory_space<vmem>> -> memref<1x80x128xf32, #tpu.memory_space<vmem>>
      %dma_wait3A_611 = tpu.memref_squeeze %dma_wait3A_610 : memref<1x80x128xf32, #tpu.memory_space<vmem>> -> memref<80x128xf32, #tpu.memory_space<vmem>>
      %dma_wait3A_612 = arith.constant 0 : i32
      %dma_wait3A_613 = tpu.memref_slice %arg8[%run_scoped3A_581, %dma_wait3A_612] : memref<32x80xi32, #tpu.memory_space<vmem>> -> memref<1x80xi32, #tpu.memory_space<vmem>>
      %dma_wait3A_614 = tpu.memref_squeeze %dma_wait3A_613 : memref<1x80xi32, #tpu.memory_space<vmem>> -> memref<80xi32, #tpu.memory_space<vmem>>
      %dma_wait3A_615 = arith.constant 0 : i32
      %dma_wait3A_616 = arith.constant 0 : i32
      %dma_wait3A_617 = tpu.memref_slice %arg10[%dma_wait3A_615, %dma_wait3A_616] : memref<10240x128xf32, #tpu.memory_space<vmem_shared>> -> memref<10240x128xf32, #tpu.memory_space<vmem_shared>>
      tpu.wait_indirect_dma semaphore(%run_scoped3A_597 : memref<!tpu.dma_semaphore, #tpu.memory_space<semaphore_mem>>) src(%dma_wait3A_611 : memref<80x128xf32, #tpu.memory_space<vmem>>) dst(%dma_wait3A_617 : memref<10240x128xf32, #tpu.memory_space<vmem_shared>>)
      tpu.yield
    }) : () -> ()
    %dma_wait3A_582 = arith.constant 31 : i32
    %dma_wait3A_583 = arith.constant 1 : i32
    %dma_wait3A_584 = arith.constant 0 : i32
    %dma_wait3A_585 = arith.constant 0 : i32
    %dma_wait3A_586 = tpu.memref_slice %arg9[%dma_wait3A_583, %dma_wait3A_584, %dma_wait3A_585] : memref<3x80x128xf32, #tpu.memory_space<vmem>> -> memref<1x80x128xf32, #tpu.memory_space<vmem>>
    %dma_wait3A_587 = tpu.memref_squeeze %dma_wait3A_586 : memref<1x80x128xf32, #tpu.memory_space<vmem>> -> memref<80x128xf32, #tpu.memory_space<vmem>>
    %dma_wait3A_588 = arith.constant 0 : i32
    %dma_wait3A_589 = tpu.memref_slice %arg7[%dma_wait3A_582, %dma_wait3A_588] : memref<32x80xi32, #tpu.memory_space<vmem>> -> memref<1x80xi32, #tpu.memory_space<vmem>>
    %dma_wait3A_590 = tpu.memref_squeeze %dma_wait3A_589 : memref<1x80xi32, #tpu.memory_space<vmem>> -> memref<80xi32, #tpu.memory_space<vmem>>
    %dma_wait3A_591 = arith.constant 0 : i32
    %dma_wait3A_592 = arith.constant 0 : i32
    %dma_wait3A_593 = tpu.memref_slice %arg2[%dma_wait3A_591, %dma_wait3A_592] : memref<10000x128xf32, #tpu.memory_space<hbm>> -> memref<10000x128xf32, #tpu.memory_space<hbm>>
    tpu.wait_indirect_dma semaphore(%arg12 : memref<!tpu.dma_semaphore, #tpu.memory_space<semaphore_mem>>) src(%dma_wait3A_593 : memref<10000x128xf32, #tpu.memory_space<hbm>>) dst(%dma_wait3A_587 : memref<80x128xf32, #tpu.memory_space<vmem>>)
    %run_scoped3A_594 = arith.constant 1 : i32
    %run_scoped3A_595 = arith.constant 31 : i32
    "tpu.region"() ({
      %run_scoped3A_597 = tpu.sem_alloc : memref<!tpu.dma_semaphore, #tpu.memory_space<semaphore_mem>>
      %dma_start3A_598 = arith.constant 0 : i32
      %dma_start3A_599 = arith.constant 0 : i32
      %dma_start3A_600 = tpu.memref_slice %arg9[%run_scoped3A_594, %dma_start3A_598, %dma_start3A_599] : memref<3x80x128xf32, #tpu.memory_space<vmem>> -> memref<1x80x128xf32, #tpu.memory_space<vmem>>
      %dma_start3A_601 = tpu.memref_squeeze %dma_start3A_600 : memref<1x80x128xf32, #tpu.memory_space<vmem>> -> memref<80x128xf32, #tpu.memory_space<vmem>>
      %dma_start3A_602 = arith.constant 0 : i32
      %dma_start3A_603 = tpu.memref_slice %arg8[%run_scoped3A_595, %dma_start3A_602] : memref<32x80xi32, #tpu.memory_space<vmem>> -> memref<1x80xi32, #tpu.memory_space<vmem>>
      %dma_start3A_604 = tpu.memref_squeeze %dma_start3A_603 : memref<1x80xi32, #tpu.memory_space<vmem>> -> memref<80xi32, #tpu.memory_space<vmem>>
      %dma_start3A_605 = arith.constant 0 : i32
      %dma_start3A_606 = arith.constant 0 : i32
      %dma_start3A_607 = tpu.memref_slice %arg10[%dma_start3A_605, %dma_start3A_606] : memref<10240x128xf32, #tpu.memory_space<vmem_shared>> -> memref<10240x128xf32, #tpu.memory_space<vmem_shared>>
      tpu.enqueue_indirect_dma source(%dma_start3A_601 : memref<80x128xf32, #tpu.memory_space<vmem>>) target(%dma_start3A_607 : memref<10240x128xf32, #tpu.memory_space<vmem_shared>>) offsets(%dma_start3A_604 : memref<80xi32, #tpu.memory_space<vmem>>) semaphore(%run_scoped3A_597 : memref<!tpu.dma_semaphore, #tpu.memory_space<semaphore_mem>>) {add = true}
      %dma_wait3A_608 = arith.constant 0 : i32
      %dma_wait3A_609 = arith.constant 0 : i32
      %dma_wait3A_610 = tpu.memref_slice %arg9[%run_scoped3A_594, %dma_wait3A_608, %dma_wait3A_609] : memref<3x80x128xf32, #tpu.memory_space<vmem>> -> memref<1x80x128xf32, #tpu.memory_space<vmem>>
      %dma_wait3A_611 = tpu.memref_squeeze %dma_wait3A_610 : memref<1x80x128xf32, #tpu.memory_space<vmem>> -> memref<80x128xf32, #tpu.memory_space<vmem>>
      %dma_wait3A_612 = arith.constant 0 : i32
      %dma_wait3A_613 = tpu.memref_slice %arg8[%run_scoped3A_595, %dma_wait3A_612] : memref<32x80xi32, #tpu.memory_space<vmem>> -> memref<1x80xi32, #tpu.memory_space<vmem>>
      %dma_wait3A_614 = tpu.memref_squeeze %dma_wait3A_613 : memref<1x80xi32, #tpu.memory_space<vmem>> -> memref<80xi32, #tpu.memory_space<vmem>>
      %dma_wait3A_615 = arith.constant 0 : i32
      %dma_wait3A_616 = arith.constant 0 : i32
      %dma_wait3A_617 = tpu.memref_slice %arg10[%dma_wait3A_615, %dma_wait3A_616] : memref<10240x128xf32, #tpu.memory_space<vmem_shared>> -> memref<10240x128xf32, #tpu.memory_space<vmem_shared>>
      tpu.wait_indirect_dma semaphore(%run_scoped3A_597 : memref<!tpu.dma_semaphore, #tpu.memory_space<semaphore_mem>>) src(%dma_wait3A_611 : memref<80x128xf32, #tpu.memory_space<vmem>>) dst(%dma_wait3A_617 : memref<10240x128xf32, #tpu.memory_space<vmem_shared>>)
      tpu.yield
    }) : () -> ()
    %barrier3A_596 = arith.constant 0 : index
    tpu.barrier barrier_id(%barrier3A_596)
    "tpu.region"() ({
      %run_scoped3A_597 = tpu.sem_alloc : memref<!tpu.dma_semaphore, #tpu.memory_space<semaphore_mem>>
      %dma_start3A_598 = arith.constant 0 : i32
      %dma_start3A_599 = tpu.memref_slice %arg6[%arg0, %mul3A_2, %dma_start3A_598] : memref<2x10240x128xf32, #tpu.memory_space<hbm>> -> memref<1x640x128xf32, #tpu.memory_space<hbm>>
      %dma_start3A_600 = tpu.memref_squeeze %dma_start3A_599 : memref<1x640x128xf32, #tpu.memory_space<hbm>> -> memref<640x128xf32, #tpu.memory_space<hbm>>
      %dma_start3A_601 = arith.constant 0 : i32
      %dma_start3A_602 = tpu.memref_slice %arg10[%mul3A_2, %dma_start3A_601] : memref<10240x128xf32, #tpu.memory_space<vmem_shared>> -> memref<640x128xf32, #tpu.memory_space<vmem_shared>>
      tpu.enqueue_dma source(%dma_start3A_602 : memref<640x128xf32, #tpu.memory_space<vmem_shared>>) target(%dma_start3A_600 : memref<640x128xf32, #tpu.memory_space<hbm>>) target_semaphore(%run_scoped3A_597 : memref<!tpu.dma_semaphore, #tpu.memory_space<semaphore_mem>>)
      %dma_wait3A_603 = arith.constant 0 : i32
      %dma_wait3A_604 = tpu.memref_slice %arg6[%arg0, %mul3A_2, %dma_wait3A_603] : memref<2x10240x128xf32, #tpu.memory_space<hbm>> -> memref<1x640x128xf32, #tpu.memory_space<hbm>>
      %dma_wait3A_605 = tpu.memref_squeeze %dma_wait3A_604 : memref<1x640x128xf32, #tpu.memory_space<hbm>> -> memref<640x128xf32, #tpu.memory_space<hbm>>
      %dma_wait3A_606 = arith.constant 0 : i32
      %dma_wait3A_607 = tpu.memref_slice %arg10[%mul3A_2, %dma_wait3A_606] : memref<10240x128xf32, #tpu.memory_space<vmem_shared>> -> memref<640x128xf32, #tpu.memory_space<vmem_shared>>
      tpu.wait_dma2 semaphore(%run_scoped3A_597 : memref<!tpu.dma_semaphore, #tpu.memory_space<semaphore_mem>>) src(%dma_wait3A_607 : memref<640x128xf32, #tpu.memory_space<vmem_shared>>) dst(%dma_wait3A_605 : memref<640x128xf32, #tpu.memory_space<hbm>>)
      tpu.yield
    }) : () -> ()
    return
  }
}

module attributes {stable_mosaic.version = 14 : i64} {
  func.func @_tc_mlp_body(%arg0: i32, %arg1: memref<2000x128xf32, #tpu.memory_space<vmem>>, %arg2: memref<2x2000x128xf32, #tpu.memory_space<vmem>>, %arg3: memref<128x128xf32, #tpu.memory_space<vmem>>, %arg4: memref<1x128xf32, #tpu.memory_space<vmem>>, %arg5: memref<128x128xf32, #tpu.memory_space<vmem>>, %arg6: memref<1x128xf32, #tpu.memory_space<vmem>>, %arg7: memref<2000x128xf32, #tpu.memory_space<vmem>>) attributes {dimension_semantics = [#tpu.dimension_semantics<arbitrary>], iteration_bounds = array<i64: 5>, scalar_prefetch = 0 : i64, scratch_operands = 0 : i64, tpu.core_type = #tpu.core_type<tc>, window_params = [{transform_indices = @transform_0, window_bounds = array<i64: 2000, 128>}, {transform_indices = @transform_1, window_bounds = array<i64: 2, 2000, 128>}, {pipeline_mode = #tpu.pipeline_mode<synchronous>, transform_indices = @transform_2, window_bounds = array<i64: 128, 128>}, {pipeline_mode = #tpu.pipeline_mode<synchronous>, transform_indices = @transform_3, window_bounds = array<i64: 1, 128>}, {pipeline_mode = #tpu.pipeline_mode<synchronous>, transform_indices = @transform_4, window_bounds = array<i64: 128, 128>}, {pipeline_mode = #tpu.pipeline_mode<synchronous>, transform_indices = @transform_5, window_bounds = array<i64: 1, 128>}, {transform_indices = @transform_6, window_bounds = array<i64: 2000, 128>}]} {
    %get3A = arith.constant 0 : index
    %get3A_0 = arith.constant 0 : index
    %get3A_1 = vector.load %arg1[%get3A, %get3A_0] : memref<2000x128xf32, #tpu.memory_space<vmem>>, vector<2000x128xf32>
    %get3A_2 = arith.constant 0 : index
    %get3A_3 = arith.constant 0 : index
    %get3A_4 = arith.constant 0 : index
    %get3A_5 = vector.load %arg2[%get3A_2, %get3A_3, %get3A_4] : memref<2x2000x128xf32, #tpu.memory_space<vmem>>, vector<1x2000x128xf32>
    %get3A_6 = vector.shape_cast %get3A_5 : vector<1x2000x128xf32> to vector<2000x128xf32>
    %add3A = arith.addf %get3A_1, %get3A_6 : vector<2000x128xf32>
    %get3A_7 = arith.constant 1 : index
    %get3A_8 = arith.constant 0 : index
    %get3A_9 = arith.constant 0 : index
    %get3A_10 = vector.load %arg2[%get3A_7, %get3A_8, %get3A_9] : memref<2x2000x128xf32, #tpu.memory_space<vmem>>, vector<1x2000x128xf32>
    %get3A_11 = vector.shape_cast %get3A_10 : vector<1x2000x128xf32> to vector<2000x128xf32>
    %add3A_12 = arith.addf %add3A, %get3A_11 : vector<2000x128xf32>
    %get3A_13 = arith.constant 0 : index
    %get3A_14 = arith.constant 0 : index
    %get3A_15 = vector.load %arg3[%get3A_13, %get3A_14] : memref<128x128xf32, #tpu.memory_space<vmem>>, vector<128x128xf32>
    %dot_general3A = arith.constant dense<0.000000e+00> : vector<2000x128xf32>
    %dot_general3A_16 = tpu.matmul %add3A_12, %get3A_15, %dot_general3A {dimension_numbers = #tpu.dot_dimension_numbers<[1], [0], [0], [1], [0, 0, 1, 1], [], []>, precision = #tpu.contract_precision<fp32>, transpose_lhs_hint = false} : vector<2000x128xf32>, vector<128x128xf32>, vector<2000x128xf32> -> vector<2000x128xf32>
    %get3A_17 = arith.constant 0 : index
    %get3A_18 = arith.constant 0 : index
    %get3A_19 = vector.load %arg4[%get3A_17, %get3A_18] : memref<1x128xf32, #tpu.memory_space<vmem>>, vector<1x128xf32>
    %add3A_20 = vector.broadcast %get3A_19 : vector<1x128xf32> to vector<2000x128xf32>
    %add3A_21 = arith.addf %dot_general3A_16, %add3A_20 : vector<2000x128xf32>
    %max3A = arith.constant 0.000000e+00 : f32
    %max3A_22 = vector.broadcast %max3A : f32 to vector<2000x128xf32>
    %max3A_23 = arith.maximumf %add3A_21, %max3A_22 : vector<2000x128xf32>
    %get3A_24 = arith.constant 0 : index
    %get3A_25 = arith.constant 0 : index
    %get3A_26 = vector.load %arg5[%get3A_24, %get3A_25] : memref<128x128xf32, #tpu.memory_space<vmem>>, vector<128x128xf32>
    %dot_general3A_27 = arith.constant dense<0.000000e+00> : vector<2000x128xf32>
    %dot_general3A_28 = tpu.matmul %max3A_23, %get3A_26, %dot_general3A_27 {dimension_numbers = #tpu.dot_dimension_numbers<[1], [0], [0], [1], [0, 0, 1, 1], [], []>, precision = #tpu.contract_precision<fp32>, transpose_lhs_hint = false} : vector<2000x128xf32>, vector<128x128xf32>, vector<2000x128xf32> -> vector<2000x128xf32>
    %get3A_29 = arith.constant 0 : index
    %get3A_30 = arith.constant 0 : index
    %get3A_31 = vector.load %arg6[%get3A_29, %get3A_30] : memref<1x128xf32, #tpu.memory_space<vmem>>, vector<1x128xf32>
    %add3A_32 = vector.broadcast %get3A_31 : vector<1x128xf32> to vector<2000x128xf32>
    %add3A_33 = arith.addf %dot_general3A_28, %add3A_32 : vector<2000x128xf32>
    %max3A_34 = arith.constant 0.000000e+00 : f32
    %max3A_35 = vector.broadcast %max3A_34 : f32 to vector<2000x128xf32>
    %max3A_36 = arith.maximumf %add3A_33, %max3A_35 : vector<2000x128xf32>
    %swap3A = arith.constant 0 : index
    %swap3A_37 = arith.constant 0 : index
    %swap3A_38 = vector.load %arg7[%swap3A, %swap3A_37] : memref<2000x128xf32, #tpu.memory_space<vmem>>, vector<2000x128xf32>
    tpu.vector_store %arg7[%swap3A, %swap3A_37], %max3A_36 {strides = array<i32>} : memref<2000x128xf32, #tpu.memory_space<vmem>>, vector<2000x128xf32>,
    return
  }
  func.func @transform_0(%arg0: i32) -> (i32, i32) {
    %c0_i32 = arith.constant 0 : i32
    %c0_i32_0 = arith.constant 0 : i32
    return %arg0, %c0_i32 : i32, i32
  }
  func.func @transform_1(%arg0: i32) -> (i32, i32, i32) {
    %c0_i32 = arith.constant 0 : i32
    %c0_i32_0 = arith.constant 0 : i32
    %c0_i32_1 = arith.constant 0 : i32
    return %c0_i32, %arg0, %c0_i32_0 : i32, i32, i32
  }
  func.func @transform_2(%arg0: i32) -> (i32, i32) {
    %c0_i32 = arith.constant 0 : i32
    %c0_i32_0 = arith.constant 0 : i32
    %c0_i32_1 = arith.constant 0 : i32
    return %c0_i32, %c0_i32_0 : i32, i32
  }
  func.func @transform_3(%arg0: i32) -> (i32, i32) {
    %c0_i32 = arith.constant 0 : i32
    %c0_i32_0 = arith.constant 0 : i32
    %c0_i32_1 = arith.constant 0 : i32
    return %c0_i32, %c0_i32_0 : i32, i32
  }
  func.func @transform_4(%arg0: i32) -> (i32, i32) {
    %c0_i32 = arith.constant 0 : i32
    %c0_i32_0 = arith.constant 0 : i32
    %c0_i32_1 = arith.constant 0 : i32
    return %c0_i32, %c0_i32_0 : i32, i32
  }
  func.func @transform_5(%arg0: i32) -> (i32, i32) {
    %c0_i32 = arith.constant 0 : i32
    %c0_i32_0 = arith.constant 0 : i32
    %c0_i32_1 = arith.constant 0 : i32
    return %c0_i32, %c0_i32_0 : i32, i32
  }
  func.func @transform_6(%arg0: i32) -> (i32, i32) {
    %c0_i32 = arith.constant 0 : i32
    %c0_i32_0 = arith.constant 0 : i32
    return %arg0, %c0_i32 : i32, i32
  }
}

</mosaic_0001>

<sc_bundles>
// kernel: kernel.4.cloned.1.call-start
scs
__scs_entry_jumppad:
0x0: {  	(pc) =	sbr.rel $0x88, $3  }
0x1: {  	(tag) =	ssettag $0x0;
	lr =	simm.s32 $0x1  }
0x2: {  	[smem:$0x3F98] =	sst lr;
	_ =	strace $0xD0000000  }
0x3: {  	_ = 	snop  }
0x4: {  	_ = 	snop  }
0x5: {  	_ = 	snop  }
0x6: {  	_ = 	snop  }
0x7: {  	_ = 	snop  }
__scs_overlays_trampoline_lowered:
0x8: {  	[smem:$0x3FA7] =	sst s0  }
0x9: {  	[smem:$0x3FA8] =	sst s1  }
0xa: {  	[smem:$0x3FA9] =	sst s2  }
0xb: {  	[smem:$0x3FAA] =	sst s3  }
0xc: {  	[smem:$0x3FAB] =	sst s4  }
0xd: {  	[smem:$0x3FAC] =	sst s5  }
0xe: {  	[smem:$0x3FAD] =	sst s6  }
0xf: {  	[smem:$0x3FAE] =	sst s7  }
0x10: {  	[smem:$0x3FAF] =	sst s8  }
0x11: {  	[smem:$0x3FB0] =	sst s9;
	s0 =	simm.s32 @!p0 $0x0  }
0x12: {  	s1 =	sld [smem:$0x3F96];
	s0 =	simm.s32 @p0 $0x1  }
0x13: {  	[smem:$0x3FB1] =	sst s0;
	s0 =	simm.s32 @!p1 $0x0  }
0x14: {  	s2 =	sld [smem:$0x3F95];
	s0 =	simm.s32 @p1 $0x1  }
0x15: {  	[smem:$0x3FB2] =	sst s0;
	s0 =	simm.s32 @!p2 $0x0  }
0x16: {  	s3 =	sld [smem:$0x3FDB];
	s0 =	simm.s32 @p2 $0x1  }
0x17: {  	s4 =	simm.s32 $0x1BF5;
	[smem:$0x3FB4] =	sst s0  }
0x18: {  	s0 =	sld [smem:$0x3F97];
	_ =	swait.ge [sflag:s4], $0x0  }
0x19: {  	s7 =	sld [smem:$0x3F98]  }
0x1a: {  	s8 =	sadd.s32 $0xFFFFE003, lr  }
0x1b: {  	s9 =	sadd.s32 $0xFFFFFEF7, lr;
	s5 =	simm.s32 $0xFFFFFFFF;
	p2 =	slt.u32 s8, $0xFFFFF086  }
0x1c: {  	p1 =	slt.u32 s9, $0xF7A;
	s5 =	simm.s32 @!p2 $0x0  }
0x1d: {  	s5 =	simm.s32 @p1 $0x1;
	p0 =	seq.s32 s7, s2  }
0x1e: {  	s7 =	smul.u32 @!p0 $0xF7A, s2;
	p2 =	seq.s32 @!p0 s5, $0x0  }
0x1f: {  	s9 =	smul.u32 $0xF7A, s1;
	s8 =	simm.s32 @!p0 $0x1BF5;
	p2 =	por !p2, p0  }
0x20: {  	[sflag:s8] =	ssyncset.s32 @!p0 $0xFFFFF086;
	s6 =	sadd.s32 @!p0 s3, s7;
	s7 =	simm.s32 @!p0 $0x108  }
0x21: {  	s3 =	sadd.s32 s3, s9;
	s6 =	sadd.s32 @!p0 $0x88, s6;
	s7 =	simm.s32 @p2 $0x1082  }
0x22: {  	[simem:s7], [sflag:s8] =	dma.local @!p0 [hbm:s6], $0xF7A  }
0x23: {  	s9 =	sor.u32 $0xD0000000, s2;
	s6 =	simm.s32 $0x108;
	_ =	swait.ge @!p0 [sflag:s8], $0x0  }
0x24: {  	s3 =	sadd.s32 $0x88, s3;
	s6 =	simm.s32 @!p1 $0x1082;
	[sflag:s4] =	ssyncset.s32 $0xFFFFF086  }
0x25: {  	[simem:s6], [sflag:s4] =	dma.local [hbm:s3], $0xF7A  }
0x26: {  	[smem:$0x3F98] =	sst s1;
	(tag) =	ssettag s2;
	_ =	strace s9  }
0x27: {  	s1 =	sld [smem:$0x3FA8]  }
0x28: {  	s2 =	sld [smem:$0x3FA9]  }
0x29: {  	s4 =	sld [smem:$0x3FAB]  }
0x2a: {  	p0 =	seq.s32 s5, $0x0;
	s5 =	sld [smem:$0x3FAC]  }
0x2b: {  	s6 =	sld [smem:$0x3FAD]  }
0x2c: {  	s7 =	sld [smem:$0x3FAE]  }
0x2d: {  	s3 =	simm.s32 $0x108;
	s8 =	sld [smem:$0x3FAF]  }
0x2e: {  	s3 =	simm.s32 @!p0 $0x1082;
	s9 =	sld [smem:$0x3FB0]  }
0x2f: {  	lr =	sadd.s32 s0, s3;
	s0 =	sld [smem:$0x3FA7]  }
0x30: {  	s3 =	sld [smem:$0x3FAA]  }
0x31: {  	[smem:$0x3FB3] =	sst s10  }
0x32: {  	s10 =	sld [smem:$0x3FB1];
	_ =	sdelay $0x3  }
0x33: {  	p0 =	seq.s32 s10, $0x1;
	s10 =	sld [smem:$0x3FB3];
	_ =	sdelay $0x3  }
0x34: {  	[smem:$0x3FB3] =	sst s10  }
0x35: {  	s10 =	sld [smem:$0x3FB2];
	_ =	sdelay $0x3  }
0x36: {  	p1 =	seq.s32 s10, $0x1;
	s10 =	sld [smem:$0x3FB3];
	_ =	sdelay $0x3  }
0x37: {  	[smem:$0x3FB3] =	sst s10  }
0x38: {  	s10 =	sld [smem:$0x3FB4]  }
0x39: {  	_ = 	snop;
	(pc) =	sbr.ind lr, $3  }
0x3a: {  	_ = 	snop  }
0x3b: {  	_ = 	snop  }
0x3c: {  	p2 =	seq.s32 s10, $0x1;
	s10 =	sld [smem:$0x3FB3]  }
0x3d: {  	_ =	shalt  }
0x3e: {  	_ =	shalt  }
0x3f: {  	_ =	shalt  }
0x40: {  	_ =	shalt  }
0x41: {  	_ =	shalt  }
0x42: {  	_ =	shalt  }
0x43: {  	_ =	shalt  }
0x44: {  	_ =	shalt  }
0x45: {  	_ =	shalt  }
0x46: {  	_ =	shalt  }
0x47: {  	_ =	shalt  }
0x48: {  	_ =	shalt  }
0x49: {  	_ =	shalt  }
0x4a: {  	_ =	shalt  }
0x4b: {  	_ =	shalt  }
0x4c: {  	_ =	shalt  }
0x4d: {  	_ =	shalt  }
0x4e: {  	_ =	shalt  }
0x4f: {  	_ =	shalt  }
0x50: {  	_ =	shalt  }
0x51: {  	_ =	shalt  }
0x52: {  	_ =	shalt  }
0x53: {  	_ =	shalt  }
0x54: {  	_ =	shalt  }
0x55: {  	_ =	shalt  }
0x56: {  	_ =	shalt  }
0x57: {  	_ =	shalt  }
0x58: {  	_ =	shalt  }
0x59: {  	_ =	shalt  }
0x5a: {  	_ =	shalt  }
0x5b: {  	_ =	shalt  }
0x5c: {  	_ =	shalt  }
0x5d: {  	_ =	shalt  }
0x5e: {  	_ =	shalt  }
0x5f: {  	_ =	shalt  }
0x60: {  	_ =	shalt  }
0x61: {  	_ =	shalt  }
0x62: {  	_ =	shalt  }
0x63: {  	_ =	shalt  }
0x64: {  	_ =	shalt  }
0x65: {  	_ =	shalt  }
0x66: {  	_ =	shalt  }
0x67: {  	_ =	shalt  }
0x68: {  	_ =	shalt  }
0x69: {  	_ =	shalt  }
0x6a: {  	_ =	shalt  }
0x6b: {  	_ =	shalt  }
0x6c: {  	_ =	shalt  }
0x6d: {  	_ =	shalt  }
0x6e: {  	_ =	shalt  }
0x6f: {  	_ =	shalt  }
0x70: {  	_ =	shalt  }
0x71: {  	_ =	shalt  }
0x72: {  	_ =	shalt  }
0x73: {  	_ =	shalt  }
0x74: {  	_ =	shalt  }
0x75: {  	_ =	shalt  }
0x76: {  	_ =	shalt  }
0x77: {  	_ =	shalt  }
0x78: {  	_ =	shalt  }
0x79: {  	_ =	shalt  }
0x7a: {  	_ =	shalt  }
0x7b: {  	_ =	shalt  }
0x7c: {  	_ =	shalt  }
0x7d: {  	_ =	shalt  }
0x7e: {  	_ =	shalt  }
0x7f: {  	_ =	shalt  }
0x80: {  	_ =	shalt  }
0x81: {  	_ =	shalt  }
0x82: {  	_ =	shalt  }
0x83: {  	_ =	shalt  }
0x84: {  	_ =	shalt  }
0x85: {  	_ =	shalt  }
0x86: {  	_ =	shalt  }
0x87: {  	_ =	shalt  }
.Lfunc_end0:
.L_simem_size_0:
called_computation_lowered:
.L_overlay_start_0:
0x88: {  	s2 =	sld [smem:$0x3FD9]  }
0x89: {  	s3 =	sld [smem:$0x3FFE];
	_ =	sdelay $0x1  }
0x8a: {  	s1 =	srdreg.scid  }
0x8b: {  	s0 =	sand.u32 $0x1, s1  }
0x8c: {  	s14 =	sshll.u32 s0, $0xA;
	s2 =	sadd.s32 s3, s2  }
0x8d: {  	s2 =	sadd.s32 s2, s14  }
0x8e: {  	[smem:$0x3FBF] =	sst s2  }
0x8f: {  	_ = 	snop  }
0x90: {  	s2 =	sld [smem:$0x3FD0];
	_ =	sdelay $0x2  }
0x91: {  	s4 =	simm.s32 $0xA;
	s5 =	simm.s32 $0x10;
	s15 =	sld [smem:$0x3FC9]  }
0x92: {  	[smem:s5], [sflag:s4] =	dma.local [hbm:s2], $0x1  }
0x93: {  	_ =	swait.eq [sflag:s4], $0x1  }
0x94: {  	[sflag:s4] =	ssyncset.done $0x0  }
0x95: {  	s16 =	sld [smem:$0x10];
	[sflag:s4] =	ssyncadd.s32 $0xFFFFFFFF  }
0x96: {  	s17 =	sld [smem:$0x13];
	(tm) =	ssettm $0x1  }
0x97: {  	s18 =	sld [smem:$0x3FFB];
	_ =	sdelay $0x3  }
0x98: {  	_ =	strace s18  }
0x99: {  	s5 =	sld [smem:$0x3FFC];
	_ =	sdelay $0x3  }
0x9a: {  	_ =	strace s5  }
0x9b: {  	s5 =	sld [smem:$0x3FFD];
	_ =	sdelay $0x3  }
0x9c: {  	_ =	strace s5  }
0x9d: {  	_ =	strace $0x8FFFFFFF  }
0x9e: {  	s19 =	sld [smem:$0x3FDB];
	_ =	sdelay $0x1  }
0x9f: {  	s6 =	simm.s32 $_scs_section_size  }
0xa0: {  	s7 =	simm.s32 $_size__tile_overlayer_lowered;
	s8 =	simm.s32 $_tile_overlayer_lowered  }
0xa1: {  	s22 =	simm.s32 $0x1BFF;
	s21 =	sshll.u32 s8, $0x1;
	s5 =	sadd.s32 s6, s19  }
0xa2: {  	s9 =	simm.s32 $0x0;
	s20 =	sshll.u32 s7, $0x1;
	s7 =	sadd.s32 s21, s5  }
0xa3: {  	[timem:s9], [sflag:s22] =	dma.local [hbm:s7], s20  }
0xa4: {  	_ =	swait.ge [sflag:s22], s20  }
0xa5: {  	s6 =	ssub.s32 $0x0, s20;
	[sflag:s22] =	ssyncset.done $0x0  }
0xa6: {  	[sflag:s22] =	ssyncadd.s32 s6;
	_ =	sdelay $0x1  }
0xa7: {  	s23 =	simm.s32 $0x1B8B  }
0xa8: {  	_ =	swait.ge [sflag:s23], $0x1  }
0xa9: {  	[sflag:s23] =	ssyncset.done $0x0  }
0xaa: {  	s25 =	simm.s32 $0x1B8E;
	s24 =	sld [smem:$0x3FFE];
	[sflag:s23] =	ssyncadd.s32 $0xFFFFFFFF  }
0xab: {  	s26 =	simm.s32 $execute0_lowered;
	[smem:$0x3FD2] =	sst s25  }
0xac: {  	s7 =	sshll.u32 s26, $0x1;
	_ =	strace $0x80000046;
	[dreg:$0x1] =	wrdreg $0xFFFFFFFF  }
0xad: {  	s28 =	simm.s32 $_size_execute0_lowered;
	s5 =	sadd.s32 s5, s7;
	[dreg:$0x0] =	wrdreg $0x0  }
0xae: {  	s7 =	sshll.u32 s28, $0x1;
	[dreg:$0x2] =	wrdreg s5  }
0xaf: {  	[dreg:$0x3] =	wrdreg s7  }
0xb0: {  	[dreg:$0x4] =	wrdreg $0xC0  }
0xb1: {  	_ =	task [dreg:s9], $0x5FFFF  }
0xb2: {  	[dreg:$0x1] =	wrdreg $0xFFFFFFFF  }
0xb3: {  	[dreg:$0x0] =	wrdreg $0x60  }
0xb4: {  	[dreg:$0x2] =	wrdreg s15  }
0xb5: {  	[dreg:$0x3] =	wrdreg s16  }
0xb6: {  	[dreg:$0x4] =	wrdreg s24  }
0xb7: {  	[dreg:$0x5] =	wrdreg s17  }
0xb8: {  	[dreg:$0x6] =	wrdreg $0x98000  }
0xb9: {  	[dreg:$0x7] =	wrdreg $0x9  }
0xba: {  	_ =	task.clear_ibuf [dreg:s9], $0x8FFFF;
	_ =	strace $0x90000046  }
0xbb: {  	s29 =	simm.s32 $0x9;
	_ =	strace $0x80000048  }
0xbc: {  	_ =	swait.ge [sflag:s29], $0x1  }
0xbd: {  	[sflag:s29] =	ssyncadd.s32 $0xFFFFFFFF  }
0xbe: {  	_ =	strace $0x90000048  }
0xbf: {  	_ =	sfence  }
0xc0: {  	s30 =	sld [smem:$0x0];
	_ =	sdelay $0x2  }
0xc1: {  	s31 =	sshll.u32 s1, $0xD;
	s1 =	sshrl.u32 s1, $0x2  }
0xc2: {  	s3 =	sand.u32 $0x4000, s31;
	s1 =	sadd.s32 s1, s30  }
0xc3: {  	s0 =	sor.u32 s3, s0;
	s1 =	sshll.u32 s1, $0x11  }
0xc4: {  	s0 =	sor.u32 s1, s0  }
0xc5: {  	s0 =	sadd.s32 $0x8F2B, s0  }
0xc6: {  	[sflag:s0] =	ssyncadd.remote.s32 $0x1  }
0xc7: {  	_ =	sfence.sel $0xFFFF  }
0xc8: {  	[dreg:$0x0] =	wrdreg $0xFFFFFFFF;
	(pc) =	sbr.abs _section_cstart, $3  }
0xc9: {  	[dreg:$0x1] =	wrdreg $0xFFFFFFFF  }
0xca: {  	_ =	task.clear_ibuf [dreg:s9], $0x2FFFF;
	_ =	strace $0x9FFFFFFF  }
0xcb: {  	(tm) =	ssettm $0x7FFFFFFF  }
tec
execute0_lowered:
.L_overlay_start_1:
0x0: {  	(tag) =	ssettag $0x1  }
0x1: {  	s1 =	rddreg [dreg:$0x0]  }
0x2: {  	s0 =	rddreg [dreg:$0x1]  }
0x3: {  	s2 =	rddreg [dreg:$0x2]  }
0x4: {  	s3 =	rddreg [dreg:$0x4]  }
0x5: {  	s4 =	srdreg.scid;
	s5 =	simm.s32 $0x0;
	s11 =	stileid.u32  }
0x6: {  	s28 =	simm.s32 $0x50;
	s29 =	simm.s32 $0x80;
	s30 =	simm.s32 $0x4800  }
0x7: {  	s31 =	simm.s32 $0x100;
	s12 =	simm.s32 $0x1E80;
	s7 =	smul.u32 $0x14000, s11  }
0x8: {  	s4 =	sand.u32 $0x1, s4;
	[smem:$0x7FF] =	sst s5;
	s8 =	smul.u32 $0x50000, s11  }
0x9: {  	s9 =	sadd.s32 $0x1C00, s2;
	s17 =	sshll.u32 s11, $0xB;
	s11 =	simm.s32 $0xF80  }
0xa: {  	s6 =	smul.u32 $0x140000, s4;
	_ =	strace $0x80000047;
	s13 =	ssub.s32 $0x2, s4  }
0xb: {  	s4 =	sshll.u32 s4, $0xF;
	s10 =	sshrl.u32 s13, $0x1;
	s8 =	sshrl.u32 s8, $0x2  }
0xc: {  	s4 =	sor.u32 s17, s4;
	s6 =	sadd.s32 s7, s6;
	s7 =	ssub.s32 s13, s10  }
0xd: {  	s21 =	sadd.s32 s0, s4;
	s22 =	sor.u32 $0x200, s4;
	s23 =	sadd.s32 s9, s4  }
0xe: {  	s25 =	sor.u32 $0x400, s4;
	s6 =	sshrl.u32 s6, $0x3;
	[dreg:$0xd] =	wrdreg s21  }
0xf: {  	[dreg:$0xe] =	wrdreg s23;
	s24 =	sadd.s32 s0, s22;
	s26 =	sadd.s32 s0, s25  }
0x10: {  	s2 =	sadd.s32 s6, s2;
	s6 =	sadd.s32 s8, s3;
	[dreg:$0xf] =	wrdreg s24  }
0x11: {  	s4 =	sor.u32 $0x600, s4;
	[dreg:$0x11] =	wrdreg s26;
	s8 =	sadd.s32 $0x2800, s6  }
0x12: {  	s10 =	simm.s32 $0x1E00;
	s14 =	sadd.s32 $0x5000, s6;
	[dreg:$0x6] =	wrdreg s8  }
0x13: {  	s13 =	simm.s32 $0x1F00;
	s15 =	sadd.s32 $0x7800, s6;
	[dreg:$0x7] =	wrdreg s14  }
0x14: {  	s21 =	sadd.s32 s9, s4;
	s16 =	sadd.s32 $0xA000, s6;
	[dreg:$0x8] =	wrdreg s15  }
0x15: {  	s23 =	smax.u32 s7, $0x1;
	s18 =	sadd.s32 $0xC800, s6;
	[dreg:$0x9] =	wrdreg s16  }
0x16: {  	s7 =	simm.s32 $0x3;
	s19 =	sadd.s32 $0xF000, s6;
	[dreg:$0xa] =	wrdreg s18  }
0x17: {  	s24 =	simm.s32 $0x2000;
	s20 =	sadd.s32 $0x11800, s6;
	[dreg:$0xb] =	wrdreg s19  }
0x18: {  	s26 =	simm.s32 $0x1000;
	[dreg:$0xc] =	wrdreg s20;
	s8 =	sadd.s32 s9, s22  }
0x19: {  	s19 =	sadd.s32 s9, s25;
	s20 =	sadd.s32 s0, s4;
	s22 =	sadd.s32 $0x11C00, s2  }
0x1a: {  	s25 =	simm.s32 $0x4;
	s0 =	simm.s32 $0x7000;
	s2 =	simm.s32 $0x1  }
0x1b: {  	s4 =	simm.s32 $0x2;
	s9 =	simm.s32 $0xF00;
	s14 =	simm.s32 $0x1F80  }
0x1c: {  	s15 =	simm.s32 $0x0;
	[dreg:$0x10] =	wrdreg s8;
	s8 =	simm.s32 $0x1D80  }
.LBB2_1:
0x1d: {  	s16 =	rddreg [dreg:$0x3]  }
0x1e: {  	[tilespmem:s24], [sflag:$0x4] =	stream.linear.gather [hbm4b:s16+s5], $0x2800, $0x38;
	[tilespmem:$0x1D800] =	vst v63  }
0x1f: {  	_ =	swait.ge [sflag:s25], $0x2800  }
0x20: {  	[sflag:s25] =	ssyncset.done $0x0  }
0x21: {  	[sflag:s25] =	ssyncadd.s32 $0xFFFFD800  }
0x22: {  	[spmem:s6] =	stream.linear.scatter [tilespmem:s24], [sflag:$0x4], $0x2800, $0x38;
	[tilespmem:$0x1D800] =	vst v63  }
0x23: {  	_ =	swait.ge [sflag:s25], $0x2800  }
0x24: {  	[sflag:s25] =	ssyncset.done $0x0  }
0x25: {  	s17 =	rddreg [dreg:$0x6];
	[sflag:s25] =	ssyncadd.s32 $0xFFFFD800  }
0x26: {  	[spmem:s17] =	stream.linear.scatter [tilespmem:s24], [sflag:$0x4], $0x2800, $0x38;
	[tilespmem:$0x1D800] =	vst v63  }
0x27: {  	_ =	swait.ge [sflag:s25], $0x2800  }
0x28: {  	[sflag:s25] =	ssyncset.done $0x0  }
0x29: {  	s18 =	rddreg [dreg:$0x7];
	[sflag:s25] =	ssyncadd.s32 $0xFFFFD800  }
0x2a: {  	[spmem:s18] =	stream.linear.scatter [tilespmem:s24], [sflag:$0x4], $0x2800, $0x38;
	[tilespmem:$0x1D800] =	vst v63  }
0x2b: {  	_ =	swait.ge [sflag:s25], $0x2800  }
0x2c: {  	[sflag:s25] =	ssyncset.done $0x0  }
0x2d: {  	s17 =	rddreg [dreg:$0x8];
	[sflag:s25] =	ssyncadd.s32 $0xFFFFD800  }
0x2e: {  	[spmem:s17] =	stream.linear.scatter [tilespmem:s24], [sflag:$0x4], $0x2800, $0x38;
	[tilespmem:$0x1D800] =	vst v63  }
0x2f: {  	_ =	swait.ge [sflag:s25], $0x2800  }
0x30: {  	[sflag:s25] =	ssyncset.done $0x0  }
0x31: {  	s18 =	rddreg [dreg:$0x9];
	[sflag:s25] =	ssyncadd.s32 $0xFFFFD800  }
0x32: {  	[spmem:s18] =	stream.linear.scatter [tilespmem:s24], [sflag:$0x4], $0x2800, $0x38;
	[tilespmem:$0x1D800] =	vst v63  }
0x33: {  	_ =	swait.ge [sflag:s25], $0x2800  }
0x34: {  	[sflag:s25] =	ssyncset.done $0x0  }
0x35: {  	s17 =	rddreg [dreg:$0xa];
	[sflag:s25] =	ssyncadd.s32 $0xFFFFD800  }
0x36: {  	[spmem:s17] =	stream.linear.scatter [tilespmem:s24], [sflag:$0x4], $0x2800, $0x38;
	[tilespmem:$0x1D800] =	vst v63  }
0x37: {  	_ =	swait.ge [sflag:s25], $0x2800  }
0x38: {  	[sflag:s25] =	ssyncset.done $0x0  }
0x39: {  	s18 =	rddreg [dreg:$0xb];
	[sflag:s25] =	ssyncadd.s32 $0xFFFFD800  }
0x3a: {  	[spmem:s18] =	stream.linear.scatter [tilespmem:s24], [sflag:$0x4], $0x2800, $0x38;
	[tilespmem:$0x1D800] =	vst v63  }
0x3b: {  	_ =	swait.ge [sflag:s25], $0x2800  }
0x3c: {  	[sflag:s25] =	ssyncset.done $0x0  }
0x3d: {  	s17 =	rddreg [dreg:$0xc];
	[sflag:s25] =	ssyncadd.s32 $0xFFFFD800  }
0x3e: {  	[spmem:s17] =	stream.linear.scatter [tilespmem:s24], [sflag:$0x4], $0x2800, $0x38;
	[tilespmem:$0x1D800] =	vst v63  }
0x3f: {  	_ =	swait.ge [sflag:s25], $0x2800  }
0x40: {  	[sflag:s25] =	ssyncset.done $0x0  }
0x41: {  	[sflag:s25] =	ssyncadd.s32 $0xFFFFD800  }
0x42: {  	[bflag:$0x0] =	sbarrier.arrive $0xFFFF  }
0x43: {  	s18 =	rddreg [dreg:$0xd]  }
0x44: {  	[tilespmem:s5], [sflag:$0x4] =	stream.linear.gather [hbm4b:s18+s5], $0x1000, $0x38;
	[tilespmem:$0x1D800] =	vst v63  }
0x45: {  	_ =	swait.ge [sflag:s25], $0x1000  }
0x46: {  	[sflag:s25] =	ssyncset.done $0x0  }
0x47: {  	s17 =	rddreg [dreg:$0xe];
	[sflag:s25] =	ssyncadd.s32 $0xFFFFF000  }
0x48: {  	[tilespmem:s26], [sflag:$0x4] =	stream.linear.gather [hbm4b:s17+s5], $0x1000, $0x38;
	[tilespmem:$0x1D800] =	vst v63  }
0x49: {  	_ =	swait.ge [sflag:s25], $0x1000  }
0x4a: {  	[sflag:s25] =	ssyncset.done $0x0  }
0x4b: {  	[sflag:s25] =	ssyncadd.s32 $0xFFFFF000  }
0x4c: {  	[tilespmem:s24], [sflag:$0x1] =	stream.indirect.gather [hbm4b:s1+s28], $0x80, s5, s28, $0xb8;
	[tilespmem:$0x1D800] =	vst v63  }
0x4d: {  	_ = 	snop  }
0x4e: {  	[tilespmem:s30], [sflag:$0x2] =	stream.indirect.gather [hbm4b:s1+s28], $0x80, s29, s28, $0xb8;
	[tilespmem:$0x1D800] =	vst v63  }
0x4f: {  	_ = 	snop  }
0x50: {  	[tilespmem:s0], [sflag:$0x3] =	stream.indirect.gather [hbm4b:s1+s28], $0x80, s31, s28, $0xb8;
	[tilespmem:$0x1D800] =	vst v63  }
0x51: {  	_ =	swait.ge [sflag:s2], $0x2800  }
0x52: {  	[sflag:s2] =	ssyncset.done $0x0  }
0x53: {  	s18 =	simm.s32 $0x1000;
	[sflag:s2] =	ssyncadd.s32 $0xFFFFD800  }
0x54: {  	[spmem:s3] =	stream.indirect.scatter.add.f32 [tilespmem:s24], [sflag:$0x4], $0x80, s18, s28, $0xb8;
	[tilespmem:$0x1D800] =	vst v63  }
0x55: {  	_ =	swait.ge [sflag:s25], $0x2800  }
0x56: {  	[sflag:s25] =	ssyncset.done $0x0  }
0x57: {  	s17 =	simm.s32 $0x180;
	[sflag:s25] =	ssyncadd.s32 $0xFFFFD800  }
0x58: {  	[tilespmem:s24], [sflag:$0x1] =	stream.indirect.gather [hbm4b:s1+s28], $0x80, s17, s28, $0xb8;
	[tilespmem:$0x1D800] =	vst v63  }
0x59: {  	_ =	swait.ge [sflag:s4], $0x2800  }
0x5a: {  	[sflag:s4] =	ssyncset.done $0x0  }
0x5b: {  	s18 =	simm.s32 $0x1080;
	[sflag:s4] =	ssyncadd.s32 $0xFFFFD800  }
0x5c: {  	[spmem:s3] =	stream.indirect.scatter.add.f32 [tilespmem:s30], [sflag:$0x4], $0x80, s18, s28, $0xb8;
	[tilespmem:$0x1D800] =	vst v63  }
0x5d: {  	_ =	swait.ge [sflag:s25], $0x2800  }
0x5e: {  	[sflag:s25] =	ssyncset.done $0x0  }
0x5f: {  	s17 =	simm.s32 $0x200;
	[sflag:s25] =	ssyncadd.s32 $0xFFFFD800  }
0x60: {  	[tilespmem:s30], [sflag:$0x2] =	stream.indirect.gather [hbm4b:s1+s28], $0x80, s17, s28, $0xb8;
	[tilespmem:$0x1D800] =	vst v63  }
0x61: {  	_ =	swait.ge [sflag:s7], $0x2800  }
0x62: {  	[sflag:s7] =	ssyncset.done $0x0  }
0x63: {  	s18 =	simm.s32 $0x1100;
	[sflag:s7] =	ssyncadd.s32 $0xFFFFD800  }
0x64: {  	[spmem:s3] =	stream.indirect.scatter.add.f32 [tilespmem:s0], [sflag:$0x4], $0x80, s18, s28, $0xb8;
	[tilespmem:$0x1D800] =	vst v63  }
0x65: {  	_ =	swait.ge [sflag:s25], $0x2800  }
0x66: {  	[sflag:s25] =	ssyncset.done $0x0  }
0x67: {  	s16 =	simm.s32 $0x600;
	s17 =	simm.s32 $0x280;
	[sflag:s25] =	ssyncadd.s32 $0xFFFFD800  }
.LBB2_2:
0x68: {  	[tilespmem:s0], [sflag:$0x3] =	stream.indirect.gather [hbm4b:s1+s28], $0x80, s17, s28, $0xb8;
	[tilespmem:$0x1D800] =	vst v63  }
0x69: {  	s17 =	smov.u32 s16  }
0x6a: {  	p0 =	sne.s32 s16, $0x3000;
	s16 =	sadd.s32 $0x600, s16;
	_ =	swait.ge [sflag:s2], $0x2800  }
0x6b: {  	s17 =	sshra.s32 s17, $0x2;
	[sflag:s2] =	ssyncset.done $0x0  }
0x6c: {  	s18 =	sadd.s32 $0x1000, s17;
	[sflag:s2] =	ssyncadd.s32 $0xFFFFD800  }
0x6d: {  	[spmem:s3] =	stream.indirect.scatter.add.f32 [tilespmem:s24], [sflag:$0x4], $0x80, s18, s28, $0xb8;
	[tilespmem:$0x1D800] =	vst v63  }
0x6e: {  	_ =	swait.ge [sflag:s25], $0x2800  }
0x6f: {  	[sflag:s25] =	ssyncset.done $0x0  }
0x70: {  	s18 =	sadd.s32 $0x180, s17;
	[sflag:s25] =	ssyncadd.s32 $0xFFFFD800  }
0x71: {  	[tilespmem:s24], [sflag:$0x1] =	stream.indirect.gather [hbm4b:s1+s28], $0x80, s18, s28, $0xb8;
	[tilespmem:$0x1D800] =	vst v63  }
0x72: {  	_ =	swait.ge [sflag:s4], $0x2800  }
0x73: {  	[sflag:s4] =	ssyncset.done $0x0  }
0x74: {  	s18 =	sadd.s32 $0x1080, s17;
	[sflag:s4] =	ssyncadd.s32 $0xFFFFD800  }
0x75: {  	[spmem:s3] =	stream.indirect.scatter.add.f32 [tilespmem:s30], [sflag:$0x4], $0x80, s18, s28, $0xb8;
	[tilespmem:$0x1D800] =	vst v63  }
0x76: {  	_ =	swait.ge [sflag:s25], $0x2800  }
0x77: {  	[sflag:s25] =	ssyncset.done $0x0  }
0x78: {  	s18 =	sadd.s32 $0x200, s17;
	[sflag:s25] =	ssyncadd.s32 $0xFFFFD800  }
0x79: {  	[tilespmem:s30], [sflag:$0x2] =	stream.indirect.gather [hbm4b:s1+s28], $0x80, s18, s28, $0xb8;
	[tilespmem:$0x1D800] =	vst v63  }
0x7a: {  	_ =	swait.ge [sflag:s7], $0x2800  }
0x7b: {  	[sflag:s7] =	ssyncset.done $0x0  }
.Ltmp0:
0x7c: {  	s18 =	sadd.s32 $0x1100, s17;
	[sflag:s7] =	ssyncadd.s32 $0xFFFFD800;
	(pc) =	sbr.rel @p0 .LBB2_2-.Ltmp0, $4  }
0x7d: {  	[spmem:s3] =	stream.indirect.scatter.add.f32 [tilespmem:s0], [sflag:$0x4], $0x80, s18, s28, $0xb8;
	[tilespmem:$0x1D800] =	vst v63  }
0x7e: {  	_ =	swait.ge [sflag:s25], $0x2800  }
0x7f: {  	[sflag:s25] =	ssyncset.done $0x0  }
0x80: {  	s17 =	sadd.s32 $0x280, s17;
	[sflag:s25] =	ssyncadd.s32 $0xFFFFD800  }
0x81: {  	[tilespmem:s0], [sflag:$0x3] =	stream.indirect.gather [hbm4b:s1+s28], $0x80, s17, s28, $0xb8;
	[tilespmem:$0x1D800] =	vst v63  }
0x82: {  	_ =	swait.ge [sflag:s2], $0x2800  }
0x83: {  	[sflag:s2] =	ssyncset.done $0x0  }
0x84: {  	[sflag:s2] =	ssyncadd.s32 $0xFFFFD800  }
0x85: {  	[spmem:s3] =	stream.indirect.scatter.add.f32 [tilespmem:s24], [sflag:$0x4], $0x80, s8, s28, $0xb8;
	[tilespmem:$0x1D800] =	vst v63  }
0x86: {  	_ =	swait.ge [sflag:s25], $0x2800  }
0x87: {  	[sflag:s25] =	ssyncset.done $0x0  }
0x88: {  	[sflag:s25] =	ssyncadd.s32 $0xFFFFD800  }
0x89: {  	[tilespmem:s24], [sflag:$0x1] =	stream.indirect.gather [hbm4b:s1+s28], $0x80, s9, s28, $0xb8;
	[tilespmem:$0x1D800] =	vst v63  }
0x8a: {  	_ =	swait.ge [sflag:s4], $0x2800  }
0x8b: {  	[sflag:s4] =	ssyncset.done $0x0  }
0x8c: {  	[sflag:s4] =	ssyncadd.s32 $0xFFFFD800  }
0x8d: {  	[spmem:s3] =	stream.indirect.scatter.add.f32 [tilespmem:s30], [sflag:$0x4], $0x80, s10, s28, $0xb8;
	[tilespmem:$0x1D800] =	vst v63  }
0x8e: {  	_ =	swait.ge [sflag:s25], $0x2800  }
0x8f: {  	[sflag:s25] =	ssyncset.done $0x0  }
0x90: {  	[sflag:s25] =	ssyncadd.s32 $0xFFFFD800  }
0x91: {  	[tilespmem:s30], [sflag:$0x2] =	stream.indirect.gather [hbm4b:s1+s28], $0x80, s11, s28, $0xb8;
	[tilespmem:$0x1D800] =	vst v63  }
0x92: {  	_ =	swait.ge [sflag:s7], $0x2800  }
0x93: {  	[sflag:s7] =	ssyncset.done $0x0  }
0x94: {  	[sflag:s7] =	ssyncadd.s32 $0xFFFFD800  }
0x95: {  	[spmem:s3] =	stream.indirect.scatter.add.f32 [tilespmem:s0], [sflag:$0x4], $0x80, s12, s28, $0xb8;
	[tilespmem:$0x1D800] =	vst v63  }
0x96: {  	_ =	swait.ge [sflag:s25], $0x2800  }
0x97: {  	[sflag:s25] =	ssyncset.done $0x0  }
0x98: {  	[sflag:s25] =	ssyncadd.s32 $0xFFFFD800  }
0x99: {  	_ =	swait.ge [sflag:s2], $0x2800  }
0x9a: {  	[sflag:s2] =	ssyncset.done $0x0  }
0x9b: {  	[sflag:s2] =	ssyncadd.s32 $0xFFFFD800  }
0x9c: {  	[spmem:s3] =	stream.indirect.scatter.add.f32 [tilespmem:s24], [sflag:$0x4], $0x80, s13, s28, $0xb8;
	[tilespmem:$0x1D800] =	vst v63  }
0x9d: {  	_ =	swait.ge [sflag:s25], $0x2800  }
0x9e: {  	[sflag:s25] =	ssyncset.done $0x0  }
0x9f: {  	[sflag:s25] =	ssyncadd.s32 $0xFFFFD800  }
0xa0: {  	_ =	swait.ge [sflag:s4], $0x2800  }
0xa1: {  	[sflag:s4] =	ssyncset.done $0x0  }
0xa2: {  	[sflag:s4] =	ssyncadd.s32 $0xFFFFD800  }
0xa3: {  	[spmem:s3] =	stream.indirect.scatter.add.f32 [tilespmem:s30], [sflag:$0x4], $0x80, s14, s28, $0xb8;
	[tilespmem:$0x1D800] =	vst v63  }
0xa4: {  	_ =	swait.ge [sflag:s25], $0x2800  }
0xa5: {  	[sflag:s25] =	ssyncset.done $0x0  }
0xa6: {  	s16 =	simm.s32 $0x0;
	s18 =	rddreg [dreg:$0xf];
	[sflag:s25] =	ssyncadd.s32 $0xFFFFD800  }
0xa7: {  	[tilespmem:s16], [sflag:$0x4] =	stream.linear.gather [hbm4b:s18+s16], $0x1000, $0x38;
	[tilespmem:$0x1D800] =	vst v63  }
0xa8: {  	_ =	swait.ge [sflag:s25], $0x1000  }
0xa9: {  	[sflag:s25] =	ssyncset.done $0x0  }
0xaa: {  	s18 =	rddreg [dreg:$0x10];
	[sflag:s25] =	ssyncadd.s32 $0xFFFFF000  }
0xab: {  	[tilespmem:s26], [sflag:$0x4] =	stream.linear.gather [hbm4b:s18+s16], $0x1000, $0x38;
	[tilespmem:$0x1D800] =	vst v63  }
0xac: {  	_ =	swait.ge [sflag:s25], $0x1000  }
0xad: {  	[sflag:s25] =	ssyncset.done $0x0  }
0xae: {  	[sflag:s25] =	ssyncadd.s32 $0xFFFFF000  }
0xaf: {  	[tilespmem:s24], [sflag:$0x1] =	stream.indirect.gather [hbm4b:s1+s28], $0x80, s16, s28, $0xb8;
	[tilespmem:$0x1D800] =	vst v63  }
0xb0: {  	_ = 	snop  }
0xb1: {  	[tilespmem:s30], [sflag:$0x2] =	stream.indirect.gather [hbm4b:s1+s28], $0x80, s29, s28, $0xb8;
	[tilespmem:$0x1D800] =	vst v63  }
0xb2: {  	_ = 	snop  }
0xb3: {  	[tilespmem:s0], [sflag:$0x3] =	stream.indirect.gather [hbm4b:s1+s28], $0x80, s31, s28, $0xb8;
	[tilespmem:$0x1D800] =	vst v63  }
0xb4: {  	_ =	swait.ge [sflag:s2], $0x2800  }
0xb5: {  	[sflag:s2] =	ssyncset.done $0x0  }
0xb6: {  	s18 =	simm.s32 $0x1000;
	[sflag:s2] =	ssyncadd.s32 $0xFFFFD800  }
0xb7: {  	[spmem:s3] =	stream.indirect.scatter.add.f32 [tilespmem:s24], [sflag:$0x4], $0x80, s18, s28, $0xb8;
	[tilespmem:$0x1D800] =	vst v63  }
0xb8: {  	_ =	swait.ge [sflag:s25], $0x2800  }
0xb9: {  	[sflag:s25] =	ssyncset.done $0x0  }
0xba: {  	s17 =	simm.s32 $0x180;
	[sflag:s25] =	ssyncadd.s32 $0xFFFFD800  }
0xbb: {  	[tilespmem:s24], [sflag:$0x1] =	stream.indirect.gather [hbm4b:s1+s28], $0x80, s17, s28, $0xb8;
	[tilespmem:$0x1D800] =	vst v63  }
0xbc: {  	_ =	swait.ge [sflag:s4], $0x2800  }
0xbd: {  	[sflag:s4] =	ssyncset.done $0x0  }
0xbe: {  	s18 =	simm.s32 $0x1080;
	[sflag:s4] =	ssyncadd.s32 $0xFFFFD800  }
0xbf: {  	[spmem:s3] =	stream.indirect.scatter.add.f32 [tilespmem:s30], [sflag:$0x4], $0x80, s18, s28, $0xb8;
	[tilespmem:$0x1D800] =	vst v63  }
0xc0: {  	_ =	swait.ge [sflag:s25], $0x2800  }
0xc1: {  	[sflag:s25] =	ssyncset.done $0x0  }
0xc2: {  	s17 =	simm.s32 $0x200;
	[sflag:s25] =	ssyncadd.s32 $0xFFFFD800  }
0xc3: {  	[tilespmem:s30], [sflag:$0x2] =	stream.indirect.gather [hbm4b:s1+s28], $0x80, s17, s28, $0xb8;
	[tilespmem:$0x1D800] =	vst v63  }
0xc4: {  	_ =	swait.ge [sflag:s7], $0x2800  }
0xc5: {  	[sflag:s7] =	ssyncset.done $0x0  }
0xc6: {  	s18 =	simm.s32 $0x1100;
	[sflag:s7] =	ssyncadd.s32 $0xFFFFD800  }
0xc7: {  	[spmem:s3] =	stream.indirect.scatter.add.f32 [tilespmem:s0], [sflag:$0x4], $0x80, s18, s28, $0xb8;
	[tilespmem:$0x1D800] =	vst v63  }
0xc8: {  	_ =	swait.ge [sflag:s25], $0x2800  }
0xc9: {  	[sflag:s25] =	ssyncset.done $0x0  }
0xca: {  	s16 =	simm.s32 $0x600;
	s17 =	simm.s32 $0x280;
	[sflag:s25] =	ssyncadd.s32 $0xFFFFD800  }
.LBB2_4:
0xcb: {  	[tilespmem:s0], [sflag:$0x3] =	stream.indirect.gather [hbm4b:s1+s28], $0x80, s17, s28, $0xb8;
	[tilespmem:$0x1D800] =	vst v63  }
0xcc: {  	s17 =	smov.u32 s16  }
0xcd: {  	p0 =	sne.s32 s16, $0x3000;
	s16 =	sadd.s32 $0x600, s16;
	_ =	swait.ge [sflag:s2], $0x2800  }
0xce: {  	s17 =	sshra.s32 s17, $0x2;
	[sflag:s2] =	ssyncset.done $0x0  }
0xcf: {  	s18 =	sadd.s32 $0x1000, s17;
	[sflag:s2] =	ssyncadd.s32 $0xFFFFD800  }
0xd0: {  	[spmem:s3] =	stream.indirect.scatter.add.f32 [tilespmem:s24], [sflag:$0x4], $0x80, s18, s28, $0xb8;
	[tilespmem:$0x1D800] =	vst v63  }
0xd1: {  	_ =	swait.ge [sflag:s25], $0x2800  }
0xd2: {  	[sflag:s25] =	ssyncset.done $0x0  }
0xd3: {  	s18 =	sadd.s32 $0x180, s17;
	[sflag:s25] =	ssyncadd.s32 $0xFFFFD800  }
0xd4: {  	[tilespmem:s24], [sflag:$0x1] =	stream.indirect.gather [hbm4b:s1+s28], $0x80, s18, s28, $0xb8;
	[tilespmem:$0x1D800] =	vst v63  }
0xd5: {  	_ =	swait.ge [sflag:s4], $0x2800  }
0xd6: {  	[sflag:s4] =	ssyncset.done $0x0  }
0xd7: {  	s18 =	sadd.s32 $0x1080, s17;
	[sflag:s4] =	ssyncadd.s32 $0xFFFFD800  }
0xd8: {  	[spmem:s3] =	stream.indirect.scatter.add.f32 [tilespmem:s30], [sflag:$0x4], $0x80, s18, s28, $0xb8;
	[tilespmem:$0x1D800] =	vst v63  }
0xd9: {  	_ =	swait.ge [sflag:s25], $0x2800  }
0xda: {  	[sflag:s25] =	ssyncset.done $0x0  }
0xdb: {  	s18 =	sadd.s32 $0x200, s17;
	[sflag:s25] =	ssyncadd.s32 $0xFFFFD800  }
0xdc: {  	[tilespmem:s30], [sflag:$0x2] =	stream.indirect.gather [hbm4b:s1+s28], $0x80, s18, s28, $0xb8;
	[tilespmem:$0x1D800] =	vst v63  }
0xdd: {  	_ =	swait.ge [sflag:s7], $0x2800  }
0xde: {  	[sflag:s7] =	ssyncset.done $0x0  }
.Ltmp1:
0xdf: {  	s18 =	sadd.s32 $0x1100, s17;
	[sflag:s7] =	ssyncadd.s32 $0xFFFFD800;
	(pc) =	sbr.rel @p0 .LBB2_4-.Ltmp1, $4  }
0xe0: {  	[spmem:s3] =	stream.indirect.scatter.add.f32 [tilespmem:s0], [sflag:$0x4], $0x80, s18, s28, $0xb8;
	[tilespmem:$0x1D800] =	vst v63  }
0xe1: {  	_ =	swait.ge [sflag:s25], $0x2800  }
0xe2: {  	[sflag:s25] =	ssyncset.done $0x0  }
0xe3: {  	s17 =	sadd.s32 $0x280, s17;
	[sflag:s25] =	ssyncadd.s32 $0xFFFFD800  }
0xe4: {  	[tilespmem:s0], [sflag:$0x3] =	stream.indirect.gather [hbm4b:s1+s28], $0x80, s17, s28, $0xb8;
	[tilespmem:$0x1D800] =	vst v63  }
0xe5: {  	_ =	swait.ge [sflag:s2], $0x2800  }
0xe6: {  	[sflag:s2] =	ssyncset.done $0x0  }
0xe7: {  	[sflag:s2] =	ssyncadd.s32 $0xFFFFD800  }
0xe8: {  	[spmem:s3] =	stream.indirect.scatter.add.f32 [tilespmem:s24], [sflag:$0x4], $0x80, s8, s28, $0xb8;
	[tilespmem:$0x1D800] =	vst v63  }
0xe9: {  	_ =	swait.ge [sflag:s25], $0x2800  }
0xea: {  	[sflag:s25] =	ssyncset.done $0x0  }
0xeb: {  	[sflag:s25] =	ssyncadd.s32 $0xFFFFD800  }
0xec: {  	[tilespmem:s24], [sflag:$0x1] =	stream.indirect.gather [hbm4b:s1+s28], $0x80, s9, s28, $0xb8;
	[tilespmem:$0x1D800] =	vst v63  }
0xed: {  	_ =	swait.ge [sflag:s4], $0x2800  }
0xee: {  	[sflag:s4] =	ssyncset.done $0x0  }
0xef: {  	[sflag:s4] =	ssyncadd.s32 $0xFFFFD800  }
0xf0: {  	[spmem:s3] =	stream.indirect.scatter.add.f32 [tilespmem:s30], [sflag:$0x4], $0x80, s10, s28, $0xb8;
	[tilespmem:$0x1D800] =	vst v63  }
0xf1: {  	_ =	swait.ge [sflag:s25], $0x2800  }
0xf2: {  	[sflag:s25] =	ssyncset.done $0x0  }
0xf3: {  	[sflag:s25] =	ssyncadd.s32 $0xFFFFD800  }
0xf4: {  	[tilespmem:s30], [sflag:$0x2] =	stream.indirect.gather [hbm4b:s1+s28], $0x80, s11, s28, $0xb8;
	[tilespmem:$0x1D800] =	vst v63  }
0xf5: {  	_ =	swait.ge [sflag:s7], $0x2800  }
0xf6: {  	[sflag:s7] =	ssyncset.done $0x0  }
0xf7: {  	[sflag:s7] =	ssyncadd.s32 $0xFFFFD800  }
0xf8: {  	[spmem:s3] =	stream.indirect.scatter.add.f32 [tilespmem:s0], [sflag:$0x4], $0x80, s12, s28, $0xb8;
	[tilespmem:$0x1D800] =	vst v63  }
0xf9: {  	_ =	swait.ge [sflag:s25], $0x2800  }
0xfa: {  	[sflag:s25] =	ssyncset.done $0x0  }
0xfb: {  	[sflag:s25] =	ssyncadd.s32 $0xFFFFD800  }
0xfc: {  	_ =	swait.ge [sflag:s2], $0x2800  }
0xfd: {  	[sflag:s2] =	ssyncset.done $0x0  }
0xfe: {  	[sflag:s2] =	ssyncadd.s32 $0xFFFFD800  }
0xff: {  	[spmem:s3] =	stream.indirect.scatter.add.f32 [tilespmem:s24], [sflag:$0x4], $0x80, s13, s28, $0xb8;
	[tilespmem:$0x1D800] =	vst v63  }
0x100: {  	_ =	swait.ge [sflag:s25], $0x2800  }
0x101: {  	[sflag:s25] =	ssyncset.done $0x0  }
0x102: {  	[sflag:s25] =	ssyncadd.s32 $0xFFFFD800  }
0x103: {  	_ =	swait.ge [sflag:s4], $0x2800  }
0x104: {  	[sflag:s4] =	ssyncset.done $0x0  }
0x105: {  	[sflag:s4] =	ssyncadd.s32 $0xFFFFD800  }
0x106: {  	[spmem:s3] =	stream.indirect.scatter.add.f32 [tilespmem:s30], [sflag:$0x4], $0x80, s14, s28, $0xb8;
	[tilespmem:$0x1D800] =	vst v63  }
0x107: {  	_ =	swait.ge [sflag:s25], $0x2800  }
0x108: {  	[sflag:s25] =	ssyncset.done $0x0  }
0x109: {  	s16 =	simm.s32 $0x0;
	s18 =	rddreg [dreg:$0x11];
	[sflag:s25] =	ssyncadd.s32 $0xFFFFD800  }
0x10a: {  	[tilespmem:s16], [sflag:$0x4] =	stream.linear.gather [hbm4b:s18+s16], $0x1000, $0x38;
	[tilespmem:$0x1D800] =	vst v63  }
0x10b: {  	_ =	swait.ge [sflag:s25], $0x1000  }
0x10c: {  	[sflag:s25] =	ssyncset.done $0x0  }
0x10d: {  	[sflag:s25] =	ssyncadd.s32 $0xFFFFF000  }
0x10e: {  	[tilespmem:s26], [sflag:$0x4] =	stream.linear.gather [hbm4b:s19+s16], $0x1000, $0x38;
	[tilespmem:$0x1D800] =	vst v63  }
0x10f: {  	_ =	swait.ge [sflag:s25], $0x1000  }
0x110: {  	[sflag:s25] =	ssyncset.done $0x0  }
0x111: {  	[sflag:s25] =	ssyncadd.s32 $0xFFFFF000  }
0x112: {  	[tilespmem:s24], [sflag:$0x1] =	stream.indirect.gather [hbm4b:s1+s28], $0x80, s16, s28, $0xb8;
	[tilespmem:$0x1D800] =	vst v63  }
0x113: {  	_ = 	snop  }
0x114: {  	[tilespmem:s30], [sflag:$0x2] =	stream.indirect.gather [hbm4b:s1+s28], $0x80, s29, s28, $0xb8;
	[tilespmem:$0x1D800] =	vst v63  }
0x115: {  	_ = 	snop  }
0x116: {  	[tilespmem:s0], [sflag:$0x3] =	stream.indirect.gather [hbm4b:s1+s28], $0x80, s31, s28, $0xb8;
	[tilespmem:$0x1D800] =	vst v63  }
0x117: {  	_ =	swait.ge [sflag:s2], $0x2800  }
0x118: {  	[sflag:s2] =	ssyncset.done $0x0  }
0x119: {  	s18 =	simm.s32 $0x1000;
	[sflag:s2] =	ssyncadd.s32 $0xFFFFD800  }
0x11a: {  	[spmem:s3] =	stream.indirect.scatter.add.f32 [tilespmem:s24], [sflag:$0x4], $0x80, s18, s28, $0xb8;
	[tilespmem:$0x1D800] =	vst v63  }
0x11b: {  	_ =	swait.ge [sflag:s25], $0x2800  }
0x11c: {  	[sflag:s25] =	ssyncset.done $0x0  }
0x11d: {  	s17 =	simm.s32 $0x180;
	[sflag:s25] =	ssyncadd.s32 $0xFFFFD800  }
0x11e: {  	[tilespmem:s24], [sflag:$0x1] =	stream.indirect.gather [hbm4b:s1+s28], $0x80, s17, s28, $0xb8;
	[tilespmem:$0x1D800] =	vst v63  }
0x11f: {  	_ =	swait.ge [sflag:s4], $0x2800  }
0x120: {  	[sflag:s4] =	ssyncset.done $0x0  }
0x121: {  	s18 =	simm.s32 $0x1080;
	[sflag:s4] =	ssyncadd.s32 $0xFFFFD800  }
0x122: {  	[spmem:s3] =	stream.indirect.scatter.add.f32 [tilespmem:s30], [sflag:$0x4], $0x80, s18, s28, $0xb8;
	[tilespmem:$0x1D800] =	vst v63  }
0x123: {  	_ =	swait.ge [sflag:s25], $0x2800  }
0x124: {  	[sflag:s25] =	ssyncset.done $0x0  }
0x125: {  	s17 =	simm.s32 $0x200;
	[sflag:s25] =	ssyncadd.s32 $0xFFFFD800  }
0x126: {  	[tilespmem:s30], [sflag:$0x2] =	stream.indirect.gather [hbm4b:s1+s28], $0x80, s17, s28, $0xb8;
	[tilespmem:$0x1D800] =	vst v63  }
0x127: {  	_ =	swait.ge [sflag:s7], $0x2800  }
0x128: {  	[sflag:s7] =	ssyncset.done $0x0  }
0x129: {  	s18 =	simm.s32 $0x1100;
	[sflag:s7] =	ssyncadd.s32 $0xFFFFD800  }
0x12a: {  	[spmem:s3] =	stream.indirect.scatter.add.f32 [tilespmem:s0], [sflag:$0x4], $0x80, s18, s28, $0xb8;
	[tilespmem:$0x1D800] =	vst v63  }
0x12b: {  	_ =	swait.ge [sflag:s25], $0x2800  }
0x12c: {  	[sflag:s25] =	ssyncset.done $0x0  }
0x12d: {  	s16 =	simm.s32 $0x600;
	s17 =	simm.s32 $0x280;
	[sflag:s25] =	ssyncadd.s32 $0xFFFFD800  }
.LBB2_6:
0x12e: {  	[tilespmem:s0], [sflag:$0x3] =	stream.indirect.gather [hbm4b:s1+s28], $0x80, s17, s28, $0xb8;
	[tilespmem:$0x1D800] =	vst v63  }
0x12f: {  	s17 =	smov.u32 s16  }
0x130: {  	p0 =	sne.s32 s16, $0x3000;
	s16 =	sadd.s32 $0x600, s16;
	_ =	swait.ge [sflag:s2], $0x2800  }
0x131: {  	s17 =	sshra.s32 s17, $0x2;
	[sflag:s2] =	ssyncset.done $0x0  }
0x132: {  	s18 =	sadd.s32 $0x1000, s17;
	[sflag:s2] =	ssyncadd.s32 $0xFFFFD800  }
0x133: {  	[spmem:s3] =	stream.indirect.scatter.add.f32 [tilespmem:s24], [sflag:$0x4], $0x80, s18, s28, $0xb8;
	[tilespmem:$0x1D800] =	vst v63  }
0x134: {  	_ =	swait.ge [sflag:s25], $0x2800  }
0x135: {  	[sflag:s25] =	ssyncset.done $0x0  }
0x136: {  	s18 =	sadd.s32 $0x180, s17;
	[sflag:s25] =	ssyncadd.s32 $0xFFFFD800  }
0x137: {  	[tilespmem:s24], [sflag:$0x1] =	stream.indirect.gather [hbm4b:s1+s28], $0x80, s18, s28, $0xb8;
	[tilespmem:$0x1D800] =	vst v63  }
0x138: {  	_ =	swait.ge [sflag:s4], $0x2800  }
0x139: {  	[sflag:s4] =	ssyncset.done $0x0  }
0x13a: {  	s18 =	sadd.s32 $0x1080, s17;
	[sflag:s4] =	ssyncadd.s32 $0xFFFFD800  }
0x13b: {  	[spmem:s3] =	stream.indirect.scatter.add.f32 [tilespmem:s30], [sflag:$0x4], $0x80, s18, s28, $0xb8;
	[tilespmem:$0x1D800] =	vst v63  }
0x13c: {  	_ =	swait.ge [sflag:s25], $0x2800  }
0x13d: {  	[sflag:s25] =	ssyncset.done $0x0  }
0x13e: {  	s18 =	sadd.s32 $0x200, s17;
	[sflag:s25] =	ssyncadd.s32 $0xFFFFD800  }
0x13f: {  	[tilespmem:s30], [sflag:$0x2] =	stream.indirect.gather [hbm4b:s1+s28], $0x80, s18, s28, $0xb8;
	[tilespmem:$0x1D800] =	vst v63  }
0x140: {  	_ =	swait.ge [sflag:s7], $0x2800  }
0x141: {  	[sflag:s7] =	ssyncset.done $0x0  }
.Ltmp2:
0x142: {  	s18 =	sadd.s32 $0x1100, s17;
	[sflag:s7] =	ssyncadd.s32 $0xFFFFD800;
	(pc) =	sbr.rel @p0 .LBB2_6-.Ltmp2, $4  }
0x143: {  	[spmem:s3] =	stream.indirect.scatter.add.f32 [tilespmem:s0], [sflag:$0x4], $0x80, s18, s28, $0xb8;
	[tilespmem:$0x1D800] =	vst v63  }
0x144: {  	_ =	swait.ge [sflag:s25], $0x2800  }
0x145: {  	[sflag:s25] =	ssyncset.done $0x0  }
0x146: {  	s17 =	sadd.s32 $0x280, s17;
	[sflag:s25] =	ssyncadd.s32 $0xFFFFD800  }
0x147: {  	[tilespmem:s0], [sflag:$0x3] =	stream.indirect.gather [hbm4b:s1+s28], $0x80, s17, s28, $0xb8;
	[tilespmem:$0x1D800] =	vst v63  }
0x148: {  	_ =	swait.ge [sflag:s2], $0x2800  }
0x149: {  	[sflag:s2] =	ssyncset.done $0x0  }
0x14a: {  	[sflag:s2] =	ssyncadd.s32 $0xFFFFD800  }
0x14b: {  	[spmem:s3] =	stream.indirect.scatter.add.f32 [tilespmem:s24], [sflag:$0x4], $0x80, s8, s28, $0xb8;
	[tilespmem:$0x1D800] =	vst v63  }
0x14c: {  	_ =	swait.ge [sflag:s25], $0x2800  }
0x14d: {  	[sflag:s25] =	ssyncset.done $0x0  }
0x14e: {  	[sflag:s25] =	ssyncadd.s32 $0xFFFFD800  }
0x14f: {  	[tilespmem:s24], [sflag:$0x1] =	stream.indirect.gather [hbm4b:s1+s28], $0x80, s9, s28, $0xb8;
	[tilespmem:$0x1D800] =	vst v63  }
0x150: {  	_ =	swait.ge [sflag:s4], $0x2800  }
0x151: {  	[sflag:s4] =	ssyncset.done $0x0  }
0x152: {  	[sflag:s4] =	ssyncadd.s32 $0xFFFFD800  }
0x153: {  	[spmem:s3] =	stream.indirect.scatter.add.f32 [tilespmem:s30], [sflag:$0x4], $0x80, s10, s28, $0xb8;
	[tilespmem:$0x1D800] =	vst v63  }
0x154: {  	_ =	swait.ge [sflag:s25], $0x2800  }
0x155: {  	[sflag:s25] =	ssyncset.done $0x0  }
0x156: {  	[sflag:s25] =	ssyncadd.s32 $0xFFFFD800  }
0x157: {  	[tilespmem:s30], [sflag:$0x2] =	stream.indirect.gather [hbm4b:s1+s28], $0x80, s11, s28, $0xb8;
	[tilespmem:$0x1D800] =	vst v63  }
0x158: {  	_ =	swait.ge [sflag:s7], $0x2800  }
0x159: {  	[sflag:s7] =	ssyncset.done $0x0  }
0x15a: {  	[sflag:s7] =	ssyncadd.s32 $0xFFFFD800  }
0x15b: {  	[spmem:s3] =	stream.indirect.scatter.add.f32 [tilespmem:s0], [sflag:$0x4], $0x80, s12, s28, $0xb8;
	[tilespmem:$0x1D800] =	vst v63  }
0x15c: {  	_ =	swait.ge [sflag:s25], $0x2800  }
0x15d: {  	[sflag:s25] =	ssyncset.done $0x0  }
0x15e: {  	[sflag:s25] =	ssyncadd.s32 $0xFFFFD800  }
0x15f: {  	_ =	swait.ge [sflag:s2], $0x2800  }
0x160: {  	[sflag:s2] =	ssyncset.done $0x0  }
0x161: {  	[sflag:s2] =	ssyncadd.s32 $0xFFFFD800  }
0x162: {  	[spmem:s3] =	stream.indirect.scatter.add.f32 [tilespmem:s24], [sflag:$0x4], $0x80, s13, s28, $0xb8;
	[tilespmem:$0x1D800] =	vst v63  }
0x163: {  	_ =	swait.ge [sflag:s25], $0x2800  }
0x164: {  	[sflag:s25] =	ssyncset.done $0x0  }
0x165: {  	[sflag:s25] =	ssyncadd.s32 $0xFFFFD800  }
0x166: {  	_ =	swait.ge [sflag:s4], $0x2800  }
0x167: {  	[sflag:s4] =	ssyncset.done $0x0  }
0x168: {  	[sflag:s4] =	ssyncadd.s32 $0xFFFFD800  }
0x169: {  	[spmem:s3] =	stream.indirect.scatter.add.f32 [tilespmem:s30], [sflag:$0x4], $0x80, s14, s28, $0xb8;
	[tilespmem:$0x1D800] =	vst v63  }
0x16a: {  	_ =	swait.ge [sflag:s25], $0x2800  }
0x16b: {  	[sflag:s25] =	ssyncset.done $0x0  }
0x16c: {  	s16 =	simm.s32 $0x0;
	[sflag:s25] =	ssyncadd.s32 $0xFFFFD800  }
0x16d: {  	[tilespmem:s16], [sflag:$0x4] =	stream.linear.gather [hbm4b:s20+s16], $0x1000, $0x38;
	[tilespmem:$0x1D800] =	vst v63  }
0x16e: {  	_ =	swait.ge [sflag:s25], $0x1000  }
0x16f: {  	[sflag:s25] =	ssyncset.done $0x0  }
0x170: {  	[sflag:s25] =	ssyncadd.s32 $0xFFFFF000  }
0x171: {  	[tilespmem:s26], [sflag:$0x4] =	stream.linear.gather [hbm4b:s21+s16], $0x1000, $0x38;
	[tilespmem:$0x1D800] =	vst v63  }
0x172: {  	_ =	swait.ge [sflag:s25], $0x1000  }
0x173: {  	[sflag:s25] =	ssyncset.done $0x0  }
0x174: {  	[sflag:s25] =	ssyncadd.s32 $0xFFFFF000  }
0x175: {  	[tilespmem:s24], [sflag:$0x1] =	stream.indirect.gather [hbm4b:s1+s28], $0x80, s16, s28, $0xb8;
	[tilespmem:$0x1D800] =	vst v63  }
0x176: {  	_ = 	snop  }
0x177: {  	[tilespmem:s30], [sflag:$0x2] =	stream.indirect.gather [hbm4b:s1+s28], $0x80, s29, s28, $0xb8;
	[tilespmem:$0x1D800] =	vst v63  }
0x178: {  	_ = 	snop  }
0x179: {  	[tilespmem:s0], [sflag:$0x3] =	stream.indirect.gather [hbm4b:s1+s28], $0x80, s31, s28, $0xb8;
	[tilespmem:$0x1D800] =	vst v63  }
0x17a: {  	_ =	swait.ge [sflag:s2], $0x2800  }
0x17b: {  	[sflag:s2] =	ssyncset.done $0x0  }
0x17c: {  	s18 =	simm.s32 $0x1000;
	[sflag:s2] =	ssyncadd.s32 $0xFFFFD800  }
0x17d: {  	[spmem:s3] =	stream.indirect.scatter.add.f32 [tilespmem:s24], [sflag:$0x4], $0x80, s18, s28, $0xb8;
	[tilespmem:$0x1D800] =	vst v63  }
0x17e: {  	_ =	swait.ge [sflag:s25], $0x2800  }
0x17f: {  	[sflag:s25] =	ssyncset.done $0x0  }
0x180: {  	s17 =	simm.s32 $0x180;
	[sflag:s25] =	ssyncadd.s32 $0xFFFFD800  }
0x181: {  	[tilespmem:s24], [sflag:$0x1] =	stream.indirect.gather [hbm4b:s1+s28], $0x80, s17, s28, $0xb8;
	[tilespmem:$0x1D800] =	vst v63  }
0x182: {  	_ =	swait.ge [sflag:s4], $0x2800  }
0x183: {  	[sflag:s4] =	ssyncset.done $0x0  }
0x184: {  	s18 =	simm.s32 $0x1080;
	[sflag:s4] =	ssyncadd.s32 $0xFFFFD800  }
0x185: {  	[spmem:s3] =	stream.indirect.scatter.add.f32 [tilespmem:s30], [sflag:$0x4], $0x80, s18, s28, $0xb8;
	[tilespmem:$0x1D800] =	vst v63  }
0x186: {  	_ =	swait.ge [sflag:s25], $0x2800  }
0x187: {  	[sflag:s25] =	ssyncset.done $0x0  }
0x188: {  	s17 =	simm.s32 $0x200;
	[sflag:s25] =	ssyncadd.s32 $0xFFFFD800  }
0x189: {  	[tilespmem:s30], [sflag:$0x2] =	stream.indirect.gather [hbm4b:s1+s28], $0x80, s17, s28, $0xb8;
	[tilespmem:$0x1D800] =	vst v63  }
0x18a: {  	_ =	swait.ge [sflag:s7], $0x2800  }
0x18b: {  	[sflag:s7] =	ssyncset.done $0x0  }
0x18c: {  	s18 =	simm.s32 $0x1100;
	[sflag:s7] =	ssyncadd.s32 $0xFFFFD800  }
0x18d: {  	[spmem:s3] =	stream.indirect.scatter.add.f32 [tilespmem:s0], [sflag:$0x4], $0x80, s18, s28, $0xb8;
	[tilespmem:$0x1D800] =	vst v63  }
0x18e: {  	_ =	swait.ge [sflag:s25], $0x2800  }
0x18f: {  	[sflag:s25] =	ssyncset.done $0x0  }
0x190: {  	s16 =	simm.s32 $0x600;
	s17 =	simm.s32 $0x280;
	[sflag:s25] =	ssyncadd.s32 $0xFFFFD800  }
.LBB2_8:
0x191: {  	[tilespmem:s0], [sflag:$0x3] =	stream.indirect.gather [hbm4b:s1+s28], $0x80, s17, s28, $0xb8;
	[tilespmem:$0x1D800] =	vst v63  }
0x192: {  	s17 =	smov.u32 s16  }
0x193: {  	p0 =	sne.s32 s16, $0x3000;
	s16 =	sadd.s32 $0x600, s16;
	_ =	swait.ge [sflag:s2], $0x2800  }
0x194: {  	s17 =	sshra.s32 s17, $0x2;
	[sflag:s2] =	ssyncset.done $0x0  }
0x195: {  	s18 =	sadd.s32 $0x1000, s17;
	[sflag:s2] =	ssyncadd.s32 $0xFFFFD800  }
0x196: {  	[spmem:s3] =	stream.indirect.scatter.add.f32 [tilespmem:s24], [sflag:$0x4], $0x80, s18, s28, $0xb8;
	[tilespmem:$0x1D800] =	vst v63  }
0x197: {  	_ =	swait.ge [sflag:s25], $0x2800  }
0x198: {  	[sflag:s25] =	ssyncset.done $0x0  }
0x199: {  	s18 =	sadd.s32 $0x180, s17;
	[sflag:s25] =	ssyncadd.s32 $0xFFFFD800  }
0x19a: {  	[tilespmem:s24], [sflag:$0x1] =	stream.indirect.gather [hbm4b:s1+s28], $0x80, s18, s28, $0xb8;
	[tilespmem:$0x1D800] =	vst v63  }
0x19b: {  	_ =	swait.ge [sflag:s4], $0x2800  }
0x19c: {  	[sflag:s4] =	ssyncset.done $0x0  }
0x19d: {  	s18 =	sadd.s32 $0x1080, s17;
	[sflag:s4] =	ssyncadd.s32 $0xFFFFD800  }
0x19e: {  	[spmem:s3] =	stream.indirect.scatter.add.f32 [tilespmem:s30], [sflag:$0x4], $0x80, s18, s28, $0xb8;
	[tilespmem:$0x1D800] =	vst v63  }
0x19f: {  	_ =	swait.ge [sflag:s25], $0x2800  }
0x1a0: {  	[sflag:s25] =	ssyncset.done $0x0  }
0x1a1: {  	s18 =	sadd.s32 $0x200, s17;
	[sflag:s25] =	ssyncadd.s32 $0xFFFFD800  }
0x1a2: {  	[tilespmem:s30], [sflag:$0x2] =	stream.indirect.gather [hbm4b:s1+s28], $0x80, s18, s28, $0xb8;
	[tilespmem:$0x1D800] =	vst v63  }
0x1a3: {  	_ =	swait.ge [sflag:s7], $0x2800  }
0x1a4: {  	[sflag:s7] =	ssyncset.done $0x0  }
.Ltmp3:
0x1a5: {  	s18 =	sadd.s32 $0x1100, s17;
	[sflag:s7] =	ssyncadd.s32 $0xFFFFD800;
	(pc) =	sbr.rel @p0 .LBB2_8-.Ltmp3, $4  }
0x1a6: {  	[spmem:s3] =	stream.indirect.scatter.add.f32 [tilespmem:s0], [sflag:$0x4], $0x80, s18, s28, $0xb8;
	[tilespmem:$0x1D800] =	vst v63  }
0x1a7: {  	_ =	swait.ge [sflag:s25], $0x2800  }
0x1a8: {  	[sflag:s25] =	ssyncset.done $0x0  }
0x1a9: {  	s17 =	sadd.s32 $0x280, s17;
	[sflag:s25] =	ssyncadd.s32 $0xFFFFD800  }
0x1aa: {  	[tilespmem:s0], [sflag:$0x3] =	stream.indirect.gather [hbm4b:s1+s28], $0x80, s17, s28, $0xb8;
	[tilespmem:$0x1D800] =	vst v63  }
0x1ab: {  	_ =	swait.ge [sflag:s2], $0x2800  }
0x1ac: {  	[sflag:s2] =	ssyncset.done $0x0  }
0x1ad: {  	[sflag:s2] =	ssyncadd.s32 $0xFFFFD800  }
0x1ae: {  	[spmem:s3] =	stream.indirect.scatter.add.f32 [tilespmem:s24], [sflag:$0x4], $0x80, s8, s28, $0xb8;
	[tilespmem:$0x1D800] =	vst v63  }
0x1af: {  	_ =	swait.ge [sflag:s25], $0x2800  }
0x1b0: {  	[sflag:s25] =	ssyncset.done $0x0  }
0x1b1: {  	[sflag:s25] =	ssyncadd.s32 $0xFFFFD800  }
0x1b2: {  	[tilespmem:s24], [sflag:$0x1] =	stream.indirect.gather [hbm4b:s1+s28], $0x80, s9, s28, $0xb8;
	[tilespmem:$0x1D800] =	vst v63  }
0x1b3: {  	_ =	swait.ge [sflag:s4], $0x2800  }
0x1b4: {  	[sflag:s4] =	ssyncset.done $0x0  }
0x1b5: {  	[sflag:s4] =	ssyncadd.s32 $0xFFFFD800  }
0x1b6: {  	[spmem:s3] =	stream.indirect.scatter.add.f32 [tilespmem:s30], [sflag:$0x4], $0x80, s10, s28, $0xb8;
	[tilespmem:$0x1D800] =	vst v63  }
0x1b7: {  	_ =	swait.ge [sflag:s25], $0x2800  }
0x1b8: {  	[sflag:s25] =	ssyncset.done $0x0  }
0x1b9: {  	[sflag:s25] =	ssyncadd.s32 $0xFFFFD800  }
0x1ba: {  	[tilespmem:s30], [sflag:$0x2] =	stream.indirect.gather [hbm4b:s1+s28], $0x80, s11, s28, $0xb8;
	[tilespmem:$0x1D800] =	vst v63  }
0x1bb: {  	_ =	swait.ge [sflag:s7], $0x2800  }
0x1bc: {  	[sflag:s7] =	ssyncset.done $0x0  }
0x1bd: {  	[sflag:s7] =	ssyncadd.s32 $0xFFFFD800  }
0x1be: {  	[spmem:s3] =	stream.indirect.scatter.add.f32 [tilespmem:s0], [sflag:$0x4], $0x80, s12, s28, $0xb8;
	[tilespmem:$0x1D800] =	vst v63  }
0x1bf: {  	_ =	swait.ge [sflag:s25], $0x2800  }
0x1c0: {  	[sflag:s25] =	ssyncset.done $0x0  }
0x1c1: {  	[sflag:s25] =	ssyncadd.s32 $0xFFFFD800  }
0x1c2: {  	_ =	swait.ge [sflag:s2], $0x2800  }
0x1c3: {  	[sflag:s2] =	ssyncset.done $0x0  }
0x1c4: {  	[sflag:s2] =	ssyncadd.s32 $0xFFFFD800  }
0x1c5: {  	[spmem:s3] =	stream.indirect.scatter.add.f32 [tilespmem:s24], [sflag:$0x4], $0x80, s13, s28, $0xb8;
	[tilespmem:$0x1D800] =	vst v63  }
0x1c6: {  	_ =	swait.ge [sflag:s25], $0x2800  }
0x1c7: {  	[sflag:s25] =	ssyncset.done $0x0  }
0x1c8: {  	[sflag:s25] =	ssyncadd.s32 $0xFFFFD800  }
0x1c9: {  	_ =	swait.ge [sflag:s4], $0x2800  }
0x1ca: {  	[sflag:s4] =	ssyncset.done $0x0  }
0x1cb: {  	[sflag:s4] =	ssyncadd.s32 $0xFFFFD800  }
0x1cc: {  	[spmem:s3] =	stream.indirect.scatter.add.f32 [tilespmem:s30], [sflag:$0x4], $0x80, s14, s28, $0xb8;
	[tilespmem:$0x1D800] =	vst v63  }
0x1cd: {  	s16 =	stileid.u32;
	_ =	swait.ge [sflag:s25], $0x2800  }
0x1ce: {  	s18 =	sshrl.u32 s6, $0x3;
	s15 =	sadd.s32 $0x1, s15;
	[sflag:s25] =	ssyncset.done $0x0  }
0x1cf: {  	s16 =	sshll.u32 s16, $0x6;
	p0 =	sne.s32 s15, s23;
	[sflag:s25] =	ssyncadd.s32 $0xFFFFD800  }
.Ltmp4:
0x1d0: {  	s16 =	sor.u32 $0x1C04, s16;
	[bflag:$0x0] =	sbarrier.arrive $0xFFFF;
	(pc) =	sbr.rel @p0 .LBB2_1-.Ltmp4, $4  }
0x1d1: {  	[hbm:s22], [sflag:s16] =	dma.local [spmem:s18], $0x2800  }
0x1d2: {  	_ =	swait.ge [sflag:s25], $0x2800  }
0x1d3: {  	[sflag:s25] =	ssyncset.done $0x0  }
0x1d4: {  	[sflag:s25] =	ssyncadd.s32 $0xFFFFD800  }
0x1d5: {  	_ =	sfence.sel $0x180000  }
0x1d6: {  	[bflag:$0x0] =	sbarrier.arrive $0xFFFF  }
0x1d7: {  	_ =	strace $0x90000047  }
0x1d8: {  	s0 =	stileid.u32;
	[bflag:$0x2] =	sbarrier.arrive $0xFFFF  }
0x1d9: {  	p0 =	sne.s32 s0, $0x0;
	s0 =	rddreg [dreg:$0x5]  }
0x1da: {  	s0 =	sadd.s32 @!p0 $0x100000, s0  }
0x1db: {  	[sflag:s0] =	ssyncadd.tile.s32 @!p0 $0x1;
	_ =	shalt  }
.Lfunc_end2:
_tile_overlayer_lowered:
.L_overlay_start_2:
0x1dc: {  	(tag) =	ssettag $0x2  }
0x1dd: {  	s0 =	rddreg [dreg:$0x0];
	s2 =	stileid.u32  }
0x1de: {  	s1 =	rddreg [dreg:$0x1];
	p0 =	sne.s32 s2, $0x0  }
0x1df: {  	s3 =	rddreg [dreg:$0x2];
	[bflag:$0x3] =	sbarrier.arrive $0xFFFF;
	s2 =	simm.s32 @!p0 $0x1C04  }
0x1e0: {  	[timem:s3], [sflag:s2] =	dma.local @!p0 [hbm:s0], s1  }
0x1e1: {  	s0 =	simm.s32 @!p0 $0x4  }
0x1e2: {  	_ =	swait.ge @!p0 [sflag:s0], s1  }
0x1e3: {  	s1 =	ssub.s32 @!p0 $0x0, s1;
	[sflag:s0] =	ssyncset.done @!p0 $0x0  }
0x1e4: {  	[sflag:s0] =	ssyncadd.s32 @!p0 s1  }
0x1e5: {  	[bflag:$0x3] =	sbarrier.arrive $0xFFFF  }
0x1e6: {  	_ =	shalt  }

</sc_bundles>
